<compile_context>
chip_gen: v7x
topology: tpu7x:2x2x1
jax: 0.10.2.dev20260603
libtpu: 0.0.44.dev20260713+nightly
codegen_flags: <defaults>
</compile_context>

<pallas_src>
import functools

import jax
import jax.numpy as jnp
from jax import lax
from jax.experimental import pallas as pl
from jax.experimental.pallas import tpu as pltpu
from jax.experimental.pallas import tpu_sc as plsc

N_USERS = 8192
N_ITEMS = 2048
EMBED = 64
TOPK = 10
NNZ = 2 * TOPK
LAMBDA = 0.9
N_TOTAL = N_USERS + N_ITEMS

PB = 256
N_P1 = N_TOTAL // PB
KNN_R = 64
KNN_STEPS = N_ITEMS // KNN_R
HB = 256
H_STEPS = N_ITEMS // HB
UIB = 512
N_UI_BLOCKS = N_TOTAL // UIB

SC_NC = 2
SC_NS = 16
SC_LANES = 16
SC_NW = SC_NC * SC_NS
SC_ROWS = N_ITEMS // SC_NW


def _feats_body(img_ref, wi_ref, bi_ref, txt_ref, wt_ref, bt_ref,
                xi_ref, xt_ref):
    fi = jnp.dot(img_ref[...], wi_ref[...],
                 preferred_element_type=jnp.float32) + bi_ref[...]
    ni = jnp.sqrt(jnp.sum(fi * fi, axis=1, keepdims=True))
    xi_ref[...] = fi / ni
    ft = jnp.dot(txt_ref[...], wt_ref[...],
                 preferred_element_type=jnp.float32) + bt_ref[...]
    nt = jnp.sqrt(jnp.sum(ft * ft, axis=1, keepdims=True))
    xt_ref[...] = ft / nt


def _topk_collect(sim, w, iota):
    BIG = jnp.float32(3.0e4)
    rows = sim.shape[0]
    vals, inds = [], []
    rowsum = jnp.zeros((rows, 1), jnp.float32)
    for _ in range(TOPK):
        m = jnp.max(sim, axis=1, keepdims=True)
        eq = sim == m
        idx = jnp.min(jnp.where(eq, iota, BIG), axis=1, keepdims=True)
        sel = iota == idx
        vals.append(w * m)
        inds.append(idx)
        rowsum = rowsum + w * m
        sim = jnp.where(sel, -jnp.inf, sim)
    ii = jnp.minimum(jnp.concatenate(inds, axis=1),
                     jnp.float32(N_ITEMS - 1)).astype(jnp.int32)
    return jnp.concatenate(vals, axis=1), ii, rowsum


def _p1_body(w_ref, adj_ref, ego_ref, xi_ref, xit_ref, xt_ref, xtt_ref,
             oi_ref, ot_ref, ie_ref,
             e1_ref, ix_ref, hd_ref, emd_ref, cvs_ref, rs_s, cv_s):
    pid = pl.program_id(0)
    e1_ref[...] = jnp.dot(adj_ref[...], ego_ref[...],
                          preferred_element_type=jnp.float32)

    @pl.when(pid < KNN_STEPS)
    def _():
        rows = pl.ds(pid * KNN_R, KNN_R)
        iota = jax.lax.broadcasted_iota(
            jnp.int32, (KNN_R, N_ITEMS), 1).astype(jnp.float32)
        sim_i = jnp.dot(xi_ref[rows, :], xit_ref[...],
                        preferred_element_type=jnp.float32)
        v0, i0, rs0 = _topk_collect(sim_i, w_ref[0], iota)
        sim_t = jnp.dot(xt_ref[rows, :], xtt_ref[...],
                        preferred_element_type=jnp.float32)
        v1, i1, rs1 = _topk_collect(sim_t, w_ref[1], iota)
        ix_ref[...] = jnp.concatenate([i0, i1], axis=1)
        cv_s[rows, :] = jnp.concatenate([v0, v1], axis=1)
        rs_s[rows, :] = rs0 + rs1

    @pl.when(pid >= KNN_STEPS)
    def _():
        hrows = pl.ds((pid - KNN_STEPS) * HB, HB)
        rsq_blk = jax.lax.rsqrt(rs_s[hrows, :])
        d_blk = jnp.where(jnp.isinf(rsq_blk), 0.0, rsq_blk)
        emd_ref[...] = d_blk * ie_ref[hrows, :]
        cvs_ref[...] = (1.0 - LAMBDA) * d_blk * cv_s[hrows, :]
        orig = w_ref[0] * oi_ref[...] + w_ref[1] * ot_ref[...]
        hd_ref[...] = LAMBDA * jnp.dot(orig, ie_ref[...],
                                       preferred_element_type=jnp.float32)


def _sc_learned_body(emd_hbm, ix_hbm, cvs_hbm, out_hbm,
                     ix_v, cvs_v, buf_a, buf_b, out_v, sem_a, sem_b):
    wid = lax.axis_index("s") * SC_NC + lax.axis_index("c")
    base = wid * SC_ROWS
    pltpu.sync_copy(ix_hbm.at[pl.ds(base, SC_ROWS)], ix_v)
    pltpu.sync_copy(cvs_hbm.at[pl.ds(base, SC_ROWS)], cvs_v)

    zero16 = jax.lax.iota(jnp.int32, 16) * 0

    def accum(r, buf):
        for c in range(EMBED // SC_LANES):
            acc = jnp.zeros((SC_LANES,), jnp.float32)
            for k in range(NNZ):
                cvb = plsc.load_gather(cvs_v, [zero16 + r, zero16 + k])
                acc = acc + cvb * buf[k, pl.ds(c * SC_LANES, SC_LANES)]
            out_v[r, pl.ds(c * SC_LANES, SC_LANES)] = acc

    cp0 = pltpu.async_copy(emd_hbm.at[ix_v.at[0]], buf_a, sem_a)

    def body(i, _):
        r = 2 * i
        cpb = pltpu.async_copy(emd_hbm.at[ix_v.at[r + 1]], buf_b, sem_b)
        pltpu.make_async_copy(emd_hbm.at[ix_v.at[r]], buf_a, sem_a).wait()
        accum(r, buf_a)
        cpa = pltpu.async_copy(emd_hbm.at[ix_v.at[(r + 2) % SC_ROWS]],
                               buf_a, sem_a)
        pltpu.make_async_copy(emd_hbm.at[ix_v.at[r + 1]], buf_b, sem_b).wait()
        accum(r + 1, buf_b)
        return 0

    lax.fori_loop(0, SC_ROWS // 2, body, 0)
    pltpu.make_async_copy(emd_hbm.at[ix_v.at[0]], buf_a, sem_a).wait()
    pltpu.sync_copy(out_v, out_hbm.at[pl.ds(base, SC_ROWS)])


@functools.partial(jax.jit, static_argnums=())
def _sc_learned(emd, ix, cvs):
    return pl.kernel(
        _sc_learned_body,
        out_type=jax.ShapeDtypeStruct((N_ITEMS, EMBED), jnp.float32),
        mesh=plsc.VectorSubcoreMesh(core_axis_name="c", subcore_axis_name="s"),
        compiler_params=pltpu.CompilerParams(needs_layout_passes=False,
                                             use_tc_tiling_on_sc=False),
        scratch_types=[
            pltpu.VMEM((SC_ROWS, NNZ), jnp.int32),
            pltpu.VMEM((SC_ROWS, NNZ), jnp.float32),
            pltpu.VMEM((NNZ, EMBED), jnp.float32),
            pltpu.VMEM((NNZ, EMBED), jnp.float32),
            pltpu.VMEM((SC_ROWS, EMBED), jnp.float32),
            pltpu.SemaphoreType.DMA,
            pltpu.SemaphoreType.DMA,
        ],
    )(emd, ix, cvs)


def _prop2_body(adj_ref, ego_ref, e1_ref, ug_ref, ai_ref):
    pid = pl.program_id(0)
    rows = pl.ds(pid * UIB, UIB)
    e2 = jnp.dot(adj_ref[...], e1_ref[...], preferred_element_type=jnp.float32)
    acc = (ego_ref[rows, :] + e1_ref[rows, :] + e2) * (1.0 / 3.0)

    @pl.when(pid < N_USERS // UIB)
    def _():
        ug_ref[...] = acc

    @pl.when(pid >= N_USERS // UIB)
    def _():
        ai_ref[...] = acc


def _fin_body(ae_ref, hd_ref, g_ref, ig_ref):
    h = hd_ref[...] + g_ref[...]
    nrm = jnp.sqrt(jnp.sum(h * h, axis=1, keepdims=True))
    ig_ref[...] = ae_ref[...] + h / jnp.maximum(nrm, 1e-12)


def kernel(adj, user_emb, item_emb, image_emb, text_emb, W_img, b_img,
           W_txt, b_txt, modal_weight, image_original_adj, text_original_adj):
    w = jax.nn.softmax(modal_weight, axis=0)

    xn_img, xn_txt = pl.pallas_call(
        _feats_body,
        out_shape=(jax.ShapeDtypeStruct((N_ITEMS, EMBED), jnp.float32),
                   jax.ShapeDtypeStruct((N_ITEMS, EMBED), jnp.float32)),
    )(image_emb, W_img.astype(jnp.float32), b_img.reshape(1, EMBED),
      text_emb, W_txt.astype(jnp.float32), b_txt.reshape(1, EMBED))

    xn_img_t = xn_img.T
    xn_txt_t = xn_txt.T
    ego = jnp.concatenate([user_emb, item_emb], axis=0)

    def _h_map(i):
        return (jnp.minimum(jnp.maximum(i - KNN_STEPS, 0), H_STEPS - 1), 0)

    e1, idxs, h_dense, em_d, cvs = pl.pallas_call(
        _p1_body,
        grid=(N_P1,),
        in_specs=[
            pl.BlockSpec(memory_space=pltpu.SMEM),
            pl.BlockSpec((PB, N_TOTAL), lambda i: (i, 0)),
            pl.BlockSpec((N_TOTAL, EMBED), lambda i: (0, 0)),
            pl.BlockSpec((N_ITEMS, EMBED), lambda i: (0, 0)),
            pl.BlockSpec((EMBED, N_ITEMS), lambda i: (0, 0)),
            pl.BlockSpec((N_ITEMS, EMBED), lambda i: (0, 0)),
            pl.BlockSpec((EMBED, N_ITEMS), lambda i: (0, 0)),
            pl.BlockSpec((HB, N_ITEMS), _h_map),
            pl.BlockSpec((HB, N_ITEMS), _h_map),
            pl.BlockSpec((N_ITEMS, EMBED), lambda i: (0, 0)),
        ],
        out_specs=(
            pl.BlockSpec((PB, EMBED), lambda i: (i, 0)),
            pl.BlockSpec((KNN_R, NNZ),
                         lambda i: (jnp.minimum(i, KNN_STEPS - 1), 0)),
            pl.BlockSpec((HB, EMBED), _h_map),
            pl.BlockSpec((HB, EMBED), _h_map),
            pl.BlockSpec((HB, NNZ), _h_map),
        ),
        out_shape=(
            jax.ShapeDtypeStruct((N_TOTAL, EMBED), jnp.float32),
            jax.ShapeDtypeStruct((N_ITEMS, NNZ), jnp.int32),
            jax.ShapeDtypeStruct((N_ITEMS, EMBED), jnp.float32),
            jax.ShapeDtypeStruct((N_ITEMS, EMBED), jnp.float32),
            jax.ShapeDtypeStruct((N_ITEMS, NNZ), jnp.float32),
        ),
        scratch_shapes=[
            pltpu.VMEM((N_ITEMS, 1), jnp.float32),
            pltpu.VMEM((N_ITEMS, NNZ), jnp.float32),
        ],
    )(w, adj, ego, xn_img, xn_img_t, xn_txt, xn_txt_t,
      image_original_adj, text_original_adj, item_emb)

    g = _sc_learned(em_d, idxs, cvs)

    n_ub = N_USERS // UIB
    u_g, ae_items = pl.pallas_call(
        _prop2_body,
        grid=(N_UI_BLOCKS,),
        in_specs=[
            pl.BlockSpec((UIB, N_TOTAL), lambda i: (i, 0)),
            pl.BlockSpec((N_TOTAL, EMBED), lambda i: (0, 0)),
            pl.BlockSpec((N_TOTAL, EMBED), lambda i: (0, 0)),
        ],
        out_specs=(
            pl.BlockSpec((UIB, EMBED),
                         lambda i: (jnp.minimum(i, n_ub - 1), 0)),
            pl.BlockSpec((UIB, EMBED),
                         lambda i: (jnp.maximum(i - n_ub, 0), 0)),
        ),
        out_shape=(jax.ShapeDtypeStruct((N_USERS, EMBED), jnp.float32),
                   jax.ShapeDtypeStruct((N_ITEMS, EMBED), jnp.float32)),
    )(adj, ego, e1)

    i_g = pl.pallas_call(
        _fin_body,
        grid=(1,),
        in_specs=[
            pl.BlockSpec((N_ITEMS, EMBED), lambda i: (0, 0)),
            pl.BlockSpec((N_ITEMS, EMBED), lambda i: (0, 0)),
            pl.BlockSpec((N_ITEMS, EMBED), lambda i: (0, 0)),
        ],
        out_specs=pl.BlockSpec((N_ITEMS, EMBED), lambda i: (0, 0)),
        out_shape=jax.ShapeDtypeStruct((N_ITEMS, EMBED), jnp.float32),
    )(ae_items, h_dense, g)

    return u_g, i_g

# --- scband reference (transcript-rebuilt; emitter-appended) ---
"""Pipeline reference for scband-latticemodel-11982958756525 (READ-ONLY COPY).

The authoritative reference and input builder live on the scoring server;
editing this copy changes nothing except your own understanding.
"""

import jax, jax.numpy as jnp
import numpy as np

N_USERS = 8192
N_ITEMS = 2048
EMBED = 64
FEAT_V = 512
FEAT_T = 768
FEAT_EMB = 64
TOPK = 10
LAMBDA = 0.9
N_LAYERS = 1
N_UI_LAYERS = 2


def build_sim(x):
    xn = x / jnp.linalg.norm(x, axis=-1, keepdims=True)
    return xn @ xn.T


def build_knn_neighbourhood(adj, topk):
    vals, inds = jax.lax.top_k(adj, topk)
    rows = jnp.arange(adj.shape[0])[:, None]
    return jnp.zeros_like(adj).at[rows, inds].set(vals)


def compute_normalized_laplacian(adj):
    rowsum = jnp.sum(adj, axis=-1)
    d_inv_sqrt = jnp.power(rowsum, -0.5)
    d_inv_sqrt = jnp.where(jnp.isinf(d_inv_sqrt), 0.0, d_inv_sqrt)
    # D^{-1/2} A D^{-1/2} via broadcasting (same math as diagflat matmuls)
    return adj * d_inv_sqrt[:, None] * d_inv_sqrt[None, :]


def setup_inputs(seed: int = 0):
    key = jax.random.key(seed)
    ks = jax.random.split(key, 12)
    N = N_USERS + N_ITEMS
    # normalized user-item bipartite adjacency (dense stand-in for torch sparse)
    adj = jax.random.uniform(ks[0], (N, N), dtype=jnp.float32) * (1.0 / N)
    user_emb = jax.random.normal(ks[1], (N_USERS, EMBED), dtype=jnp.float32) * 0.1
    item_emb = jax.random.normal(ks[2], (N_ITEMS, EMBED), dtype=jnp.float32) * 0.1
    image_emb = jax.random.normal(ks[3], (N_ITEMS, FEAT_V), dtype=jnp.float32)
    text_emb = jax.random.normal(ks[4], (N_ITEMS, FEAT_T), dtype=jnp.float32)
    W_img = jax.random.normal(ks[5], (FEAT_V, FEAT_EMB), dtype=jnp.float32) * (1.0 / np.sqrt(FEAT_V))
    b_img = jnp.zeros((FEAT_EMB,), dtype=jnp.float32)
    W_txt = jax.random.normal(ks[6], (FEAT_T, FEAT_EMB), dtype=jnp.float32) * (1.0 / np.sqrt(FEAT_T))
    b_txt = jnp.zeros((FEAT_EMB,), dtype=jnp.float32)
    modal_weight = jnp.array([0.5, 0.5], dtype=jnp.float32)
    # frozen buffers built at __init__ from raw modal features
    image_original_adj = compute_normalized_laplacian(build_knn_neighbourhood(build_sim(image_emb), TOPK))
    text_original_adj = compute_normalized_laplacian(build_knn_neighbourhood(build_sim(text_emb), TOPK))
    return {
        'adj': adj,
        'user_emb': user_emb,
        'item_emb': item_emb,
        'image_emb': image_emb,
        'text_emb': text_emb,
        'W_img': W_img,
        'b_img': b_img,
        'W_txt': W_txt,
        'b_txt': b_txt,
        'modal_weight': modal_weight,
        'image_original_adj': image_original_adj,
        'text_original_adj': text_original_adj,
    }


def reference(adj, user_emb, item_emb, image_emb, text_emb, W_img, b_img, W_txt, b_txt, modal_weight, image_original_adj, text_original_adj):
    image_feats = image_emb @ W_img + b_img
    text_feats = text_emb @ W_txt + b_txt
    w = jax.nn.softmax(modal_weight, axis=0)
    image_adj = build_knn_neighbourhood(build_sim(image_feats), TOPK)
    text_adj = build_knn_neighbourhood(build_sim(text_feats), TOPK)
    learned_adj = w[0] * image_adj + w[1] * text_adj
    learned_adj = compute_normalized_laplacian(learned_adj)
    original_adj = w[0] * image_original_adj + w[1] * text_original_adj
    item_adj = (1.0 - LAMBDA) * learned_adj + LAMBDA * original_adj
    h = item_emb
    for _ in range(N_LAYERS):
        h = item_adj @ h
    ego = jnp.concatenate([user_emb, item_emb], axis=0)
    all_embeddings = [ego]
    for _ in range(N_UI_LAYERS):
        ego = adj @ ego
        all_embeddings.append(ego)
    all_e = jnp.stack(all_embeddings, axis=1).mean(axis=1)
    u_g = all_e[:N_USERS]
    i_g = all_e[N_USERS:]
    h_norm = h / jnp.maximum(jnp.linalg.norm(h, axis=1, keepdims=True), 1e-12)
    i_g = i_g + h_norm
    return (u_g, i_g)

if __name__ == "__main__":
    import jax
    _d = setup_inputs()
    print(jax.jit(kernel)(*tuple(_d.values())))

</pallas_src>

<mosaic_0001>
#map = affine_map<(d0, d1) -> (0, 0)>
module attributes {stable_mosaic.version = 14 : i64} {
  func.func @_sc_learned_body(%arg0: i32, %arg1: i32, %arg2: memref<2048x64xf32, #tpu.memory_space<hbm>>, %arg3: memref<2048x20xi32, #tpu.memory_space<hbm>>, %arg4: memref<2048x20xf32, #tpu.memory_space<hbm>>, %arg5: memref<2048x64xf32, #tpu.memory_space<hbm>>, %arg6: memref<64x20xi32, #tpu.memory_space<vmem>>, %arg7: memref<64x20xf32, #tpu.memory_space<vmem>>, %arg8: memref<20x64xf32, #tpu.memory_space<vmem>>, %arg9: memref<20x64xf32, #tpu.memory_space<vmem>>, %arg10: memref<64x64xf32, #tpu.memory_space<vmem>>, %arg11: memref<!tpu.dma_semaphore, #tpu.memory_space<semaphore_mem>>, %arg12: memref<!tpu.dma_semaphore, #tpu.memory_space<semaphore_mem>>) attributes {dimension_semantics = [#tpu.dimension_semantics<core_parallel>, #tpu.dimension_semantics<subcore_parallel>], iteration_bounds = array<i64: 2, 16>, scalar_prefetch = 0 : i64, scratch_operands = 7 : i64, tpu.core_type = #tpu.core_type<sc_vector_subcore>, window_params = [{transform_indices = #map}, {transform_indices = #map}, {transform_indices = #map}, {transform_indices = #map}]} {
    %mul3A = arith.constant 2 : i32
    %mul3A_0 = arith.muli %arg1, %mul3A : i32
    %add3A = arith.addi %mul3A_0, %arg0 : i32
    %mul3A_1 = arith.constant 64 : i32
    %mul3A_2 = arith.muli %add3A, %mul3A_1 : i32
    "tpu.region"() ({
      %run_scoped3A = tpu.sem_alloc : memref<!tpu.dma_semaphore, #tpu.memory_space<semaphore_mem>>
      %dma_start3A_24 = arith.constant 0 : i32
      %dma_start3A_25 = tpu.memref_slice %arg3[%mul3A_2, %dma_start3A_24] : memref<2048x20xi32, #tpu.memory_space<hbm>> -> memref<64x20xi32, #tpu.memory_space<hbm>>
      %dma_start3A_26 = arith.constant 0 : i32
      %dma_start3A_27 = tpu.memref_slice %arg3[%mul3A_2, %dma_start3A_26] : memref<2048x20xi32, #tpu.memory_space<hbm>> -> memref<64x20xi32, #tpu.memory_space<hbm>>
      tpu.enqueue_dma source(%dma_start3A_27 : memref<64x20xi32, #tpu.memory_space<hbm>>) target(%arg6 : memref<64x20xi32, #tpu.memory_space<vmem>>) target_semaphore(%run_scoped3A : memref<!tpu.dma_semaphore, #tpu.memory_space<semaphore_mem>>)
      %dma_wait3A_28 = arith.constant 0 : i32
      %dma_wait3A_29 = tpu.memref_slice %arg3[%mul3A_2, %dma_wait3A_28] : memref<2048x20xi32, #tpu.memory_space<hbm>> -> memref<64x20xi32, #tpu.memory_space<hbm>>
      %dma_wait3A_30 = arith.constant 0 : i32
      %dma_wait3A_31 = tpu.memref_slice %arg3[%mul3A_2, %dma_wait3A_30] : memref<2048x20xi32, #tpu.memory_space<hbm>> -> memref<64x20xi32, #tpu.memory_space<hbm>>
      tpu.wait_dma2 semaphore(%run_scoped3A : memref<!tpu.dma_semaphore, #tpu.memory_space<semaphore_mem>>) src(%dma_wait3A_31 : memref<64x20xi32, #tpu.memory_space<hbm>>) dst(%arg6 : memref<64x20xi32, #tpu.memory_space<vmem>>)
      tpu.yield
    }) : () -> ()
    "tpu.region"() ({
      %run_scoped3A = tpu.sem_alloc : memref<!tpu.dma_semaphore, #tpu.memory_space<semaphore_mem>>
      %dma_start3A_24 = arith.constant 0 : i32
      %dma_start3A_25 = tpu.memref_slice %arg4[%mul3A_2, %dma_start3A_24] : memref<2048x20xf32, #tpu.memory_space<hbm>> -> memref<64x20xf32, #tpu.memory_space<hbm>>
      %dma_start3A_26 = arith.constant 0 : i32
      %dma_start3A_27 = tpu.memref_slice %arg4[%mul3A_2, %dma_start3A_26] : memref<2048x20xf32, #tpu.memory_space<hbm>> -> memref<64x20xf32, #tpu.memory_space<hbm>>
      tpu.enqueue_dma source(%dma_start3A_27 : memref<64x20xf32, #tpu.memory_space<hbm>>) target(%arg7 : memref<64x20xf32, #tpu.memory_space<vmem>>) target_semaphore(%run_scoped3A : memref<!tpu.dma_semaphore, #tpu.memory_space<semaphore_mem>>)
      %dma_wait3A_28 = arith.constant 0 : i32
      %dma_wait3A_29 = tpu.memref_slice %arg4[%mul3A_2, %dma_wait3A_28] : memref<2048x20xf32, #tpu.memory_space<hbm>> -> memref<64x20xf32, #tpu.memory_space<hbm>>
      %dma_wait3A_30 = arith.constant 0 : i32
      %dma_wait3A_31 = tpu.memref_slice %arg4[%mul3A_2, %dma_wait3A_30] : memref<2048x20xf32, #tpu.memory_space<hbm>> -> memref<64x20xf32, #tpu.memory_space<hbm>>
      tpu.wait_dma2 semaphore(%run_scoped3A : memref<!tpu.dma_semaphore, #tpu.memory_space<semaphore_mem>>) src(%dma_wait3A_31 : memref<64x20xf32, #tpu.memory_space<hbm>>) dst(%arg7 : memref<64x20xf32, #tpu.memory_space<vmem>>)
      tpu.yield
    }) : () -> ()
    %iota3A = tpu.iota {dimensions = array<i32: 0>} : vector<16xi32>
    %mul3A_3 = arith.constant 0 : i32
    %mul3A_4 = vector.broadcast %mul3A_3 : i32 to vector<16xi32>
    %mul3A_5 = arith.muli %iota3A, %mul3A_4 : vector<16xi32>
    %dma_start3A = arith.constant 0 : i32
    %dma_start3A_6 = arith.constant 0 : i32
    %dma_start3A_7 = tpu.memref_slice %arg6[%dma_start3A, %dma_start3A_6] : memref<64x20xi32, #tpu.memory_space<vmem>> -> memref<1x20xi32, #tpu.memory_space<vmem>>
    %dma_start3A_8 = tpu.memref_squeeze %dma_start3A_7 : memref<1x20xi32, #tpu.memory_space<vmem>> -> memref<20xi32, #tpu.memory_space<vmem>>
    %dma_start3A_9 = arith.constant 0 : i32
    %dma_start3A_10 = arith.constant 0 : i32
    %dma_start3A_11 = tpu.memref_slice %arg2[%dma_start3A_9, %dma_start3A_10] : memref<2048x64xf32, #tpu.memory_space<hbm>> -> memref<2048x64xf32, #tpu.memory_space<hbm>>
    tpu.enqueue_indirect_dma source(%dma_start3A_11 : memref<2048x64xf32, #tpu.memory_space<hbm>>) target(%arg8 : memref<20x64xf32, #tpu.memory_space<vmem>>) offsets(%dma_start3A_8 : memref<20xi32, #tpu.memory_space<vmem>>) semaphore(%arg11 : memref<!tpu.dma_semaphore, #tpu.memory_space<semaphore_mem>>)
    %scan3A = arith.constant 0 : i32
    %scan3A_12 = arith.constant 0 : i32
    %scan3A_13 = arith.constant 32 : i32
    %scan3A_14 = arith.addi %scan3A_12, %scan3A_13 : i32
    %scan3A_15 = arith.constant 1 : i32
    %scan3A_16 = scf.for %scan3A_24 = %scan3A_12 to %scan3A_14 step %scan3A_15 iter_args(%scan3A_25 = %scan3A) -> (i32)  : i32 {
      %mul3A_26 = arith.constant 2 : i32
      %mul3A_27 = arith.muli %mul3A_26, %scan3A_24 : i32
      %add3A_28 = arith.constant 1 : i32
      %add3A_29 = arith.addi %mul3A_27, %add3A_28 : i32
      %dma_start3A_30 = arith.constant 0 : i32
      %dma_start3A_31 = tpu.memref_slice %arg6[%add3A_29, %dma_start3A_30] : memref<64x20xi32, #tpu.memory_space<vmem>> -> memref<1x20xi32, #tpu.memory_space<vmem>>
      %dma_start3A_32 = tpu.memref_squeeze %dma_start3A_31 : memref<1x20xi32, #tpu.memory_space<vmem>> -> memref<20xi32, #tpu.memory_space<vmem>>
      %dma_start3A_33 = arith.constant 0 : i32
      %dma_start3A_34 = arith.constant 0 : i32
      %dma_start3A_35 = tpu.memref_slice %arg2[%dma_start3A_33, %dma_start3A_34] : memref<2048x64xf32, #tpu.memory_space<hbm>> -> memref<2048x64xf32, #tpu.memory_space<hbm>>
      tpu.enqueue_indirect_dma source(%dma_start3A_35 : memref<2048x64xf32, #tpu.memory_space<hbm>>) target(%arg9 : memref<20x64xf32, #tpu.memory_space<vmem>>) offsets(%dma_start3A_32 : memref<20xi32, #tpu.memory_space<vmem>>) semaphore(%arg12 : memref<!tpu.dma_semaphore, #tpu.memory_space<semaphore_mem>>)
      %dma_wait3A_36 = arith.constant 0 : i32
      %dma_wait3A_37 = tpu.memref_slice %arg6[%mul3A_27, %dma_wait3A_36] : memref<64x20xi32, #tpu.memory_space<vmem>> -> memref<1x20xi32, #tpu.memory_space<vmem>>
      %dma_wait3A_38 = tpu.memref_squeeze %dma_wait3A_37 : memref<1x20xi32, #tpu.memory_space<vmem>> -> memref<20xi32, #tpu.memory_space<vmem>>
      %dma_wait3A_39 = arith.constant 0 : i32
      %dma_wait3A_40 = arith.constant 0 : i32
      %dma_wait3A_41 = tpu.memref_slice %arg2[%dma_wait3A_39, %dma_wait3A_40] : memref<2048x64xf32, #tpu.memory_space<hbm>> -> memref<2048x64xf32, #tpu.memory_space<hbm>>
      tpu.wait_indirect_dma semaphore(%arg11 : memref<!tpu.dma_semaphore, #tpu.memory_space<semaphore_mem>>) src(%dma_wait3A_41 : memref<2048x64xf32, #tpu.memory_space<hbm>>) dst(%arg8 : memref<20x64xf32, #tpu.memory_space<vmem>>)
      %broadcast_in_dim3A = arith.constant 0.000000e+00 : f32
      %broadcast_in_dim3A_42 = vector.broadcast %broadcast_in_dim3A : f32 to vector<16xf32>
      %add3A_43 = vector.broadcast %mul3A_27 : i32 to vector<16xi32>
      %add3A_44 = arith.addi %mul3A_5, %add3A_43 : vector<16xi32>
      %add3A_45 = arith.constant 0 : i32
      %add3A_46 = vector.broadcast %add3A_45 : i32 to vector<16xi32>
      %add3A_47 = arith.addi %mul3A_5, %add3A_46 : vector<16xi32>
      %gather3A = tpu.vector_load_idx %arg7[%add3A_44, %add3A_47] : memref<64x20xf32, #tpu.memory_space<vmem>>[vector<16xi32>, vector<16xi32>], vector<16xf32>,
      %get3A = arith.constant 0 : i32
      %get3A_48 = arith.index_cast %get3A : i32 to index
      %get3A_49 = arith.constant 0 : index
      %get3A_50 = tpu.vector_load %arg8[%get3A_48, %get3A_49] {strides = array<i32>} : memref<20x64xf32, #tpu.memory_space<vmem>>, vector<16xf32>,
      %mul3A_51 = arith.mulf %gather3A, %get3A_50 : vector<16xf32>
      %add3A_52 = arith.addf %broadcast_in_dim3A_42, %mul3A_51 : vector<16xf32>
      %add3A_53 = vector.broadcast %mul3A_27 : i32 to vector<16xi32>
      %add3A_54 = arith.addi %mul3A_5, %add3A_53 : vector<16xi32>
      %add3A_55 = arith.constant 1 : i32
      %add3A_56 = vector.broadcast %add3A_55 : i32 to vector<16xi32>
      %add3A_57 = arith.addi %mul3A_5, %add3A_56 : vector<16xi32>
      %gather3A_58 = tpu.vector_load_idx %arg7[%add3A_54, %add3A_57] : memref<64x20xf32, #tpu.memory_space<vmem>>[vector<16xi32>, vector<16xi32>], vector<16xf32>,
      %get3A_59 = arith.constant 1 : i32
      %get3A_60 = arith.index_cast %get3A_59 : i32 to index
      %get3A_61 = arith.constant 0 : index
      %get3A_62 = tpu.vector_load %arg8[%get3A_60, %get3A_61] {strides = array<i32>} : memref<20x64xf32, #tpu.memory_space<vmem>>, vector<16xf32>,
      %mul3A_63 = arith.mulf %gather3A_58, %get3A_62 : vector<16xf32>
      %add3A_64 = arith.addf %add3A_52, %mul3A_63 : vector<16xf32>
      %add3A_65 = vector.broadcast %mul3A_27 : i32 to vector<16xi32>
      %add3A_66 = arith.addi %mul3A_5, %add3A_65 : vector<16xi32>
      %add3A_67 = arith.constant 2 : i32
      %add3A_68 = vector.broadcast %add3A_67 : i32 to vector<16xi32>
      %add3A_69 = arith.addi %mul3A_5, %add3A_68 : vector<16xi32>
      %gather3A_70 = tpu.vector_load_idx %arg7[%add3A_66, %add3A_69] : memref<64x20xf32, #tpu.memory_space<vmem>>[vector<16xi32>, vector<16xi32>], vector<16xf32>,
      %get3A_71 = arith.constant 2 : i32
      %get3A_72 = arith.index_cast %get3A_71 : i32 to index
      %get3A_73 = arith.constant 0 : index
      %get3A_74 = tpu.vector_load %arg8[%get3A_72, %get3A_73] {strides = array<i32>} : memref<20x64xf32, #tpu.memory_space<vmem>>, vector<16xf32>,
      %mul3A_75 = arith.mulf %gather3A_70, %get3A_74 : vector<16xf32>
      %add3A_76 = arith.addf %add3A_64, %mul3A_75 : vector<16xf32>
      %add3A_77 = vector.broadcast %mul3A_27 : i32 to vector<16xi32>
      %add3A_78 = arith.addi %mul3A_5, %add3A_77 : vector<16xi32>
      %add3A_79 = arith.constant 3 : i32
      %add3A_80 = vector.broadcast %add3A_79 : i32 to vector<16xi32>
      %add3A_81 = arith.addi %mul3A_5, %add3A_80 : vector<16xi32>
      %gather3A_82 = tpu.vector_load_idx %arg7[%add3A_78, %add3A_81] : memref<64x20xf32, #tpu.memory_space<vmem>>[vector<16xi32>, vector<16xi32>], vector<16xf32>,
      %get3A_83 = arith.constant 3 : i32
      %get3A_84 = arith.index_cast %get3A_83 : i32 to index
      %get3A_85 = arith.constant 0 : index
      %get3A_86 = tpu.vector_load %arg8[%get3A_84, %get3A_85] {strides = array<i32>} : memref<20x64xf32, #tpu.memory_space<vmem>>, vector<16xf32>,
      %mul3A_87 = arith.mulf %gather3A_82, %get3A_86 : vector<16xf32>
      %add3A_88 = arith.addf %add3A_76, %mul3A_87 : vector<16xf32>
      %add3A_89 = vector.broadcast %mul3A_27 : i32 to vector<16xi32>
      %add3A_90 = arith.addi %mul3A_5, %add3A_89 : vector<16xi32>
      %add3A_91 = arith.constant 4 : i32
      %add3A_92 = vector.broadcast %add3A_91 : i32 to vector<16xi32>
      %add3A_93 = arith.addi %mul3A_5, %add3A_92 : vector<16xi32>
      %gather3A_94 = tpu.vector_load_idx %arg7[%add3A_90, %add3A_93] : memref<64x20xf32, #tpu.memory_space<vmem>>[vector<16xi32>, vector<16xi32>], vector<16xf32>,
      %get3A_95 = arith.constant 4 : i32
      %get3A_96 = arith.index_cast %get3A_95 : i32 to index
      %get3A_97 = arith.constant 0 : index
      %get3A_98 = tpu.vector_load %arg8[%get3A_96, %get3A_97] {strides = array<i32>} : memref<20x64xf32, #tpu.memory_space<vmem>>, vector<16xf32>,
      %mul3A_99 = arith.mulf %gather3A_94, %get3A_98 : vector<16xf32>
      %add3A_100 = arith.addf %add3A_88, %mul3A_99 : vector<16xf32>
      %add3A_101 = vector.broadcast %mul3A_27 : i32 to vector<16xi32>
      %add3A_102 = arith.addi %mul3A_5, %add3A_101 : vector<16xi32>
      %add3A_103 = arith.constant 5 : i32
      %add3A_104 = vector.broadcast %add3A_103 : i32 to vector<16xi32>
      %add3A_105 = arith.addi %mul3A_5, %add3A_104 : vector<16xi32>
      %gather3A_106 = tpu.vector_load_idx %arg7[%add3A_102, %add3A_105] : memref<64x20xf32, #tpu.memory_space<vmem>>[vector<16xi32>, vector<16xi32>], vector<16xf32>,
      %get3A_107 = arith.constant 5 : i32
      %get3A_108 = arith.index_cast %get3A_107 : i32 to index
      %get3A_109 = arith.constant 0 : index
      %get3A_110 = tpu.vector_load %arg8[%get3A_108, %get3A_109] {strides = array<i32>} : memref<20x64xf32, #tpu.memory_space<vmem>>, vector<16xf32>,
      %mul3A_111 = arith.mulf %gather3A_106, %get3A_110 : vector<16xf32>
      %add3A_112 = arith.addf %add3A_100, %mul3A_111 : vector<16xf32>
      %add3A_113 = vector.broadcast %mul3A_27 : i32 to vector<16xi32>
      %add3A_114 = arith.addi %mul3A_5, %add3A_113 : vector<16xi32>
      %add3A_115 = arith.constant 6 : i32
      %add3A_116 = vector.broadcast %add3A_115 : i32 to vector<16xi32>
      %add3A_117 = arith.addi %mul3A_5, %add3A_116 : vector<16xi32>
      %gather3A_118 = tpu.vector_load_idx %arg7[%add3A_114, %add3A_117] : memref<64x20xf32, #tpu.memory_space<vmem>>[vector<16xi32>, vector<16xi32>], vector<16xf32>,
      %get3A_119 = arith.constant 6 : i32
      %get3A_120 = arith.index_cast %get3A_119 : i32 to index
      %get3A_121 = arith.constant 0 : index
      %get3A_122 = tpu.vector_load %arg8[%get3A_120, %get3A_121] {strides = array<i32>} : memref<20x64xf32, #tpu.memory_space<vmem>>, vector<16xf32>,
      %mul3A_123 = arith.mulf %gather3A_118, %get3A_122 : vector<16xf32>
      %add3A_124 = arith.addf %add3A_112, %mul3A_123 : vector<16xf32>
      %add3A_125 = vector.broadcast %mul3A_27 : i32 to vector<16xi32>
      %add3A_126 = arith.addi %mul3A_5, %add3A_125 : vector<16xi32>
      %add3A_127 = arith.constant 7 : i32
      %add3A_128 = vector.broadcast %add3A_127 : i32 to vector<16xi32>
      %add3A_129 = arith.addi %mul3A_5, %add3A_128 : vector<16xi32>
      %gather3A_130 = tpu.vector_load_idx %arg7[%add3A_126, %add3A_129] : memref<64x20xf32, #tpu.memory_space<vmem>>[vector<16xi32>, vector<16xi32>], vector<16xf32>,
      %get3A_131 = arith.constant 7 : i32
      %get3A_132 = arith.index_cast %get3A_131 : i32 to index
      %get3A_133 = arith.constant 0 : index
      %get3A_134 = tpu.vector_load %arg8[%get3A_132, %get3A_133] {strides = array<i32>} : memref<20x64xf32, #tpu.memory_space<vmem>>, vector<16xf32>,
      %mul3A_135 = arith.mulf %gather3A_130, %get3A_134 : vector<16xf32>
      %add3A_136 = arith.addf %add3A_124, %mul3A_135 : vector<16xf32>
      %add3A_137 = vector.broadcast %mul3A_27 : i32 to vector<16xi32>
      %add3A_138 = arith.addi %mul3A_5, %add3A_137 : vector<16xi32>
      %add3A_139 = arith.constant 8 : i32
      %add3A_140 = vector.broadcast %add3A_139 : i32 to vector<16xi32>
      %add3A_141 = arith.addi %mul3A_5, %add3A_140 : vector<16xi32>
      %gather3A_142 = tpu.vector_load_idx %arg7[%add3A_138, %add3A_141] : memref<64x20xf32, #tpu.memory_space<vmem>>[vector<16xi32>, vector<16xi32>], vector<16xf32>,
      %get3A_143 = arith.constant 8 : i32
      %get3A_144 = arith.index_cast %get3A_143 : i32 to index
      %get3A_145 = arith.constant 0 : index
      %get3A_146 = tpu.vector_load %arg8[%get3A_144, %get3A_145] {strides = array<i32>} : memref<20x64xf32, #tpu.memory_space<vmem>>, vector<16xf32>,
      %mul3A_147 = arith.mulf %gather3A_142, %get3A_146 : vector<16xf32>
      %add3A_148 = arith.addf %add3A_136, %mul3A_147 : vector<16xf32>
      %add3A_149 = vector.broadcast %mul3A_27 : i32 to vector<16xi32>
      %add3A_150 = arith.addi %mul3A_5, %add3A_149 : vector<16xi32>
      %add3A_151 = arith.constant 9 : i32
      %add3A_152 = vector.broadcast %add3A_151 : i32 to vector<16xi32>
      %add3A_153 = arith.addi %mul3A_5, %add3A_152 : vector<16xi32>
      %gather3A_154 = tpu.vector_load_idx %arg7[%add3A_150, %add3A_153] : memref<64x20xf32, #tpu.memory_space<vmem>>[vector<16xi32>, vector<16xi32>], vector<16xf32>,
      %get3A_155 = arith.constant 9 : i32
      %get3A_156 = arith.index_cast %get3A_155 : i32 to index
      %get3A_157 = arith.constant 0 : index
      %get3A_158 = tpu.vector_load %arg8[%get3A_156, %get3A_157] {strides = array<i32>} : memref<20x64xf32, #tpu.memory_space<vmem>>, vector<16xf32>,
      %mul3A_159 = arith.mulf %gather3A_154, %get3A_158 : vector<16xf32>
      %add3A_160 = arith.addf %add3A_148, %mul3A_159 : vector<16xf32>
      %add3A_161 = vector.broadcast %mul3A_27 : i32 to vector<16xi32>
      %add3A_162 = arith.addi %mul3A_5, %add3A_161 : vector<16xi32>
      %add3A_163 = arith.constant 10 : i32
      %add3A_164 = vector.broadcast %add3A_163 : i32 to vector<16xi32>
      %add3A_165 = arith.addi %mul3A_5, %add3A_164 : vector<16xi32>
      %gather3A_166 = tpu.vector_load_idx %arg7[%add3A_162, %add3A_165] : memref<64x20xf32, #tpu.memory_space<vmem>>[vector<16xi32>, vector<16xi32>], vector<16xf32>,
      %get3A_167 = arith.constant 10 : i32
      %get3A_168 = arith.index_cast %get3A_167 : i32 to index
      %get3A_169 = arith.constant 0 : index
      %get3A_170 = tpu.vector_load %arg8[%get3A_168, %get3A_169] {strides = array<i32>} : memref<20x64xf32, #tpu.memory_space<vmem>>, vector<16xf32>,
      %mul3A_171 = arith.mulf %gather3A_166, %get3A_170 : vector<16xf32>
      %add3A_172 = arith.addf %add3A_160, %mul3A_171 : vector<16xf32>
      %add3A_173 = vector.broadcast %mul3A_27 : i32 to vector<16xi32>
      %add3A_174 = arith.addi %mul3A_5, %add3A_173 : vector<16xi32>
      %add3A_175 = arith.constant 11 : i32
      %add3A_176 = vector.broadcast %add3A_175 : i32 to vector<16xi32>
      %add3A_177 = arith.addi %mul3A_5, %add3A_176 : vector<16xi32>
      %gather3A_178 = tpu.vector_load_idx %arg7[%add3A_174, %add3A_177] : memref<64x20xf32, #tpu.memory_space<vmem>>[vector<16xi32>, vector<16xi32>], vector<16xf32>,
      %get3A_179 = arith.constant 11 : i32
      %get3A_180 = arith.index_cast %get3A_179 : i32 to index
      %get3A_181 = arith.constant 0 : index
      %get3A_182 = tpu.vector_load %arg8[%get3A_180, %get3A_181] {strides = array<i32>} : memref<20x64xf32, #tpu.memory_space<vmem>>, vector<16xf32>,
      %mul3A_183 = arith.mulf %gather3A_178, %get3A_182 : vector<16xf32>
      %add3A_184 = arith.addf %add3A_172, %mul3A_183 : vector<16xf32>
      %add3A_185 = vector.broadcast %mul3A_27 : i32 to vector<16xi32>
      %add3A_186 = arith.addi %mul3A_5, %add3A_185 : vector<16xi32>
      %add3A_187 = arith.constant 12 : i32
      %add3A_188 = vector.broadcast %add3A_187 : i32 to vector<16xi32>
      %add3A_189 = arith.addi %mul3A_5, %add3A_188 : vector<16xi32>
      %gather3A_190 = tpu.vector_load_idx %arg7[%add3A_186, %add3A_189] : memref<64x20xf32, #tpu.memory_space<vmem>>[vector<16xi32>, vector<16xi32>], vector<16xf32>,
      %get3A_191 = arith.constant 12 : i32
      %get3A_192 = arith.index_cast %get3A_191 : i32 to index
      %get3A_193 = arith.constant 0 : index
      %get3A_194 = tpu.vector_load %arg8[%get3A_192, %get3A_193] {strides = array<i32>} : memref<20x64xf32, #tpu.memory_space<vmem>>, vector<16xf32>,
      %mul3A_195 = arith.mulf %gather3A_190, %get3A_194 : vector<16xf32>
      %add3A_196 = arith.addf %add3A_184, %mul3A_195 : vector<16xf32>
      %add3A_197 = vector.broadcast %mul3A_27 : i32 to vector<16xi32>
      %add3A_198 = arith.addi %mul3A_5, %add3A_197 : vector<16xi32>
      %add3A_199 = arith.constant 13 : i32
      %add3A_200 = vector.broadcast %add3A_199 : i32 to vector<16xi32>
      %add3A_201 = arith.addi %mul3A_5, %add3A_200 : vector<16xi32>
      %gather3A_202 = tpu.vector_load_idx %arg7[%add3A_198, %add3A_201] : memref<64x20xf32, #tpu.memory_space<vmem>>[vector<16xi32>, vector<16xi32>], vector<16xf32>,
      %get3A_203 = arith.constant 13 : i32
      %get3A_204 = arith.index_cast %get3A_203 : i32 to index
      %get3A_205 = arith.constant 0 : index
      %get3A_206 = tpu.vector_load %arg8[%get3A_204, %get3A_205] {strides = array<i32>} : memref<20x64xf32, #tpu.memory_space<vmem>>, vector<16xf32>,
      %mul3A_207 = arith.mulf %gather3A_202, %get3A_206 : vector<16xf32>
      %add3A_208 = arith.addf %add3A_196, %mul3A_207 : vector<16xf32>
      %add3A_209 = vector.broadcast %mul3A_27 : i32 to vector<16xi32>
      %add3A_210 = arith.addi %mul3A_5, %add3A_209 : vector<16xi32>
      %add3A_211 = arith.constant 14 : i32
      %add3A_212 = vector.broadcast %add3A_211 : i32 to vector<16xi32>
      %add3A_213 = arith.addi %mul3A_5, %add3A_212 : vector<16xi32>
      %gather3A_214 = tpu.vector_load_idx %arg7[%add3A_210, %add3A_213] : memref<64x20xf32, #tpu.memory_space<vmem>>[vector<16xi32>, vector<16xi32>], vector<16xf32>,
      %get3A_215 = arith.constant 14 : i32
      %get3A_216 = arith.index_cast %get3A_215 : i32 to index
      %get3A_217 = arith.constant 0 : index
      %get3A_218 = tpu.vector_load %arg8[%get3A_216, %get3A_217] {strides = array<i32>} : memref<20x64xf32, #tpu.memory_space<vmem>>, vector<16xf32>,
      %mul3A_219 = arith.mulf %gather3A_214, %get3A_218 : vector<16xf32>
      %add3A_220 = arith.addf %add3A_208, %mul3A_219 : vector<16xf32>
      %add3A_221 = vector.broadcast %mul3A_27 : i32 to vector<16xi32>
      %add3A_222 = arith.addi %mul3A_5, %add3A_221 : vector<16xi32>
      %add3A_223 = arith.constant 15 : i32
      %add3A_224 = vector.broadcast %add3A_223 : i32 to vector<16xi32>
      %add3A_225 = arith.addi %mul3A_5, %add3A_224 : vector<16xi32>
      %gather3A_226 = tpu.vector_load_idx %arg7[%add3A_222, %add3A_225] : memref<64x20xf32, #tpu.memory_space<vmem>>[vector<16xi32>, vector<16xi32>], vector<16xf32>,
      %get3A_227 = arith.constant 15 : i32
      %get3A_228 = arith.index_cast %get3A_227 : i32 to index
      %get3A_229 = arith.constant 0 : index
      %get3A_230 = tpu.vector_load %arg8[%get3A_228, %get3A_229] {strides = array<i32>} : memref<20x64xf32, #tpu.memory_space<vmem>>, vector<16xf32>,
      %mul3A_231 = arith.mulf %gather3A_226, %get3A_230 : vector<16xf32>
      %add3A_232 = arith.addf %add3A_220, %mul3A_231 : vector<16xf32>
      %add3A_233 = vector.broadcast %mul3A_27 : i32 to vector<16xi32>
      %add3A_234 = arith.addi %mul3A_5, %add3A_233 : vector<16xi32>
      %add3A_235 = arith.constant 16 : i32
      %add3A_236 = vector.broadcast %add3A_235 : i32 to vector<16xi32>
      %add3A_237 = arith.addi %mul3A_5, %add3A_236 : vector<16xi32>
      %gather3A_238 = tpu.vector_load_idx %arg7[%add3A_234, %add3A_237] : memref<64x20xf32, #tpu.memory_space<vmem>>[vector<16xi32>, vector<16xi32>], vector<16xf32>,
      %get3A_239 = arith.constant 16 : i32
      %get3A_240 = arith.index_cast %get3A_239 : i32 to index
      %get3A_241 = arith.constant 0 : index
      %get3A_242 = tpu.vector_load %arg8[%get3A_240, %get3A_241] {strides = array<i32>} : memref<20x64xf32, #tpu.memory_space<vmem>>, vector<16xf32>,
      %mul3A_243 = arith.mulf %gather3A_238, %get3A_242 : vector<16xf32>
      %add3A_244 = arith.addf %add3A_232, %mul3A_243 : vector<16xf32>
      %add3A_245 = vector.broadcast %mul3A_27 : i32 to vector<16xi32>
      %add3A_246 = arith.addi %mul3A_5, %add3A_245 : vector<16xi32>
      %add3A_247 = arith.constant 17 : i32
      %add3A_248 = vector.broadcast %add3A_247 : i32 to vector<16xi32>
      %add3A_249 = arith.addi %mul3A_5, %add3A_248 : vector<16xi32>
      %gather3A_250 = tpu.vector_load_idx %arg7[%add3A_246, %add3A_249] : memref<64x20xf32, #tpu.memory_space<vmem>>[vector<16xi32>, vector<16xi32>], vector<16xf32>,
      %get3A_251 = arith.constant 17 : i32
      %get3A_252 = arith.index_cast %get3A_251 : i32 to index
      %get3A_253 = arith.constant 0 : index
      %get3A_254 = tpu.vector_load %arg8[%get3A_252, %get3A_253] {strides = array<i32>} : memref<20x64xf32, #tpu.memory_space<vmem>>, vector<16xf32>,
      %mul3A_255 = arith.mulf %gather3A_250, %get3A_254 : vector<16xf32>
      %add3A_256 = arith.addf %add3A_244, %mul3A_255 : vector<16xf32>
      %add3A_257 = vector.broadcast %mul3A_27 : i32 to vector<16xi32>
      %add3A_258 = arith.addi %mul3A_5, %add3A_257 : vector<16xi32>
      %add3A_259 = arith.constant 18 : i32
      %add3A_260 = vector.broadcast %add3A_259 : i32 to vector<16xi32>
      %add3A_261 = arith.addi %mul3A_5, %add3A_260 : vector<16xi32>
      %gather3A_262 = tpu.vector_load_idx %arg7[%add3A_258, %add3A_261] : memref<64x20xf32, #tpu.memory_space<vmem>>[vector<16xi32>, vector<16xi32>], vector<16xf32>,
      %get3A_263 = arith.constant 18 : i32
      %get3A_264 = arith.index_cast %get3A_263 : i32 to index
      %get3A_265 = arith.constant 0 : index
      %get3A_266 = tpu.vector_load %arg8[%get3A_264, %get3A_265] {strides = array<i32>} : memref<20x64xf32, #tpu.memory_space<vmem>>, vector<16xf32>,
      %mul3A_267 = arith.mulf %gather3A_262, %get3A_266 : vector<16xf32>
      %add3A_268 = arith.addf %add3A_256, %mul3A_267 : vector<16xf32>
      %add3A_269 = vector.broadcast %mul3A_27 : i32 to vector<16xi32>
      %add3A_270 = arith.addi %mul3A_5, %add3A_269 : vector<16xi32>
      %add3A_271 = arith.constant 19 : i32
      %add3A_272 = vector.broadcast %add3A_271 : i32 to vector<16xi32>
      %add3A_273 = arith.addi %mul3A_5, %add3A_272 : vector<16xi32>
      %gather3A_274 = tpu.vector_load_idx %arg7[%add3A_270, %add3A_273] : memref<64x20xf32, #tpu.memory_space<vmem>>[vector<16xi32>, vector<16xi32>], vector<16xf32>,
      %get3A_275 = arith.constant 19 : i32
      %get3A_276 = arith.index_cast %get3A_275 : i32 to index
      %get3A_277 = arith.constant 0 : index
      %get3A_278 = tpu.vector_load %arg8[%get3A_276, %get3A_277] {strides = array<i32>} : memref<20x64xf32, #tpu.memory_space<vmem>>, vector<16xf32>,
      %mul3A_279 = arith.mulf %gather3A_274, %get3A_278 : vector<16xf32>
      %add3A_280 = arith.addf %add3A_268, %mul3A_279 : vector<16xf32>
      %swap3A = arith.index_cast %mul3A_27 : i32 to index
      %swap3A_281 = arith.constant 0 : index
      %swap3A_282 = tpu.vector_load %arg10[%swap3A, %swap3A_281] {strides = array<i32>} : memref<64x64xf32, #tpu.memory_space<vmem>>, vector<16xf32>,
      tpu.vector_store %arg10[%swap3A, %swap3A_281], %add3A_280 {strides = array<i32>} : memref<64x64xf32, #tpu.memory_space<vmem>>, vector<16xf32>,
      %broadcast_in_dim3A_283 = arith.constant 0.000000e+00 : f32
      %broadcast_in_dim3A_284 = vector.broadcast %broadcast_in_dim3A_283 : f32 to vector<16xf32>
      %add3A_285 = vector.broadcast %mul3A_27 : i32 to vector<16xi32>
      %add3A_286 = arith.addi %mul3A_5, %add3A_285 : vector<16xi32>
      %add3A_287 = arith.constant 0 : i32
      %add3A_288 = vector.broadcast %add3A_287 : i32 to vector<16xi32>
      %add3A_289 = arith.addi %mul3A_5, %add3A_288 : vector<16xi32>
      %gather3A_290 = tpu.vector_load_idx %arg7[%add3A_286, %add3A_289] : memref<64x20xf32, #tpu.memory_space<vmem>>[vector<16xi32>, vector<16xi32>], vector<16xf32>,
      %get3A_291 = arith.constant 0 : i32
      %get3A_292 = arith.index_cast %get3A_291 : i32 to index
      %get3A_293 = arith.constant 16 : index
      %get3A_294 = tpu.vector_load %arg8[%get3A_292, %get3A_293] {strides = array<i32>} : memref<20x64xf32, #tpu.memory_space<vmem>>, vector<16xf32>,
      %mul3A_295 = arith.mulf %gather3A_290, %get3A_294 : vector<16xf32>
      %add3A_296 = arith.addf %broadcast_in_dim3A_284, %mul3A_295 : vector<16xf32>
      %add3A_297 = vector.broadcast %mul3A_27 : i32 to vector<16xi32>
      %add3A_298 = arith.addi %mul3A_5, %add3A_297 : vector<16xi32>
      %add3A_299 = arith.constant 1 : i32
      %add3A_300 = vector.broadcast %add3A_299 : i32 to vector<16xi32>
      %add3A_301 = arith.addi %mul3A_5, %add3A_300 : vector<16xi32>
      %gather3A_302 = tpu.vector_load_idx %arg7[%add3A_298, %add3A_301] : memref<64x20xf32, #tpu.memory_space<vmem>>[vector<16xi32>, vector<16xi32>], vector<16xf32>,
      %get3A_303 = arith.constant 1 : i32
      %get3A_304 = arith.index_cast %get3A_303 : i32 to index
      %get3A_305 = arith.constant 16 : index
      %get3A_306 = tpu.vector_load %arg8[%get3A_304, %get3A_305] {strides = array<i32>} : memref<20x64xf32, #tpu.memory_space<vmem>>, vector<16xf32>,
      %mul3A_307 = arith.mulf %gather3A_302, %get3A_306 : vector<16xf32>
      %add3A_308 = arith.addf %add3A_296, %mul3A_307 : vector<16xf32>
      %add3A_309 = vector.broadcast %mul3A_27 : i32 to vector<16xi32>
      %add3A_310 = arith.addi %mul3A_5, %add3A_309 : vector<16xi32>
      %add3A_311 = arith.constant 2 : i32
      %add3A_312 = vector.broadcast %add3A_311 : i32 to vector<16xi32>
      %add3A_313 = arith.addi %mul3A_5, %add3A_312 : vector<16xi32>
      %gather3A_314 = tpu.vector_load_idx %arg7[%add3A_310, %add3A_313] : memref<64x20xf32, #tpu.memory_space<vmem>>[vector<16xi32>, vector<16xi32>], vector<16xf32>,
      %get3A_315 = arith.constant 2 : i32
      %get3A_316 = arith.index_cast %get3A_315 : i32 to index
      %get3A_317 = arith.constant 16 : index
      %get3A_318 = tpu.vector_load %arg8[%get3A_316, %get3A_317] {strides = array<i32>} : memref<20x64xf32, #tpu.memory_space<vmem>>, vector<16xf32>,
      %mul3A_319 = arith.mulf %gather3A_314, %get3A_318 : vector<16xf32>
      %add3A_320 = arith.addf %add3A_308, %mul3A_319 : vector<16xf32>
      %add3A_321 = vector.broadcast %mul3A_27 : i32 to vector<16xi32>
      %add3A_322 = arith.addi %mul3A_5, %add3A_321 : vector<16xi32>
      %add3A_323 = arith.constant 3 : i32
      %add3A_324 = vector.broadcast %add3A_323 : i32 to vector<16xi32>
      %add3A_325 = arith.addi %mul3A_5, %add3A_324 : vector<16xi32>
      %gather3A_326 = tpu.vector_load_idx %arg7[%add3A_322, %add3A_325] : memref<64x20xf32, #tpu.memory_space<vmem>>[vector<16xi32>, vector<16xi32>], vector<16xf32>,
      %get3A_327 = arith.constant 3 : i32
      %get3A_328 = arith.index_cast %get3A_327 : i32 to index
      %get3A_329 = arith.constant 16 : index
      %get3A_330 = tpu.vector_load %arg8[%get3A_328, %get3A_329] {strides = array<i32>} : memref<20x64xf32, #tpu.memory_space<vmem>>, vector<16xf32>,
      %mul3A_331 = arith.mulf %gather3A_326, %get3A_330 : vector<16xf32>
      %add3A_332 = arith.addf %add3A_320, %mul3A_331 : vector<16xf32>
      %add3A_333 = vector.broadcast %mul3A_27 : i32 to vector<16xi32>
      %add3A_334 = arith.addi %mul3A_5, %add3A_333 : vector<16xi32>
      %add3A_335 = arith.constant 4 : i32
      %add3A_336 = vector.broadcast %add3A_335 : i32 to vector<16xi32>
      %add3A_337 = arith.addi %mul3A_5, %add3A_336 : vector<16xi32>
      %gather3A_338 = tpu.vector_load_idx %arg7[%add3A_334, %add3A_337] : memref<64x20xf32, #tpu.memory_space<vmem>>[vector<16xi32>, vector<16xi32>], vector<16xf32>,
      %get3A_339 = arith.constant 4 : i32
      %get3A_340 = arith.index_cast %get3A_339 : i32 to index
      %get3A_341 = arith.constant 16 : index
      %get3A_342 = tpu.vector_load %arg8[%get3A_340, %get3A_341] {strides = array<i32>} : memref<20x64xf32, #tpu.memory_space<vmem>>, vector<16xf32>,
      %mul3A_343 = arith.mulf %gather3A_338, %get3A_342 : vector<16xf32>
      %add3A_344 = arith.addf %add3A_332, %mul3A_343 : vector<16xf32>
      %add3A_345 = vector.broadcast %mul3A_27 : i32 to vector<16xi32>
      %add3A_346 = arith.addi %mul3A_5, %add3A_345 : vector<16xi32>
      %add3A_347 = arith.constant 5 : i32
      %add3A_348 = vector.broadcast %add3A_347 : i32 to vector<16xi32>
      %add3A_349 = arith.addi %mul3A_5, %add3A_348 : vector<16xi32>
      %gather3A_350 = tpu.vector_load_idx %arg7[%add3A_346, %add3A_349] : memref<64x20xf32, #tpu.memory_space<vmem>>[vector<16xi32>, vector<16xi32>], vector<16xf32>,
      %get3A_351 = arith.constant 5 : i32
      %get3A_352 = arith.index_cast %get3A_351 : i32 to index
      %get3A_353 = arith.constant 16 : index
      %get3A_354 = tpu.vector_load %arg8[%get3A_352, %get3A_353] {strides = array<i32>} : memref<20x64xf32, #tpu.memory_space<vmem>>, vector<16xf32>,
      %mul3A_355 = arith.mulf %gather3A_350, %get3A_354 : vector<16xf32>
      %add3A_356 = arith.addf %add3A_344, %mul3A_355 : vector<16xf32>
      %add3A_357 = vector.broadcast %mul3A_27 : i32 to vector<16xi32>
      %add3A_358 = arith.addi %mul3A_5, %add3A_357 : vector<16xi32>
      %add3A_359 = arith.constant 6 : i32
      %add3A_360 = vector.broadcast %add3A_359 : i32 to vector<16xi32>
      %add3A_361 = arith.addi %mul3A_5, %add3A_360 : vector<16xi32>
      %gather3A_362 = tpu.vector_load_idx %arg7[%add3A_358, %add3A_361] : memref<64x20xf32, #tpu.memory_space<vmem>>[vector<16xi32>, vector<16xi32>], vector<16xf32>,
      %get3A_363 = arith.constant 6 : i32
      %get3A_364 = arith.index_cast %get3A_363 : i32 to index
      %get3A_365 = arith.constant 16 : index
      %get3A_366 = tpu.vector_load %arg8[%get3A_364, %get3A_365] {strides = array<i32>} : memref<20x64xf32, #tpu.memory_space<vmem>>, vector<16xf32>,
      %mul3A_367 = arith.mulf %gather3A_362, %get3A_366 : vector<16xf32>
      %add3A_368 = arith.addf %add3A_356, %mul3A_367 : vector<16xf32>
      %add3A_369 = vector.broadcast %mul3A_27 : i32 to vector<16xi32>
      %add3A_370 = arith.addi %mul3A_5, %add3A_369 : vector<16xi32>
      %add3A_371 = arith.constant 7 : i32
      %add3A_372 = vector.broadcast %add3A_371 : i32 to vector<16xi32>
      %add3A_373 = arith.addi %mul3A_5, %add3A_372 : vector<16xi32>
      %gather3A_374 = tpu.vector_load_idx %arg7[%add3A_370, %add3A_373] : memref<64x20xf32, #tpu.memory_space<vmem>>[vector<16xi32>, vector<16xi32>], vector<16xf32>,
      %get3A_375 = arith.constant 7 : i32
      %get3A_376 = arith.index_cast %get3A_375 : i32 to index
      %get3A_377 = arith.constant 16 : index
      %get3A_378 = tpu.vector_load %arg8[%get3A_376, %get3A_377] {strides = array<i32>} : memref<20x64xf32, #tpu.memory_space<vmem>>, vector<16xf32>,
      %mul3A_379 = arith.mulf %gather3A_374, %get3A_378 : vector<16xf32>
      %add3A_380 = arith.addf %add3A_368, %mul3A_379 : vector<16xf32>
      %add3A_381 = vector.broadcast %mul3A_27 : i32 to vector<16xi32>
      %add3A_382 = arith.addi %mul3A_5, %add3A_381 : vector<16xi32>
      %add3A_383 = arith.constant 8 : i32
      %add3A_384 = vector.broadcast %add3A_383 : i32 to vector<16xi32>
      %add3A_385 = arith.addi %mul3A_5, %add3A_384 : vector<16xi32>
      %gather3A_386 = tpu.vector_load_idx %arg7[%add3A_382, %add3A_385] : memref<64x20xf32, #tpu.memory_space<vmem>>[vector<16xi32>, vector<16xi32>], vector<16xf32>,
      %get3A_387 = arith.constant 8 : i32
      %get3A_388 = arith.index_cast %get3A_387 : i32 to index
      %get3A_389 = arith.constant 16 : index
      %get3A_390 = tpu.vector_load %arg8[%get3A_388, %get3A_389] {strides = array<i32>} : memref<20x64xf32, #tpu.memory_space<vmem>>, vector<16xf32>,
      %mul3A_391 = arith.mulf %gather3A_386, %get3A_390 : vector<16xf32>
      %add3A_392 = arith.addf %add3A_380, %mul3A_391 : vector<16xf32>
      %add3A_393 = vector.broadcast %mul3A_27 : i32 to vector<16xi32>
      %add3A_394 = arith.addi %mul3A_5, %add3A_393 : vector<16xi32>
      %add3A_395 = arith.constant 9 : i32
      %add3A_396 = vector.broadcast %add3A_395 : i32 to vector<16xi32>
      %add3A_397 = arith.addi %mul3A_5, %add3A_396 : vector<16xi32>
      %gather3A_398 = tpu.vector_load_idx %arg7[%add3A_394, %add3A_397] : memref<64x20xf32, #tpu.memory_space<vmem>>[vector<16xi32>, vector<16xi32>], vector<16xf32>,
      %get3A_399 = arith.constant 9 : i32
      %get3A_400 = arith.index_cast %get3A_399 : i32 to index
      %get3A_401 = arith.constant 16 : index
      %get3A_402 = tpu.vector_load %arg8[%get3A_400, %get3A_401] {strides = array<i32>} : memref<20x64xf32, #tpu.memory_space<vmem>>, vector<16xf32>,
      %mul3A_403 = arith.mulf %gather3A_398, %get3A_402 : vector<16xf32>
      %add3A_404 = arith.addf %add3A_392, %mul3A_403 : vector<16xf32>
      %add3A_405 = vector.broadcast %mul3A_27 : i32 to vector<16xi32>
      %add3A_406 = arith.addi %mul3A_5, %add3A_405 : vector<16xi32>
      %add3A_407 = arith.constant 10 : i32
      %add3A_408 = vector.broadcast %add3A_407 : i32 to vector<16xi32>
      %add3A_409 = arith.addi %mul3A_5, %add3A_408 : vector<16xi32>
      %gather3A_410 = tpu.vector_load_idx %arg7[%add3A_406, %add3A_409] : memref<64x20xf32, #tpu.memory_space<vmem>>[vector<16xi32>, vector<16xi32>], vector<16xf32>,
      %get3A_411 = arith.constant 10 : i32
      %get3A_412 = arith.index_cast %get3A_411 : i32 to index
      %get3A_413 = arith.constant 16 : index
      %get3A_414 = tpu.vector_load %arg8[%get3A_412, %get3A_413] {strides = array<i32>} : memref<20x64xf32, #tpu.memory_space<vmem>>, vector<16xf32>,
      %mul3A_415 = arith.mulf %gather3A_410, %get3A_414 : vector<16xf32>
      %add3A_416 = arith.addf %add3A_404, %mul3A_415 : vector<16xf32>
      %add3A_417 = vector.broadcast %mul3A_27 : i32 to vector<16xi32>
      %add3A_418 = arith.addi %mul3A_5, %add3A_417 : vector<16xi32>
      %add3A_419 = arith.constant 11 : i32
      %add3A_420 = vector.broadcast %add3A_419 : i32 to vector<16xi32>
      %add3A_421 = arith.addi %mul3A_5, %add3A_420 : vector<16xi32>
      %gather3A_422 = tpu.vector_load_idx %arg7[%add3A_418, %add3A_421] : memref<64x20xf32, #tpu.memory_space<vmem>>[vector<16xi32>, vector<16xi32>], vector<16xf32>,
      %get3A_423 = arith.constant 11 : i32
      %get3A_424 = arith.index_cast %get3A_423 : i32 to index
      %get3A_425 = arith.constant 16 : index
      %get3A_426 = tpu.vector_load %arg8[%get3A_424, %get3A_425] {strides = array<i32>} : memref<20x64xf32, #tpu.memory_space<vmem>>, vector<16xf32>,
      %mul3A_427 = arith.mulf %gather3A_422, %get3A_426 : vector<16xf32>
      %add3A_428 = arith.addf %add3A_416, %mul3A_427 : vector<16xf32>
      %add3A_429 = vector.broadcast %mul3A_27 : i32 to vector<16xi32>
      %add3A_430 = arith.addi %mul3A_5, %add3A_429 : vector<16xi32>
      %add3A_431 = arith.constant 12 : i32
      %add3A_432 = vector.broadcast %add3A_431 : i32 to vector<16xi32>
      %add3A_433 = arith.addi %mul3A_5, %add3A_432 : vector<16xi32>
      %gather3A_434 = tpu.vector_load_idx %arg7[%add3A_430, %add3A_433] : memref<64x20xf32, #tpu.memory_space<vmem>>[vector<16xi32>, vector<16xi32>], vector<16xf32>,
      %get3A_435 = arith.constant 12 : i32
      %get3A_436 = arith.index_cast %get3A_435 : i32 to index
      %get3A_437 = arith.constant 16 : index
      %get3A_438 = tpu.vector_load %arg8[%get3A_436, %get3A_437] {strides = array<i32>} : memref<20x64xf32, #tpu.memory_space<vmem>>, vector<16xf32>,
      %mul3A_439 = arith.mulf %gather3A_434, %get3A_438 : vector<16xf32>
      %add3A_440 = arith.addf %add3A_428, %mul3A_439 : vector<16xf32>
      %add3A_441 = vector.broadcast %mul3A_27 : i32 to vector<16xi32>
      %add3A_442 = arith.addi %mul3A_5, %add3A_441 : vector<16xi32>
      %add3A_443 = arith.constant 13 : i32
      %add3A_444 = vector.broadcast %add3A_443 : i32 to vector<16xi32>
      %add3A_445 = arith.addi %mul3A_5, %add3A_444 : vector<16xi32>
      %gather3A_446 = tpu.vector_load_idx %arg7[%add3A_442, %add3A_445] : memref<64x20xf32, #tpu.memory_space<vmem>>[vector<16xi32>, vector<16xi32>], vector<16xf32>,
      %get3A_447 = arith.constant 13 : i32
      %get3A_448 = arith.index_cast %get3A_447 : i32 to index
      %get3A_449 = arith.constant 16 : index
      %get3A_450 = tpu.vector_load %arg8[%get3A_448, %get3A_449] {strides = array<i32>} : memref<20x64xf32, #tpu.memory_space<vmem>>, vector<16xf32>,
      %mul3A_451 = arith.mulf %gather3A_446, %get3A_450 : vector<16xf32>
      %add3A_452 = arith.addf %add3A_440, %mul3A_451 : vector<16xf32>
      %add3A_453 = vector.broadcast %mul3A_27 : i32 to vector<16xi32>
      %add3A_454 = arith.addi %mul3A_5, %add3A_453 : vector<16xi32>
      %add3A_455 = arith.constant 14 : i32
      %add3A_456 = vector.broadcast %add3A_455 : i32 to vector<16xi32>
      %add3A_457 = arith.addi %mul3A_5, %add3A_456 : vector<16xi32>
      %gather3A_458 = tpu.vector_load_idx %arg7[%add3A_454, %add3A_457] : memref<64x20xf32, #tpu.memory_space<vmem>>[vector<16xi32>, vector<16xi32>], vector<16xf32>,
      %get3A_459 = arith.constant 14 : i32
      %get3A_460 = arith.index_cast %get3A_459 : i32 to index
      %get3A_461 = arith.constant 16 : index
      %get3A_462 = tpu.vector_load %arg8[%get3A_460, %get3A_461] {strides = array<i32>} : memref<20x64xf32, #tpu.memory_space<vmem>>, vector<16xf32>,
      %mul3A_463 = arith.mulf %gather3A_458, %get3A_462 : vector<16xf32>
      %add3A_464 = arith.addf %add3A_452, %mul3A_463 : vector<16xf32>
      %add3A_465 = vector.broadcast %mul3A_27 : i32 to vector<16xi32>
      %add3A_466 = arith.addi %mul3A_5, %add3A_465 : vector<16xi32>
      %add3A_467 = arith.constant 15 : i32
      %add3A_468 = vector.broadcast %add3A_467 : i32 to vector<16xi32>
      %add3A_469 = arith.addi %mul3A_5, %add3A_468 : vector<16xi32>
      %gather3A_470 = tpu.vector_load_idx %arg7[%add3A_466, %add3A_469] : memref<64x20xf32, #tpu.memory_space<vmem>>[vector<16xi32>, vector<16xi32>], vector<16xf32>,
      %get3A_471 = arith.constant 15 : i32
      %get3A_472 = arith.index_cast %get3A_471 : i32 to index
      %get3A_473 = arith.constant 16 : index
      %get3A_474 = tpu.vector_load %arg8[%get3A_472, %get3A_473] {strides = array<i32>} : memref<20x64xf32, #tpu.memory_space<vmem>>, vector<16xf32>,
      %mul3A_475 = arith.mulf %gather3A_470, %get3A_474 : vector<16xf32>
      %add3A_476 = arith.addf %add3A_464, %mul3A_475 : vector<16xf32>
      %add3A_477 = vector.broadcast %mul3A_27 : i32 to vector<16xi32>
      %add3A_478 = arith.addi %mul3A_5, %add3A_477 : vector<16xi32>
      %add3A_479 = arith.constant 16 : i32
      %add3A_480 = vector.broadcast %add3A_479 : i32 to vector<16xi32>
      %add3A_481 = arith.addi %mul3A_5, %add3A_480 : vector<16xi32>
      %gather3A_482 = tpu.vector_load_idx %arg7[%add3A_478, %add3A_481] : memref<64x20xf32, #tpu.memory_space<vmem>>[vector<16xi32>, vector<16xi32>], vector<16xf32>,
      %get3A_483 = arith.constant 16 : i32
      %get3A_484 = arith.index_cast %get3A_483 : i32 to index
      %get3A_485 = arith.constant 16 : index
      %get3A_486 = tpu.vector_load %arg8[%get3A_484, %get3A_485] {strides = array<i32>} : memref<20x64xf32, #tpu.memory_space<vmem>>, vector<16xf32>,
      %mul3A_487 = arith.mulf %gather3A_482, %get3A_486 : vector<16xf32>
      %add3A_488 = arith.addf %add3A_476, %mul3A_487 : vector<16xf32>
      %add3A_489 = vector.broadcast %mul3A_27 : i32 to vector<16xi32>
      %add3A_490 = arith.addi %mul3A_5, %add3A_489 : vector<16xi32>
      %add3A_491 = arith.constant 17 : i32
      %add3A_492 = vector.broadcast %add3A_491 : i32 to vector<16xi32>
      %add3A_493 = arith.addi %mul3A_5, %add3A_492 : vector<16xi32>
      %gather3A_494 = tpu.vector_load_idx %arg7[%add3A_490, %add3A_493] : memref<64x20xf32, #tpu.memory_space<vmem>>[vector<16xi32>, vector<16xi32>], vector<16xf32>,
      %get3A_495 = arith.constant 17 : i32
      %get3A_496 = arith.index_cast %get3A_495 : i32 to index
      %get3A_497 = arith.constant 16 : index
      %get3A_498 = tpu.vector_load %arg8[%get3A_496, %get3A_497] {strides = array<i32>} : memref<20x64xf32, #tpu.memory_space<vmem>>, vector<16xf32>,
      %mul3A_499 = arith.mulf %gather3A_494, %get3A_498 : vector<16xf32>
      %add3A_500 = arith.addf %add3A_488, %mul3A_499 : vector<16xf32>
      %add3A_501 = vector.broadcast %mul3A_27 : i32 to vector<16xi32>
      %add3A_502 = arith.addi %mul3A_5, %add3A_501 : vector<16xi32>
      %add3A_503 = arith.constant 18 : i32
      %add3A_504 = vector.broadcast %add3A_503 : i32 to vector<16xi32>
      %add3A_505 = arith.addi %mul3A_5, %add3A_504 : vector<16xi32>
      %gather3A_506 = tpu.vector_load_idx %arg7[%add3A_502, %add3A_505] : memref<64x20xf32, #tpu.memory_space<vmem>>[vector<16xi32>, vector<16xi32>], vector<16xf32>,
      %get3A_507 = arith.constant 18 : i32
      %get3A_508 = arith.index_cast %get3A_507 : i32 to index
      %get3A_509 = arith.constant 16 : index
      %get3A_510 = tpu.vector_load %arg8[%get3A_508, %get3A_509] {strides = array<i32>} : memref<20x64xf32, #tpu.memory_space<vmem>>, vector<16xf32>,
      %mul3A_511 = arith.mulf %gather3A_506, %get3A_510 : vector<16xf32>
      %add3A_512 = arith.addf %add3A_500, %mul3A_511 : vector<16xf32>
      %add3A_513 = vector.broadcast %mul3A_27 : i32 to vector<16xi32>
      %add3A_514 = arith.addi %mul3A_5, %add3A_513 : vector<16xi32>
      %add3A_515 = arith.constant 19 : i32
      %add3A_516 = vector.broadcast %add3A_515 : i32 to vector<16xi32>
      %add3A_517 = arith.addi %mul3A_5, %add3A_516 : vector<16xi32>
      %gather3A_518 = tpu.vector_load_idx %arg7[%add3A_514, %add3A_517] : memref<64x20xf32, #tpu.memory_space<vmem>>[vector<16xi32>, vector<16xi32>], vector<16xf32>,
      %get3A_519 = arith.constant 19 : i32
      %get3A_520 = arith.index_cast %get3A_519 : i32 to index
      %get3A_521 = arith.constant 16 : index
      %get3A_522 = tpu.vector_load %arg8[%get3A_520, %get3A_521] {strides = array<i32>} : memref<20x64xf32, #tpu.memory_space<vmem>>, vector<16xf32>,
      %mul3A_523 = arith.mulf %gather3A_518, %get3A_522 : vector<16xf32>
      %add3A_524 = arith.addf %add3A_512, %mul3A_523 : vector<16xf32>
      %swap3A_525 = arith.index_cast %mul3A_27 : i32 to index
      %swap3A_526 = arith.constant 16 : index
      %swap3A_527 = tpu.vector_load %arg10[%swap3A_525, %swap3A_526] {strides = array<i32>} : memref<64x64xf32, #tpu.memory_space<vmem>>, vector<16xf32>,
      tpu.vector_store %arg10[%swap3A_525, %swap3A_526], %add3A_524 {strides = array<i32>} : memref<64x64xf32, #tpu.memory_space<vmem>>, vector<16xf32>,
      %broadcast_in_dim3A_528 = arith.constant 0.000000e+00 : f32
      %broadcast_in_dim3A_529 = vector.broadcast %broadcast_in_dim3A_528 : f32 to vector<16xf32>
      %add3A_530 = vector.broadcast %mul3A_27 : i32 to vector<16xi32>
      %add3A_531 = arith.addi %mul3A_5, %add3A_530 : vector<16xi32>
      %add3A_532 = arith.constant 0 : i32
      %add3A_533 = vector.broadcast %add3A_532 : i32 to vector<16xi32>
      %add3A_534 = arith.addi %mul3A_5, %add3A_533 : vector<16xi32>
      %gather3A_535 = tpu.vector_load_idx %arg7[%add3A_531, %add3A_534] : memref<64x20xf32, #tpu.memory_space<vmem>>[vector<16xi32>, vector<16xi32>], vector<16xf32>,
      %get3A_536 = arith.constant 0 : i32
      %get3A_537 = arith.index_cast %get3A_536 : i32 to index
      %get3A_538 = arith.constant 32 : index
      %get3A_539 = tpu.vector_load %arg8[%get3A_537, %get3A_538] {strides = array<i32>} : memref<20x64xf32, #tpu.memory_space<vmem>>, vector<16xf32>,
      %mul3A_540 = arith.mulf %gather3A_535, %get3A_539 : vector<16xf32>
      %add3A_541 = arith.addf %broadcast_in_dim3A_529, %mul3A_540 : vector<16xf32>
      %add3A_542 = vector.broadcast %mul3A_27 : i32 to vector<16xi32>
      %add3A_543 = arith.addi %mul3A_5, %add3A_542 : vector<16xi32>
      %add3A_544 = arith.constant 1 : i32
      %add3A_545 = vector.broadcast %add3A_544 : i32 to vector<16xi32>
      %add3A_546 = arith.addi %mul3A_5, %add3A_545 : vector<16xi32>
      %gather3A_547 = tpu.vector_load_idx %arg7[%add3A_543, %add3A_546] : memref<64x20xf32, #tpu.memory_space<vmem>>[vector<16xi32>, vector<16xi32>], vector<16xf32>,
      %get3A_548 = arith.constant 1 : i32
      %get3A_549 = arith.index_cast %get3A_548 : i32 to index
      %get3A_550 = arith.constant 32 : index
      %get3A_551 = tpu.vector_load %arg8[%get3A_549, %get3A_550] {strides = array<i32>} : memref<20x64xf32, #tpu.memory_space<vmem>>, vector<16xf32>,
      %mul3A_552 = arith.mulf %gather3A_547, %get3A_551 : vector<16xf32>
      %add3A_553 = arith.addf %add3A_541, %mul3A_552 : vector<16xf32>
      %add3A_554 = vector.broadcast %mul3A_27 : i32 to vector<16xi32>
      %add3A_555 = arith.addi %mul3A_5, %add3A_554 : vector<16xi32>
      %add3A_556 = arith.constant 2 : i32
      %add3A_557 = vector.broadcast %add3A_556 : i32 to vector<16xi32>
      %add3A_558 = arith.addi %mul3A_5, %add3A_557 : vector<16xi32>
      %gather3A_559 = tpu.vector_load_idx %arg7[%add3A_555, %add3A_558] : memref<64x20xf32, #tpu.memory_space<vmem>>[vector<16xi32>, vector<16xi32>], vector<16xf32>,
      %get3A_560 = arith.constant 2 : i32
      %get3A_561 = arith.index_cast %get3A_560 : i32 to index
      %get3A_562 = arith.constant 32 : index
      %get3A_563 = tpu.vector_load %arg8[%get3A_561, %get3A_562] {strides = array<i32>} : memref<20x64xf32, #tpu.memory_space<vmem>>, vector<16xf32>,
      %mul3A_564 = arith.mulf %gather3A_559, %get3A_563 : vector<16xf32>
      %add3A_565 = arith.addf %add3A_553, %mul3A_564 : vector<16xf32>
      %add3A_566 = vector.broadcast %mul3A_27 : i32 to vector<16xi32>
      %add3A_567 = arith.addi %mul3A_5, %add3A_566 : vector<16xi32>
      %add3A_568 = arith.constant 3 : i32
      %add3A_569 = vector.broadcast %add3A_568 : i32 to vector<16xi32>
      %add3A_570 = arith.addi %mul3A_5, %add3A_569 : vector<16xi32>
      %gather3A_571 = tpu.vector_load_idx %arg7[%add3A_567, %add3A_570] : memref<64x20xf32, #tpu.memory_space<vmem>>[vector<16xi32>, vector<16xi32>], vector<16xf32>,
      %get3A_572 = arith.constant 3 : i32
      %get3A_573 = arith.index_cast %get3A_572 : i32 to index
      %get3A_574 = arith.constant 32 : index
      %get3A_575 = tpu.vector_load %arg8[%get3A_573, %get3A_574] {strides = array<i32>} : memref<20x64xf32, #tpu.memory_space<vmem>>, vector<16xf32>,
      %mul3A_576 = arith.mulf %gather3A_571, %get3A_575 : vector<16xf32>
      %add3A_577 = arith.addf %add3A_565, %mul3A_576 : vector<16xf32>
      %add3A_578 = vector.broadcast %mul3A_27 : i32 to vector<16xi32>
      %add3A_579 = arith.addi %mul3A_5, %add3A_578 : vector<16xi32>
      %add3A_580 = arith.constant 4 : i32
      %add3A_581 = vector.broadcast %add3A_580 : i32 to vector<16xi32>
      %add3A_582 = arith.addi %mul3A_5, %add3A_581 : vector<16xi32>
      %gather3A_583 = tpu.vector_load_idx %arg7[%add3A_579, %add3A_582] : memref<64x20xf32, #tpu.memory_space<vmem>>[vector<16xi32>, vector<16xi32>], vector<16xf32>,
      %get3A_584 = arith.constant 4 : i32
      %get3A_585 = arith.index_cast %get3A_584 : i32 to index
      %get3A_586 = arith.constant 32 : index
      %get3A_587 = tpu.vector_load %arg8[%get3A_585, %get3A_586] {strides = array<i32>} : memref<20x64xf32, #tpu.memory_space<vmem>>, vector<16xf32>,
      %mul3A_588 = arith.mulf %gather3A_583, %get3A_587 : vector<16xf32>
      %add3A_589 = arith.addf %add3A_577, %mul3A_588 : vector<16xf32>
      %add3A_590 = vector.broadcast %mul3A_27 : i32 to vector<16xi32>
      %add3A_591 = arith.addi %mul3A_5, %add3A_590 : vector<16xi32>
      %add3A_592 = arith.constant 5 : i32
      %add3A_593 = vector.broadcast %add3A_592 : i32 to vector<16xi32>
      %add3A_594 = arith.addi %mul3A_5, %add3A_593 : vector<16xi32>
      %gather3A_595 = tpu.vector_load_idx %arg7[%add3A_591, %add3A_594] : memref<64x20xf32, #tpu.memory_space<vmem>>[vector<16xi32>, vector<16xi32>], vector<16xf32>,
      %get3A_596 = arith.constant 5 : i32
      %get3A_597 = arith.index_cast %get3A_596 : i32 to index
      %get3A_598 = arith.constant 32 : index
      %get3A_599 = tpu.vector_load %arg8[%get3A_597, %get3A_598] {strides = array<i32>} : memref<20x64xf32, #tpu.memory_space<vmem>>, vector<16xf32>,
      %mul3A_600 = arith.mulf %gather3A_595, %get3A_599 : vector<16xf32>
      %add3A_601 = arith.addf %add3A_589, %mul3A_600 : vector<16xf32>
      %add3A_602 = vector.broadcast %mul3A_27 : i32 to vector<16xi32>
      %add3A_603 = arith.addi %mul3A_5, %add3A_602 : vector<16xi32>
      %add3A_604 = arith.constant 6 : i32
      %add3A_605 = vector.broadcast %add3A_604 : i32 to vector<16xi32>
      %add3A_606 = arith.addi %mul3A_5, %add3A_605 : vector<16xi32>
      %gather3A_607 = tpu.vector_load_idx %arg7[%add3A_603, %add3A_606] : memref<64x20xf32, #tpu.memory_space<vmem>>[vector<16xi32>, vector<16xi32>], vector<16xf32>,
      %get3A_608 = arith.constant 6 : i32
      %get3A_609 = arith.index_cast %get3A_608 : i32 to index
      %get3A_610 = arith.constant 32 : index
      %get3A_611 = tpu.vector_load %arg8[%get3A_609, %get3A_610] {strides = array<i32>} : memref<20x64xf32, #tpu.memory_space<vmem>>, vector<16xf32>,
      %mul3A_612 = arith.mulf %gather3A_607, %get3A_611 : vector<16xf32>
      %add3A_613 = arith.addf %add3A_601, %mul3A_612 : vector<16xf32>
      %add3A_614 = vector.broadcast %mul3A_27 : i32 to vector<16xi32>
      %add3A_615 = arith.addi %mul3A_5, %add3A_614 : vector<16xi32>
      %add3A_616 = arith.constant 7 : i32
      %add3A_617 = vector.broadcast %add3A_616 : i32 to vector<16xi32>
      %add3A_618 = arith.addi %mul3A_5, %add3A_617 : vector<16xi32>
      %gather3A_619 = tpu.vector_load_idx %arg7[%add3A_615, %add3A_618] : memref<64x20xf32, #tpu.memory_space<vmem>>[vector<16xi32>, vector<16xi32>], vector<16xf32>,
      %get3A_620 = arith.constant 7 : i32
      %get3A_621 = arith.index_cast %get3A_620 : i32 to index
      %get3A_622 = arith.constant 32 : index
      %get3A_623 = tpu.vector_load %arg8[%get3A_621, %get3A_622] {strides = array<i32>} : memref<20x64xf32, #tpu.memory_space<vmem>>, vector<16xf32>,
      %mul3A_624 = arith.mulf %gather3A_619, %get3A_623 : vector<16xf32>
      %add3A_625 = arith.addf %add3A_613, %mul3A_624 : vector<16xf32>
      %add3A_626 = vector.broadcast %mul3A_27 : i32 to vector<16xi32>
      %add3A_627 = arith.addi %mul3A_5, %add3A_626 : vector<16xi32>
      %add3A_628 = arith.constant 8 : i32
      %add3A_629 = vector.broadcast %add3A_628 : i32 to vector<16xi32>
      %add3A_630 = arith.addi %mul3A_5, %add3A_629 : vector<16xi32>
      %gather3A_631 = tpu.vector_load_idx %arg7[%add3A_627, %add3A_630] : memref<64x20xf32, #tpu.memory_space<vmem>>[vector<16xi32>, vector<16xi32>], vector<16xf32>,
      %get3A_632 = arith.constant 8 : i32
      %get3A_633 = arith.index_cast %get3A_632 : i32 to index
      %get3A_634 = arith.constant 32 : index
      %get3A_635 = tpu.vector_load %arg8[%get3A_633, %get3A_634] {strides = array<i32>} : memref<20x64xf32, #tpu.memory_space<vmem>>, vector<16xf32>,
      %mul3A_636 = arith.mulf %gather3A_631, %get3A_635 : vector<16xf32>
      %add3A_637 = arith.addf %add3A_625, %mul3A_636 : vector<16xf32>
      %add3A_638 = vector.broadcast %mul3A_27 : i32 to vector<16xi32>
      %add3A_639 = arith.addi %mul3A_5, %add3A_638 : vector<16xi32>
      %add3A_640 = arith.constant 9 : i32
      %add3A_641 = vector.broadcast %add3A_640 : i32 to vector<16xi32>
      %add3A_642 = arith.addi %mul3A_5, %add3A_641 : vector<16xi32>
      %gather3A_643 = tpu.vector_load_idx %arg7[%add3A_639, %add3A_642] : memref<64x20xf32, #tpu.memory_space<vmem>>[vector<16xi32>, vector<16xi32>], vector<16xf32>,
      %get3A_644 = arith.constant 9 : i32
      %get3A_645 = arith.index_cast %get3A_644 : i32 to index
      %get3A_646 = arith.constant 32 : index
      %get3A_647 = tpu.vector_load %arg8[%get3A_645, %get3A_646] {strides = array<i32>} : memref<20x64xf32, #tpu.memory_space<vmem>>, vector<16xf32>,
      %mul3A_648 = arith.mulf %gather3A_643, %get3A_647 : vector<16xf32>
      %add3A_649 = arith.addf %add3A_637, %mul3A_648 : vector<16xf32>
      %add3A_650 = vector.broadcast %mul3A_27 : i32 to vector<16xi32>
      %add3A_651 = arith.addi %mul3A_5, %add3A_650 : vector<16xi32>
      %add3A_652 = arith.constant 10 : i32
      %add3A_653 = vector.broadcast %add3A_652 : i32 to vector<16xi32>
      %add3A_654 = arith.addi %mul3A_5, %add3A_653 : vector<16xi32>
      %gather3A_655 = tpu.vector_load_idx %arg7[%add3A_651, %add3A_654] : memref<64x20xf32, #tpu.memory_space<vmem>>[vector<16xi32>, vector<16xi32>], vector<16xf32>,
      %get3A_656 = arith.constant 10 : i32
      %get3A_657 = arith.index_cast %get3A_656 : i32 to index
      %get3A_658 = arith.constant 32 : index
      %get3A_659 = tpu.vector_load %arg8[%get3A_657, %get3A_658] {strides = array<i32>} : memref<20x64xf32, #tpu.memory_space<vmem>>, vector<16xf32>,
      %mul3A_660 = arith.mulf %gather3A_655, %get3A_659 : vector<16xf32>
      %add3A_661 = arith.addf %add3A_649, %mul3A_660 : vector<16xf32>
      %add3A_662 = vector.broadcast %mul3A_27 : i32 to vector<16xi32>
      %add3A_663 = arith.addi %mul3A_5, %add3A_662 : vector<16xi32>
      %add3A_664 = arith.constant 11 : i32
      %add3A_665 = vector.broadcast %add3A_664 : i32 to vector<16xi32>
      %add3A_666 = arith.addi %mul3A_5, %add3A_665 : vector<16xi32>
      %gather3A_667 = tpu.vector_load_idx %arg7[%add3A_663, %add3A_666] : memref<64x20xf32, #tpu.memory_space<vmem>>[vector<16xi32>, vector<16xi32>], vector<16xf32>,
      %get3A_668 = arith.constant 11 : i32
      %get3A_669 = arith.index_cast %get3A_668 : i32 to index
      %get3A_670 = arith.constant 32 : index
      %get3A_671 = tpu.vector_load %arg8[%get3A_669, %get3A_670] {strides = array<i32>} : memref<20x64xf32, #tpu.memory_space<vmem>>, vector<16xf32>,
      %mul3A_672 = arith.mulf %gather3A_667, %get3A_671 : vector<16xf32>
      %add3A_673 = arith.addf %add3A_661, %mul3A_672 : vector<16xf32>
      %add3A_674 = vector.broadcast %mul3A_27 : i32 to vector<16xi32>
      %add3A_675 = arith.addi %mul3A_5, %add3A_674 : vector<16xi32>
      %add3A_676 = arith.constant 12 : i32
      %add3A_677 = vector.broadcast %add3A_676 : i32 to vector<16xi32>
      %add3A_678 = arith.addi %mul3A_5, %add3A_677 : vector<16xi32>
      %gather3A_679 = tpu.vector_load_idx %arg7[%add3A_675, %add3A_678] : memref<64x20xf32, #tpu.memory_space<vmem>>[vector<16xi32>, vector<16xi32>], vector<16xf32>,
      %get3A_680 = arith.constant 12 : i32
      %get3A_681 = arith.index_cast %get3A_680 : i32 to index
      %get3A_682 = arith.constant 32 : index
      %get3A_683 = tpu.vector_load %arg8[%get3A_681, %get3A_682] {strides = array<i32>} : memref<20x64xf32, #tpu.memory_space<vmem>>, vector<16xf32>,
      %mul3A_684 = arith.mulf %gather3A_679, %get3A_683 : vector<16xf32>
      %add3A_685 = arith.addf %add3A_673, %mul3A_684 : vector<16xf32>
      %add3A_686 = vector.broadcast %mul3A_27 : i32 to vector<16xi32>
      %add3A_687 = arith.addi %mul3A_5, %add3A_686 : vector<16xi32>
      %add3A_688 = arith.constant 13 : i32
      %add3A_689 = vector.broadcast %add3A_688 : i32 to vector<16xi32>
      %add3A_690 = arith.addi %mul3A_5, %add3A_689 : vector<16xi32>
      %gather3A_691 = tpu.vector_load_idx %arg7[%add3A_687, %add3A_690] : memref<64x20xf32, #tpu.memory_space<vmem>>[vector<16xi32>, vector<16xi32>], vector<16xf32>,
      %get3A_692 = arith.constant 13 : i32
      %get3A_693 = arith.index_cast %get3A_692 : i32 to index
      %get3A_694 = arith.constant 32 : index
      %get3A_695 = tpu.vector_load %arg8[%get3A_693, %get3A_694] {strides = array<i32>} : memref<20x64xf32, #tpu.memory_space<vmem>>, vector<16xf32>,
      %mul3A_696 = arith.mulf %gather3A_691, %get3A_695 : vector<16xf32>
      %add3A_697 = arith.addf %add3A_685, %mul3A_696 : vector<16xf32>
      %add3A_698 = vector.broadcast %mul3A_27 : i32 to vector<16xi32>
      %add3A_699 = arith.addi %mul3A_5, %add3A_698 : vector<16xi32>
      %add3A_700 = arith.constant 14 : i32
      %add3A_701 = vector.broadcast %add3A_700 : i32 to vector<16xi32>
      %add3A_702 = arith.addi %mul3A_5, %add3A_701 : vector<16xi32>
      %gather3A_703 = tpu.vector_load_idx %arg7[%add3A_699, %add3A_702] : memref<64x20xf32, #tpu.memory_space<vmem>>[vector<16xi32>, vector<16xi32>], vector<16xf32>,
      %get3A_704 = arith.constant 14 : i32
      %get3A_705 = arith.index_cast %get3A_704 : i32 to index
      %get3A_706 = arith.constant 32 : index
      %get3A_707 = tpu.vector_load %arg8[%get3A_705, %get3A_706] {strides = array<i32>} : memref<20x64xf32, #tpu.memory_space<vmem>>, vector<16xf32>,
      %mul3A_708 = arith.mulf %gather3A_703, %get3A_707 : vector<16xf32>
      %add3A_709 = arith.addf %add3A_697, %mul3A_708 : vector<16xf32>
      %add3A_710 = vector.broadcast %mul3A_27 : i32 to vector<16xi32>
      %add3A_711 = arith.addi %mul3A_5, %add3A_710 : vector<16xi32>
      %add3A_712 = arith.constant 15 : i32
      %add3A_713 = vector.broadcast %add3A_712 : i32 to vector<16xi32>
      %add3A_714 = arith.addi %mul3A_5, %add3A_713 : vector<16xi32>
      %gather3A_715 = tpu.vector_load_idx %arg7[%add3A_711, %add3A_714] : memref<64x20xf32, #tpu.memory_space<vmem>>[vector<16xi32>, vector<16xi32>], vector<16xf32>,
      %get3A_716 = arith.constant 15 : i32
      %get3A_717 = arith.index_cast %get3A_716 : i32 to index
      %get3A_718 = arith.constant 32 : index
      %get3A_719 = tpu.vector_load %arg8[%get3A_717, %get3A_718] {strides = array<i32>} : memref<20x64xf32, #tpu.memory_space<vmem>>, vector<16xf32>,
      %mul3A_720 = arith.mulf %gather3A_715, %get3A_719 : vector<16xf32>
      %add3A_721 = arith.addf %add3A_709, %mul3A_720 : vector<16xf32>
      %add3A_722 = vector.broadcast %mul3A_27 : i32 to vector<16xi32>
      %add3A_723 = arith.addi %mul3A_5, %add3A_722 : vector<16xi32>
      %add3A_724 = arith.constant 16 : i32
      %add3A_725 = vector.broadcast %add3A_724 : i32 to vector<16xi32>
      %add3A_726 = arith.addi %mul3A_5, %add3A_725 : vector<16xi32>
      %gather3A_727 = tpu.vector_load_idx %arg7[%add3A_723, %add3A_726] : memref<64x20xf32, #tpu.memory_space<vmem>>[vector<16xi32>, vector<16xi32>], vector<16xf32>,
      %get3A_728 = arith.constant 16 : i32
      %get3A_729 = arith.index_cast %get3A_728 : i32 to index
      %get3A_730 = arith.constant 32 : index
      %get3A_731 = tpu.vector_load %arg8[%get3A_729, %get3A_730] {strides = array<i32>} : memref<20x64xf32, #tpu.memory_space<vmem>>, vector<16xf32>,
      %mul3A_732 = arith.mulf %gather3A_727, %get3A_731 : vector<16xf32>
      %add3A_733 = arith.addf %add3A_721, %mul3A_732 : vector<16xf32>
      %add3A_734 = vector.broadcast %mul3A_27 : i32 to vector<16xi32>
      %add3A_735 = arith.addi %mul3A_5, %add3A_734 : vector<16xi32>
      %add3A_736 = arith.constant 17 : i32
      %add3A_737 = vector.broadcast %add3A_736 : i32 to vector<16xi32>
      %add3A_738 = arith.addi %mul3A_5, %add3A_737 : vector<16xi32>
      %gather3A_739 = tpu.vector_load_idx %arg7[%add3A_735, %add3A_738] : memref<64x20xf32, #tpu.memory_space<vmem>>[vector<16xi32>, vector<16xi32>], vector<16xf32>,
      %get3A_740 = arith.constant 17 : i32
      %get3A_741 = arith.index_cast %get3A_740 : i32 to index
      %get3A_742 = arith.constant 32 : index
      %get3A_743 = tpu.vector_load %arg8[%get3A_741, %get3A_742] {strides = array<i32>} : memref<20x64xf32, #tpu.memory_space<vmem>>, vector<16xf32>,
      %mul3A_744 = arith.mulf %gather3A_739, %get3A_743 : vector<16xf32>
      %add3A_745 = arith.addf %add3A_733, %mul3A_744 : vector<16xf32>
      %add3A_746 = vector.broadcast %mul3A_27 : i32 to vector<16xi32>
      %add3A_747 = arith.addi %mul3A_5, %add3A_746 : vector<16xi32>
      %add3A_748 = arith.constant 18 : i32
      %add3A_749 = vector.broadcast %add3A_748 : i32 to vector<16xi32>
      %add3A_750 = arith.addi %mul3A_5, %add3A_749 : vector<16xi32>
      %gather3A_751 = tpu.vector_load_idx %arg7[%add3A_747, %add3A_750] : memref<64x20xf32, #tpu.memory_space<vmem>>[vector<16xi32>, vector<16xi32>], vector<16xf32>,
      %get3A_752 = arith.constant 18 : i32
      %get3A_753 = arith.index_cast %get3A_752 : i32 to index
      %get3A_754 = arith.constant 32 : index
      %get3A_755 = tpu.vector_load %arg8[%get3A_753, %get3A_754] {strides = array<i32>} : memref<20x64xf32, #tpu.memory_space<vmem>>, vector<16xf32>,
      %mul3A_756 = arith.mulf %gather3A_751, %get3A_755 : vector<16xf32>
      %add3A_757 = arith.addf %add3A_745, %mul3A_756 : vector<16xf32>
      %add3A_758 = vector.broadcast %mul3A_27 : i32 to vector<16xi32>
      %add3A_759 = arith.addi %mul3A_5, %add3A_758 : vector<16xi32>
      %add3A_760 = arith.constant 19 : i32
      %add3A_761 = vector.broadcast %add3A_760 : i32 to vector<16xi32>
      %add3A_762 = arith.addi %mul3A_5, %add3A_761 : vector<16xi32>
      %gather3A_763 = tpu.vector_load_idx %arg7[%add3A_759, %add3A_762] : memref<64x20xf32, #tpu.memory_space<vmem>>[vector<16xi32>, vector<16xi32>], vector<16xf32>,
      %get3A_764 = arith.constant 19 : i32
      %get3A_765 = arith.index_cast %get3A_764 : i32 to index
      %get3A_766 = arith.constant 32 : index
      %get3A_767 = tpu.vector_load %arg8[%get3A_765, %get3A_766] {strides = array<i32>} : memref<20x64xf32, #tpu.memory_space<vmem>>, vector<16xf32>,
      %mul3A_768 = arith.mulf %gather3A_763, %get3A_767 : vector<16xf32>
      %add3A_769 = arith.addf %add3A_757, %mul3A_768 : vector<16xf32>
      %swap3A_770 = arith.index_cast %mul3A_27 : i32 to index
      %swap3A_771 = arith.constant 32 : index
      %swap3A_772 = tpu.vector_load %arg10[%swap3A_770, %swap3A_771] {strides = array<i32>} : memref<64x64xf32, #tpu.memory_space<vmem>>, vector<16xf32>,
      tpu.vector_store %arg10[%swap3A_770, %swap3A_771], %add3A_769 {strides = array<i32>} : memref<64x64xf32, #tpu.memory_space<vmem>>, vector<16xf32>,
      %broadcast_in_dim3A_773 = arith.constant 0.000000e+00 : f32
      %broadcast_in_dim3A_774 = vector.broadcast %broadcast_in_dim3A_773 : f32 to vector<16xf32>
      %add3A_775 = vector.broadcast %mul3A_27 : i32 to vector<16xi32>
      %add3A_776 = arith.addi %mul3A_5, %add3A_775 : vector<16xi32>
      %add3A_777 = arith.constant 0 : i32
      %add3A_778 = vector.broadcast %add3A_777 : i32 to vector<16xi32>
      %add3A_779 = arith.addi %mul3A_5, %add3A_778 : vector<16xi32>
      %gather3A_780 = tpu.vector_load_idx %arg7[%add3A_776, %add3A_779] : memref<64x20xf32, #tpu.memory_space<vmem>>[vector<16xi32>, vector<16xi32>], vector<16xf32>,
      %get3A_781 = arith.constant 0 : i32
      %get3A_782 = arith.index_cast %get3A_781 : i32 to index
      %get3A_783 = arith.constant 48 : index
      %get3A_784 = tpu.vector_load %arg8[%get3A_782, %get3A_783] {strides = array<i32>} : memref<20x64xf32, #tpu.memory_space<vmem>>, vector<16xf32>,
      %mul3A_785 = arith.mulf %gather3A_780, %get3A_784 : vector<16xf32>
      %add3A_786 = arith.addf %broadcast_in_dim3A_774, %mul3A_785 : vector<16xf32>
      %add3A_787 = vector.broadcast %mul3A_27 : i32 to vector<16xi32>
      %add3A_788 = arith.addi %mul3A_5, %add3A_787 : vector<16xi32>
      %add3A_789 = arith.constant 1 : i32
      %add3A_790 = vector.broadcast %add3A_789 : i32 to vector<16xi32>
      %add3A_791 = arith.addi %mul3A_5, %add3A_790 : vector<16xi32>
      %gather3A_792 = tpu.vector_load_idx %arg7[%add3A_788, %add3A_791] : memref<64x20xf32, #tpu.memory_space<vmem>>[vector<16xi32>, vector<16xi32>], vector<16xf32>,
      %get3A_793 = arith.constant 1 : i32
      %get3A_794 = arith.index_cast %get3A_793 : i32 to index
      %get3A_795 = arith.constant 48 : index
      %get3A_796 = tpu.vector_load %arg8[%get3A_794, %get3A_795] {strides = array<i32>} : memref<20x64xf32, #tpu.memory_space<vmem>>, vector<16xf32>,
      %mul3A_797 = arith.mulf %gather3A_792, %get3A_796 : vector<16xf32>
      %add3A_798 = arith.addf %add3A_786, %mul3A_797 : vector<16xf32>
      %add3A_799 = vector.broadcast %mul3A_27 : i32 to vector<16xi32>
      %add3A_800 = arith.addi %mul3A_5, %add3A_799 : vector<16xi32>
      %add3A_801 = arith.constant 2 : i32
      %add3A_802 = vector.broadcast %add3A_801 : i32 to vector<16xi32>
      %add3A_803 = arith.addi %mul3A_5, %add3A_802 : vector<16xi32>
      %gather3A_804 = tpu.vector_load_idx %arg7[%add3A_800, %add3A_803] : memref<64x20xf32, #tpu.memory_space<vmem>>[vector<16xi32>, vector<16xi32>], vector<16xf32>,
      %get3A_805 = arith.constant 2 : i32
      %get3A_806 = arith.index_cast %get3A_805 : i32 to index
      %get3A_807 = arith.constant 48 : index
      %get3A_808 = tpu.vector_load %arg8[%get3A_806, %get3A_807] {strides = array<i32>} : memref<20x64xf32, #tpu.memory_space<vmem>>, vector<16xf32>,
      %mul3A_809 = arith.mulf %gather3A_804, %get3A_808 : vector<16xf32>
      %add3A_810 = arith.addf %add3A_798, %mul3A_809 : vector<16xf32>
      %add3A_811 = vector.broadcast %mul3A_27 : i32 to vector<16xi32>
      %add3A_812 = arith.addi %mul3A_5, %add3A_811 : vector<16xi32>
      %add3A_813 = arith.constant 3 : i32
      %add3A_814 = vector.broadcast %add3A_813 : i32 to vector<16xi32>
      %add3A_815 = arith.addi %mul3A_5, %add3A_814 : vector<16xi32>
      %gather3A_816 = tpu.vector_load_idx %arg7[%add3A_812, %add3A_815] : memref<64x20xf32, #tpu.memory_space<vmem>>[vector<16xi32>, vector<16xi32>], vector<16xf32>,
      %get3A_817 = arith.constant 3 : i32
      %get3A_818 = arith.index_cast %get3A_817 : i32 to index
      %get3A_819 = arith.constant 48 : index
      %get3A_820 = tpu.vector_load %arg8[%get3A_818, %get3A_819] {strides = array<i32>} : memref<20x64xf32, #tpu.memory_space<vmem>>, vector<16xf32>,
      %mul3A_821 = arith.mulf %gather3A_816, %get3A_820 : vector<16xf32>
      %add3A_822 = arith.addf %add3A_810, %mul3A_821 : vector<16xf32>
      %add3A_823 = vector.broadcast %mul3A_27 : i32 to vector<16xi32>
      %add3A_824 = arith.addi %mul3A_5, %add3A_823 : vector<16xi32>
      %add3A_825 = arith.constant 4 : i32
      %add3A_826 = vector.broadcast %add3A_825 : i32 to vector<16xi32>
      %add3A_827 = arith.addi %mul3A_5, %add3A_826 : vector<16xi32>
      %gather3A_828 = tpu.vector_load_idx %arg7[%add3A_824, %add3A_827] : memref<64x20xf32, #tpu.memory_space<vmem>>[vector<16xi32>, vector<16xi32>], vector<16xf32>,
      %get3A_829 = arith.constant 4 : i32
      %get3A_830 = arith.index_cast %get3A_829 : i32 to index
      %get3A_831 = arith.constant 48 : index
      %get3A_832 = tpu.vector_load %arg8[%get3A_830, %get3A_831] {strides = array<i32>} : memref<20x64xf32, #tpu.memory_space<vmem>>, vector<16xf32>,
      %mul3A_833 = arith.mulf %gather3A_828, %get3A_832 : vector<16xf32>
      %add3A_834 = arith.addf %add3A_822, %mul3A_833 : vector<16xf32>
      %add3A_835 = vector.broadcast %mul3A_27 : i32 to vector<16xi32>
      %add3A_836 = arith.addi %mul3A_5, %add3A_835 : vector<16xi32>
      %add3A_837 = arith.constant 5 : i32
      %add3A_838 = vector.broadcast %add3A_837 : i32 to vector<16xi32>
      %add3A_839 = arith.addi %mul3A_5, %add3A_838 : vector<16xi32>
      %gather3A_840 = tpu.vector_load_idx %arg7[%add3A_836, %add3A_839] : memref<64x20xf32, #tpu.memory_space<vmem>>[vector<16xi32>, vector<16xi32>], vector<16xf32>,
      %get3A_841 = arith.constant 5 : i32
      %get3A_842 = arith.index_cast %get3A_841 : i32 to index
      %get3A_843 = arith.constant 48 : index
      %get3A_844 = tpu.vector_load %arg8[%get3A_842, %get3A_843] {strides = array<i32>} : memref<20x64xf32, #tpu.memory_space<vmem>>, vector<16xf32>,
      %mul3A_845 = arith.mulf %gather3A_840, %get3A_844 : vector<16xf32>
      %add3A_846 = arith.addf %add3A_834, %mul3A_845 : vector<16xf32>
      %add3A_847 = vector.broadcast %mul3A_27 : i32 to vector<16xi32>
      %add3A_848 = arith.addi %mul3A_5, %add3A_847 : vector<16xi32>
      %add3A_849 = arith.constant 6 : i32
      %add3A_850 = vector.broadcast %add3A_849 : i32 to vector<16xi32>
      %add3A_851 = arith.addi %mul3A_5, %add3A_850 : vector<16xi32>
      %gather3A_852 = tpu.vector_load_idx %arg7[%add3A_848, %add3A_851] : memref<64x20xf32, #tpu.memory_space<vmem>>[vector<16xi32>, vector<16xi32>], vector<16xf32>,
      %get3A_853 = arith.constant 6 : i32
      %get3A_854 = arith.index_cast %get3A_853 : i32 to index
      %get3A_855 = arith.constant 48 : index
      %get3A_856 = tpu.vector_load %arg8[%get3A_854, %get3A_855] {strides = array<i32>} : memref<20x64xf32, #tpu.memory_space<vmem>>, vector<16xf32>,
      %mul3A_857 = arith.mulf %gather3A_852, %get3A_856 : vector<16xf32>
      %add3A_858 = arith.addf %add3A_846, %mul3A_857 : vector<16xf32>
      %add3A_859 = vector.broadcast %mul3A_27 : i32 to vector<16xi32>
      %add3A_860 = arith.addi %mul3A_5, %add3A_859 : vector<16xi32>
      %add3A_861 = arith.constant 7 : i32
      %add3A_862 = vector.broadcast %add3A_861 : i32 to vector<16xi32>
      %add3A_863 = arith.addi %mul3A_5, %add3A_862 : vector<16xi32>
      %gather3A_864 = tpu.vector_load_idx %arg7[%add3A_860, %add3A_863] : memref<64x20xf32, #tpu.memory_space<vmem>>[vector<16xi32>, vector<16xi32>], vector<16xf32>,
      %get3A_865 = arith.constant 7 : i32
      %get3A_866 = arith.index_cast %get3A_865 : i32 to index
      %get3A_867 = arith.constant 48 : index
      %get3A_868 = tpu.vector_load %arg8[%get3A_866, %get3A_867] {strides = array<i32>} : memref<20x64xf32, #tpu.memory_space<vmem>>, vector<16xf32>,
      %mul3A_869 = arith.mulf %gather3A_864, %get3A_868 : vector<16xf32>
      %add3A_870 = arith.addf %add3A_858, %mul3A_869 : vector<16xf32>
      %add3A_871 = vector.broadcast %mul3A_27 : i32 to vector<16xi32>
      %add3A_872 = arith.addi %mul3A_5, %add3A_871 : vector<16xi32>
      %add3A_873 = arith.constant 8 : i32
      %add3A_874 = vector.broadcast %add3A_873 : i32 to vector<16xi32>
      %add3A_875 = arith.addi %mul3A_5, %add3A_874 : vector<16xi32>
      %gather3A_876 = tpu.vector_load_idx %arg7[%add3A_872, %add3A_875] : memref<64x20xf32, #tpu.memory_space<vmem>>[vector<16xi32>, vector<16xi32>], vector<16xf32>,
      %get3A_877 = arith.constant 8 : i32
      %get3A_878 = arith.index_cast %get3A_877 : i32 to index
      %get3A_879 = arith.constant 48 : index
      %get3A_880 = tpu.vector_load %arg8[%get3A_878, %get3A_879] {strides = array<i32>} : memref<20x64xf32, #tpu.memory_space<vmem>>, vector<16xf32>,
      %mul3A_881 = arith.mulf %gather3A_876, %get3A_880 : vector<16xf32>
      %add3A_882 = arith.addf %add3A_870, %mul3A_881 : vector<16xf32>
      %add3A_883 = vector.broadcast %mul3A_27 : i32 to vector<16xi32>
      %add3A_884 = arith.addi %mul3A_5, %add3A_883 : vector<16xi32>
      %add3A_885 = arith.constant 9 : i32
      %add3A_886 = vector.broadcast %add3A_885 : i32 to vector<16xi32>
      %add3A_887 = arith.addi %mul3A_5, %add3A_886 : vector<16xi32>
      %gather3A_888 = tpu.vector_load_idx %arg7[%add3A_884, %add3A_887] : memref<64x20xf32, #tpu.memory_space<vmem>>[vector<16xi32>, vector<16xi32>], vector<16xf32>,
      %get3A_889 = arith.constant 9 : i32
      %get3A_890 = arith.index_cast %get3A_889 : i32 to index
      %get3A_891 = arith.constant 48 : index
      %get3A_892 = tpu.vector_load %arg8[%get3A_890, %get3A_891] {strides = array<i32>} : memref<20x64xf32, #tpu.memory_space<vmem>>, vector<16xf32>,
      %mul3A_893 = arith.mulf %gather3A_888, %get3A_892 : vector<16xf32>
      %add3A_894 = arith.addf %add3A_882, %mul3A_893 : vector<16xf32>
      %add3A_895 = vector.broadcast %mul3A_27 : i32 to vector<16xi32>
      %add3A_896 = arith.addi %mul3A_5, %add3A_895 : vector<16xi32>
      %add3A_897 = arith.constant 10 : i32
      %add3A_898 = vector.broadcast %add3A_897 : i32 to vector<16xi32>
      %add3A_899 = arith.addi %mul3A_5, %add3A_898 : vector<16xi32>
      %gather3A_900 = tpu.vector_load_idx %arg7[%add3A_896, %add3A_899] : memref<64x20xf32, #tpu.memory_space<vmem>>[vector<16xi32>, vector<16xi32>], vector<16xf32>,
      %get3A_901 = arith.constant 10 : i32
      %get3A_902 = arith.index_cast %get3A_901 : i32 to index
      %get3A_903 = arith.constant 48 : index
      %get3A_904 = tpu.vector_load %arg8[%get3A_902, %get3A_903] {strides = array<i32>} : memref<20x64xf32, #tpu.memory_space<vmem>>, vector<16xf32>,
      %mul3A_905 = arith.mulf %gather3A_900, %get3A_904 : vector<16xf32>
      %add3A_906 = arith.addf %add3A_894, %mul3A_905 : vector<16xf32>
      %add3A_907 = vector.broadcast %mul3A_27 : i32 to vector<16xi32>
      %add3A_908 = arith.addi %mul3A_5, %add3A_907 : vector<16xi32>
      %add3A_909 = arith.constant 11 : i32
      %add3A_910 = vector.broadcast %add3A_909 : i32 to vector<16xi32>
      %add3A_911 = arith.addi %mul3A_5, %add3A_910 : vector<16xi32>
      %gather3A_912 = tpu.vector_load_idx %arg7[%add3A_908, %add3A_911] : memref<64x20xf32, #tpu.memory_space<vmem>>[vector<16xi32>, vector<16xi32>], vector<16xf32>,
      %get3A_913 = arith.constant 11 : i32
      %get3A_914 = arith.index_cast %get3A_913 : i32 to index
      %get3A_915 = arith.constant 48 : index
      %get3A_916 = tpu.vector_load %arg8[%get3A_914, %get3A_915] {strides = array<i32>} : memref<20x64xf32, #tpu.memory_space<vmem>>, vector<16xf32>,
      %mul3A_917 = arith.mulf %gather3A_912, %get3A_916 : vector<16xf32>
      %add3A_918 = arith.addf %add3A_906, %mul3A_917 : vector<16xf32>
      %add3A_919 = vector.broadcast %mul3A_27 : i32 to vector<16xi32>
      %add3A_920 = arith.addi %mul3A_5, %add3A_919 : vector<16xi32>
      %add3A_921 = arith.constant 12 : i32
      %add3A_922 = vector.broadcast %add3A_921 : i32 to vector<16xi32>
      %add3A_923 = arith.addi %mul3A_5, %add3A_922 : vector<16xi32>
      %gather3A_924 = tpu.vector_load_idx %arg7[%add3A_920, %add3A_923] : memref<64x20xf32, #tpu.memory_space<vmem>>[vector<16xi32>, vector<16xi32>], vector<16xf32>,
      %get3A_925 = arith.constant 12 : i32
      %get3A_926 = arith.index_cast %get3A_925 : i32 to index
      %get3A_927 = arith.constant 48 : index
      %get3A_928 = tpu.vector_load %arg8[%get3A_926, %get3A_927] {strides = array<i32>} : memref<20x64xf32, #tpu.memory_space<vmem>>, vector<16xf32>,
      %mul3A_929 = arith.mulf %gather3A_924, %get3A_928 : vector<16xf32>
      %add3A_930 = arith.addf %add3A_918, %mul3A_929 : vector<16xf32>
      %add3A_931 = vector.broadcast %mul3A_27 : i32 to vector<16xi32>
      %add3A_932 = arith.addi %mul3A_5, %add3A_931 : vector<16xi32>
      %add3A_933 = arith.constant 13 : i32
      %add3A_934 = vector.broadcast %add3A_933 : i32 to vector<16xi32>
      %add3A_935 = arith.addi %mul3A_5, %add3A_934 : vector<16xi32>
      %gather3A_936 = tpu.vector_load_idx %arg7[%add3A_932, %add3A_935] : memref<64x20xf32, #tpu.memory_space<vmem>>[vector<16xi32>, vector<16xi32>], vector<16xf32>,
      %get3A_937 = arith.constant 13 : i32
      %get3A_938 = arith.index_cast %get3A_937 : i32 to index
      %get3A_939 = arith.constant 48 : index
      %get3A_940 = tpu.vector_load %arg8[%get3A_938, %get3A_939] {strides = array<i32>} : memref<20x64xf32, #tpu.memory_space<vmem>>, vector<16xf32>,
      %mul3A_941 = arith.mulf %gather3A_936, %get3A_940 : vector<16xf32>
      %add3A_942 = arith.addf %add3A_930, %mul3A_941 : vector<16xf32>
      %add3A_943 = vector.broadcast %mul3A_27 : i32 to vector<16xi32>
      %add3A_944 = arith.addi %mul3A_5, %add3A_943 : vector<16xi32>
      %add3A_945 = arith.constant 14 : i32
      %add3A_946 = vector.broadcast %add3A_945 : i32 to vector<16xi32>
      %add3A_947 = arith.addi %mul3A_5, %add3A_946 : vector<16xi32>
      %gather3A_948 = tpu.vector_load_idx %arg7[%add3A_944, %add3A_947] : memref<64x20xf32, #tpu.memory_space<vmem>>[vector<16xi32>, vector<16xi32>], vector<16xf32>,
      %get3A_949 = arith.constant 14 : i32
      %get3A_950 = arith.index_cast %get3A_949 : i32 to index
      %get3A_951 = arith.constant 48 : index
      %get3A_952 = tpu.vector_load %arg8[%get3A_950, %get3A_951] {strides = array<i32>} : memref<20x64xf32, #tpu.memory_space<vmem>>, vector<16xf32>,
      %mul3A_953 = arith.mulf %gather3A_948, %get3A_952 : vector<16xf32>
      %add3A_954 = arith.addf %add3A_942, %mul3A_953 : vector<16xf32>
      %add3A_955 = vector.broadcast %mul3A_27 : i32 to vector<16xi32>
      %add3A_956 = arith.addi %mul3A_5, %add3A_955 : vector<16xi32>
      %add3A_957 = arith.constant 15 : i32
      %add3A_958 = vector.broadcast %add3A_957 : i32 to vector<16xi32>
      %add3A_959 = arith.addi %mul3A_5, %add3A_958 : vector<16xi32>
      %gather3A_960 = tpu.vector_load_idx %arg7[%add3A_956, %add3A_959] : memref<64x20xf32, #tpu.memory_space<vmem>>[vector<16xi32>, vector<16xi32>], vector<16xf32>,
      %get3A_961 = arith.constant 15 : i32
      %get3A_962 = arith.index_cast %get3A_961 : i32 to index
      %get3A_963 = arith.constant 48 : index
      %get3A_964 = tpu.vector_load %arg8[%get3A_962, %get3A_963] {strides = array<i32>} : memref<20x64xf32, #tpu.memory_space<vmem>>, vector<16xf32>,
      %mul3A_965 = arith.mulf %gather3A_960, %get3A_964 : vector<16xf32>
      %add3A_966 = arith.addf %add3A_954, %mul3A_965 : vector<16xf32>
      %add3A_967 = vector.broadcast %mul3A_27 : i32 to vector<16xi32>
      %add3A_968 = arith.addi %mul3A_5, %add3A_967 : vector<16xi32>
      %add3A_969 = arith.constant 16 : i32
      %add3A_970 = vector.broadcast %add3A_969 : i32 to vector<16xi32>
      %add3A_971 = arith.addi %mul3A_5, %add3A_970 : vector<16xi32>
      %gather3A_972 = tpu.vector_load_idx %arg7[%add3A_968, %add3A_971] : memref<64x20xf32, #tpu.memory_space<vmem>>[vector<16xi32>, vector<16xi32>], vector<16xf32>,
      %get3A_973 = arith.constant 16 : i32
      %get3A_974 = arith.index_cast %get3A_973 : i32 to index
      %get3A_975 = arith.constant 48 : index
      %get3A_976 = tpu.vector_load %arg8[%get3A_974, %get3A_975] {strides = array<i32>} : memref<20x64xf32, #tpu.memory_space<vmem>>, vector<16xf32>,
      %mul3A_977 = arith.mulf %gather3A_972, %get3A_976 : vector<16xf32>
      %add3A_978 = arith.addf %add3A_966, %mul3A_977 : vector<16xf32>
      %add3A_979 = vector.broadcast %mul3A_27 : i32 to vector<16xi32>
      %add3A_980 = arith.addi %mul3A_5, %add3A_979 : vector<16xi32>
      %add3A_981 = arith.constant 17 : i32
      %add3A_982 = vector.broadcast %add3A_981 : i32 to vector<16xi32>
      %add3A_983 = arith.addi %mul3A_5, %add3A_982 : vector<16xi32>
      %gather3A_984 = tpu.vector_load_idx %arg7[%add3A_980, %add3A_983] : memref<64x20xf32, #tpu.memory_space<vmem>>[vector<16xi32>, vector<16xi32>], vector<16xf32>,
      %get3A_985 = arith.constant 17 : i32
      %get3A_986 = arith.index_cast %get3A_985 : i32 to index
      %get3A_987 = arith.constant 48 : index
      %get3A_988 = tpu.vector_load %arg8[%get3A_986, %get3A_987] {strides = array<i32>} : memref<20x64xf32, #tpu.memory_space<vmem>>, vector<16xf32>,
      %mul3A_989 = arith.mulf %gather3A_984, %get3A_988 : vector<16xf32>
      %add3A_990 = arith.addf %add3A_978, %mul3A_989 : vector<16xf32>
      %add3A_991 = vector.broadcast %mul3A_27 : i32 to vector<16xi32>
      %add3A_992 = arith.addi %mul3A_5, %add3A_991 : vector<16xi32>
      %add3A_993 = arith.constant 18 : i32
      %add3A_994 = vector.broadcast %add3A_993 : i32 to vector<16xi32>
      %add3A_995 = arith.addi %mul3A_5, %add3A_994 : vector<16xi32>
      %gather3A_996 = tpu.vector_load_idx %arg7[%add3A_992, %add3A_995] : memref<64x20xf32, #tpu.memory_space<vmem>>[vector<16xi32>, vector<16xi32>], vector<16xf32>,
      %get3A_997 = arith.constant 18 : i32
      %get3A_998 = arith.index_cast %get3A_997 : i32 to index
      %get3A_999 = arith.constant 48 : index
      %get3A_1000 = tpu.vector_load %arg8[%get3A_998, %get3A_999] {strides = array<i32>} : memref<20x64xf32, #tpu.memory_space<vmem>>, vector<16xf32>,
      %mul3A_1001 = arith.mulf %gather3A_996, %get3A_1000 : vector<16xf32>
      %add3A_1002 = arith.addf %add3A_990, %mul3A_1001 : vector<16xf32>
      %add3A_1003 = vector.broadcast %mul3A_27 : i32 to vector<16xi32>
      %add3A_1004 = arith.addi %mul3A_5, %add3A_1003 : vector<16xi32>
      %add3A_1005 = arith.constant 19 : i32
      %add3A_1006 = vector.broadcast %add3A_1005 : i32 to vector<16xi32>
      %add3A_1007 = arith.addi %mul3A_5, %add3A_1006 : vector<16xi32>
      %gather3A_1008 = tpu.vector_load_idx %arg7[%add3A_1004, %add3A_1007] : memref<64x20xf32, #tpu.memory_space<vmem>>[vector<16xi32>, vector<16xi32>], vector<16xf32>,
      %get3A_1009 = arith.constant 19 : i32
      %get3A_1010 = arith.index_cast %get3A_1009 : i32 to index
      %get3A_1011 = arith.constant 48 : index
      %get3A_1012 = tpu.vector_load %arg8[%get3A_1010, %get3A_1011] {strides = array<i32>} : memref<20x64xf32, #tpu.memory_space<vmem>>, vector<16xf32>,
      %mul3A_1013 = arith.mulf %gather3A_1008, %get3A_1012 : vector<16xf32>
      %add3A_1014 = arith.addf %add3A_1002, %mul3A_1013 : vector<16xf32>
      %swap3A_1015 = arith.index_cast %mul3A_27 : i32 to index
      %swap3A_1016 = arith.constant 48 : index
      %swap3A_1017 = tpu.vector_load %arg10[%swap3A_1015, %swap3A_1016] {strides = array<i32>} : memref<64x64xf32, #tpu.memory_space<vmem>>, vector<16xf32>,
      tpu.vector_store %arg10[%swap3A_1015, %swap3A_1016], %add3A_1014 {strides = array<i32>} : memref<64x64xf32, #tpu.memory_space<vmem>>, vector<16xf32>,
      %add3A_1018 = arith.constant 2 : i32
      %add3A_1019 = arith.addi %mul3A_27, %add3A_1018 : i32
      %jit3A = arith.constant 64 : i32
      %eq3A = arith.constant 0 : i32
      %eq3A_1020 = arith.cmpi eq, %jit3A, %eq3A : i32
      %jit3A_1021 = arith.constant 1 : i32
      %select_n3A = arith.select %eq3A_1020, %jit3A_1021, %jit3A : i32
      %rem3A = arith.remsi %add3A_1019, %select_n3A : i32
      %ne3A = arith.constant 0 : i32
      %ne3A_1022 = arith.cmpi ne, %rem3A, %ne3A : i32
      %lt3A = arith.constant 0 : i32
      %lt3A_1023 = arith.cmpi slt, %rem3A, %lt3A : i32
      %lt3A_1024 = arith.constant 0 : i32
      %lt3A_1025 = arith.cmpi slt, %select_n3A, %lt3A_1024 : i32
      %ne3A_1026 = arith.xori %lt3A_1023, %lt3A_1025 : i1
      %and3A = arith.andi %ne3A_1026, %ne3A_1022 : i1
      %add3A_1027 = arith.addi %rem3A, %select_n3A : i32
      %select_n3A_1028 = arith.select %and3A, %add3A_1027, %rem3A : i32
      %dma_start3A_1029 = arith.constant 0 : i32
      %dma_start3A_1030 = tpu.memref_slice %arg6[%select_n3A_1028, %dma_start3A_1029] : memref<64x20xi32, #tpu.memory_space<vmem>> -> memref<1x20xi32, #tpu.memory_space<vmem>>
      %dma_start3A_1031 = tpu.memref_squeeze %dma_start3A_1030 : memref<1x20xi32, #tpu.memory_space<vmem>> -> memref<20xi32, #tpu.memory_space<vmem>>
      %dma_start3A_1032 = arith.constant 0 : i32
      %dma_start3A_1033 = arith.constant 0 : i32
      %dma_start3A_1034 = tpu.memref_slice %arg2[%dma_start3A_1032, %dma_start3A_1033] : memref<2048x64xf32, #tpu.memory_space<hbm>> -> memref<2048x64xf32, #tpu.memory_space<hbm>>
      tpu.enqueue_indirect_dma source(%dma_start3A_1034 : memref<2048x64xf32, #tpu.memory_space<hbm>>) target(%arg8 : memref<20x64xf32, #tpu.memory_space<vmem>>) offsets(%dma_start3A_1031 : memref<20xi32, #tpu.memory_space<vmem>>) semaphore(%arg11 : memref<!tpu.dma_semaphore, #tpu.memory_space<semaphore_mem>>)
      %add3A_1035 = arith.constant 1 : i32
      %add3A_1036 = arith.addi %mul3A_27, %add3A_1035 : i32
      %dma_wait3A_1037 = arith.constant 0 : i32
      %dma_wait3A_1038 = tpu.memref_slice %arg6[%add3A_1036, %dma_wait3A_1037] : memref<64x20xi32, #tpu.memory_space<vmem>> -> memref<1x20xi32, #tpu.memory_space<vmem>>
      %dma_wait3A_1039 = tpu.memref_squeeze %dma_wait3A_1038 : memref<1x20xi32, #tpu.memory_space<vmem>> -> memref<20xi32, #tpu.memory_space<vmem>>
      %dma_wait3A_1040 = arith.constant 0 : i32
      %dma_wait3A_1041 = arith.constant 0 : i32
      %dma_wait3A_1042 = tpu.memref_slice %arg2[%dma_wait3A_1040, %dma_wait3A_1041] : memref<2048x64xf32, #tpu.memory_space<hbm>> -> memref<2048x64xf32, #tpu.memory_space<hbm>>
      tpu.wait_indirect_dma semaphore(%arg12 : memref<!tpu.dma_semaphore, #tpu.memory_space<semaphore_mem>>) src(%dma_wait3A_1042 : memref<2048x64xf32, #tpu.memory_space<hbm>>) dst(%arg9 : memref<20x64xf32, #tpu.memory_space<vmem>>)
      %add3A_1043 = arith.constant 1 : i32
      %add3A_1044 = arith.addi %mul3A_27, %add3A_1043 : i32
      %broadcast_in_dim3A_1045 = arith.constant 0.000000e+00 : f32
      %broadcast_in_dim3A_1046 = vector.broadcast %broadcast_in_dim3A_1045 : f32 to vector<16xf32>
      %add3A_1047 = vector.broadcast %add3A_1044 : i32 to vector<16xi32>
      %add3A_1048 = arith.addi %mul3A_5, %add3A_1047 : vector<16xi32>
      %add3A_1049 = arith.constant 0 : i32
      %add3A_1050 = vector.broadcast %add3A_1049 : i32 to vector<16xi32>
      %add3A_1051 = arith.addi %mul3A_5, %add3A_1050 : vector<16xi32>
      %gather3A_1052 = tpu.vector_load_idx %arg7[%add3A_1048, %add3A_1051] : memref<64x20xf32, #tpu.memory_space<vmem>>[vector<16xi32>, vector<16xi32>], vector<16xf32>,
      %get3A_1053 = arith.constant 0 : i32
      %get3A_1054 = arith.index_cast %get3A_1053 : i32 to index
      %get3A_1055 = arith.constant 0 : index
      %get3A_1056 = tpu.vector_load %arg9[%get3A_1054, %get3A_1055] {strides = array<i32>} : memref<20x64xf32, #tpu.memory_space<vmem>>, vector<16xf32>,
      %mul3A_1057 = arith.mulf %gather3A_1052, %get3A_1056 : vector<16xf32>
      %add3A_1058 = arith.addf %broadcast_in_dim3A_1046, %mul3A_1057 : vector<16xf32>
      %add3A_1059 = vector.broadcast %add3A_1044 : i32 to vector<16xi32>
      %add3A_1060 = arith.addi %mul3A_5, %add3A_1059 : vector<16xi32>
      %add3A_1061 = arith.constant 1 : i32
      %add3A_1062 = vector.broadcast %add3A_1061 : i32 to vector<16xi32>
      %add3A_1063 = arith.addi %mul3A_5, %add3A_1062 : vector<16xi32>
      %gather3A_1064 = tpu.vector_load_idx %arg7[%add3A_1060, %add3A_1063] : memref<64x20xf32, #tpu.memory_space<vmem>>[vector<16xi32>, vector<16xi32>], vector<16xf32>,
      %get3A_1065 = arith.constant 1 : i32
      %get3A_1066 = arith.index_cast %get3A_1065 : i32 to index
      %get3A_1067 = arith.constant 0 : index
      %get3A_1068 = tpu.vector_load %arg9[%get3A_1066, %get3A_1067] {strides = array<i32>} : memref<20x64xf32, #tpu.memory_space<vmem>>, vector<16xf32>,
      %mul3A_1069 = arith.mulf %gather3A_1064, %get3A_1068 : vector<16xf32>
      %add3A_1070 = arith.addf %add3A_1058, %mul3A_1069 : vector<16xf32>
      %add3A_1071 = vector.broadcast %add3A_1044 : i32 to vector<16xi32>
      %add3A_1072 = arith.addi %mul3A_5, %add3A_1071 : vector<16xi32>
      %add3A_1073 = arith.constant 2 : i32
      %add3A_1074 = vector.broadcast %add3A_1073 : i32 to vector<16xi32>
      %add3A_1075 = arith.addi %mul3A_5, %add3A_1074 : vector<16xi32>
      %gather3A_1076 = tpu.vector_load_idx %arg7[%add3A_1072, %add3A_1075] : memref<64x20xf32, #tpu.memory_space<vmem>>[vector<16xi32>, vector<16xi32>], vector<16xf32>,
      %get3A_1077 = arith.constant 2 : i32
      %get3A_1078 = arith.index_cast %get3A_1077 : i32 to index
      %get3A_1079 = arith.constant 0 : index
      %get3A_1080 = tpu.vector_load %arg9[%get3A_1078, %get3A_1079] {strides = array<i32>} : memref<20x64xf32, #tpu.memory_space<vmem>>, vector<16xf32>,
      %mul3A_1081 = arith.mulf %gather3A_1076, %get3A_1080 : vector<16xf32>
      %add3A_1082 = arith.addf %add3A_1070, %mul3A_1081 : vector<16xf32>
      %add3A_1083 = vector.broadcast %add3A_1044 : i32 to vector<16xi32>
      %add3A_1084 = arith.addi %mul3A_5, %add3A_1083 : vector<16xi32>
      %add3A_1085 = arith.constant 3 : i32
      %add3A_1086 = vector.broadcast %add3A_1085 : i32 to vector<16xi32>
      %add3A_1087 = arith.addi %mul3A_5, %add3A_1086 : vector<16xi32>
      %gather3A_1088 = tpu.vector_load_idx %arg7[%add3A_1084, %add3A_1087] : memref<64x20xf32, #tpu.memory_space<vmem>>[vector<16xi32>, vector<16xi32>], vector<16xf32>,
      %get3A_1089 = arith.constant 3 : i32
      %get3A_1090 = arith.index_cast %get3A_1089 : i32 to index
      %get3A_1091 = arith.constant 0 : index
      %get3A_1092 = tpu.vector_load %arg9[%get3A_1090, %get3A_1091] {strides = array<i32>} : memref<20x64xf32, #tpu.memory_space<vmem>>, vector<16xf32>,
      %mul3A_1093 = arith.mulf %gather3A_1088, %get3A_1092 : vector<16xf32>
      %add3A_1094 = arith.addf %add3A_1082, %mul3A_1093 : vector<16xf32>
      %add3A_1095 = vector.broadcast %add3A_1044 : i32 to vector<16xi32>
      %add3A_1096 = arith.addi %mul3A_5, %add3A_1095 : vector<16xi32>
      %add3A_1097 = arith.constant 4 : i32
      %add3A_1098 = vector.broadcast %add3A_1097 : i32 to vector<16xi32>
      %add3A_1099 = arith.addi %mul3A_5, %add3A_1098 : vector<16xi32>
      %gather3A_1100 = tpu.vector_load_idx %arg7[%add3A_1096, %add3A_1099] : memref<64x20xf32, #tpu.memory_space<vmem>>[vector<16xi32>, vector<16xi32>], vector<16xf32>,
      %get3A_1101 = arith.constant 4 : i32
      %get3A_1102 = arith.index_cast %get3A_1101 : i32 to index
      %get3A_1103 = arith.constant 0 : index
      %get3A_1104 = tpu.vector_load %arg9[%get3A_1102, %get3A_1103] {strides = array<i32>} : memref<20x64xf32, #tpu.memory_space<vmem>>, vector<16xf32>,
      %mul3A_1105 = arith.mulf %gather3A_1100, %get3A_1104 : vector<16xf32>
      %add3A_1106 = arith.addf %add3A_1094, %mul3A_1105 : vector<16xf32>
      %add3A_1107 = vector.broadcast %add3A_1044 : i32 to vector<16xi32>
      %add3A_1108 = arith.addi %mul3A_5, %add3A_1107 : vector<16xi32>
      %add3A_1109 = arith.constant 5 : i32
      %add3A_1110 = vector.broadcast %add3A_1109 : i32 to vector<16xi32>
      %add3A_1111 = arith.addi %mul3A_5, %add3A_1110 : vector<16xi32>
      %gather3A_1112 = tpu.vector_load_idx %arg7[%add3A_1108, %add3A_1111] : memref<64x20xf32, #tpu.memory_space<vmem>>[vector<16xi32>, vector<16xi32>], vector<16xf32>,
      %get3A_1113 = arith.constant 5 : i32
      %get3A_1114 = arith.index_cast %get3A_1113 : i32 to index
      %get3A_1115 = arith.constant 0 : index
      %get3A_1116 = tpu.vector_load %arg9[%get3A_1114, %get3A_1115] {strides = array<i32>} : memref<20x64xf32, #tpu.memory_space<vmem>>, vector<16xf32>,
      %mul3A_1117 = arith.mulf %gather3A_1112, %get3A_1116 : vector<16xf32>
      %add3A_1118 = arith.addf %add3A_1106, %mul3A_1117 : vector<16xf32>
      %add3A_1119 = vector.broadcast %add3A_1044 : i32 to vector<16xi32>
      %add3A_1120 = arith.addi %mul3A_5, %add3A_1119 : vector<16xi32>
      %add3A_1121 = arith.constant 6 : i32
      %add3A_1122 = vector.broadcast %add3A_1121 : i32 to vector<16xi32>
      %add3A_1123 = arith.addi %mul3A_5, %add3A_1122 : vector<16xi32>
      %gather3A_1124 = tpu.vector_load_idx %arg7[%add3A_1120, %add3A_1123] : memref<64x20xf32, #tpu.memory_space<vmem>>[vector<16xi32>, vector<16xi32>], vector<16xf32>,
      %get3A_1125 = arith.constant 6 : i32
      %get3A_1126 = arith.index_cast %get3A_1125 : i32 to index
      %get3A_1127 = arith.constant 0 : index
      %get3A_1128 = tpu.vector_load %arg9[%get3A_1126, %get3A_1127] {strides = array<i32>} : memref<20x64xf32, #tpu.memory_space<vmem>>, vector<16xf32>,
      %mul3A_1129 = arith.mulf %gather3A_1124, %get3A_1128 : vector<16xf32>
      %add3A_1130 = arith.addf %add3A_1118, %mul3A_1129 : vector<16xf32>
      %add3A_1131 = vector.broadcast %add3A_1044 : i32 to vector<16xi32>
      %add3A_1132 = arith.addi %mul3A_5, %add3A_1131 : vector<16xi32>
      %add3A_1133 = arith.constant 7 : i32
      %add3A_1134 = vector.broadcast %add3A_1133 : i32 to vector<16xi32>
      %add3A_1135 = arith.addi %mul3A_5, %add3A_1134 : vector<16xi32>
      %gather3A_1136 = tpu.vector_load_idx %arg7[%add3A_1132, %add3A_1135] : memref<64x20xf32, #tpu.memory_space<vmem>>[vector<16xi32>, vector<16xi32>], vector<16xf32>,
      %get3A_1137 = arith.constant 7 : i32
      %get3A_1138 = arith.index_cast %get3A_1137 : i32 to index
      %get3A_1139 = arith.constant 0 : index
      %get3A_1140 = tpu.vector_load %arg9[%get3A_1138, %get3A_1139] {strides = array<i32>} : memref<20x64xf32, #tpu.memory_space<vmem>>, vector<16xf32>,
      %mul3A_1141 = arith.mulf %gather3A_1136, %get3A_1140 : vector<16xf32>
      %add3A_1142 = arith.addf %add3A_1130, %mul3A_1141 : vector<16xf32>
      %add3A_1143 = vector.broadcast %add3A_1044 : i32 to vector<16xi32>
      %add3A_1144 = arith.addi %mul3A_5, %add3A_1143 : vector<16xi32>
      %add3A_1145 = arith.constant 8 : i32
      %add3A_1146 = vector.broadcast %add3A_1145 : i32 to vector<16xi32>
      %add3A_1147 = arith.addi %mul3A_5, %add3A_1146 : vector<16xi32>
      %gather3A_1148 = tpu.vector_load_idx %arg7[%add3A_1144, %add3A_1147] : memref<64x20xf32, #tpu.memory_space<vmem>>[vector<16xi32>, vector<16xi32>], vector<16xf32>,
      %get3A_1149 = arith.constant 8 : i32
      %get3A_1150 = arith.index_cast %get3A_1149 : i32 to index
      %get3A_1151 = arith.constant 0 : index
      %get3A_1152 = tpu.vector_load %arg9[%get3A_1150, %get3A_1151] {strides = array<i32>} : memref<20x64xf32, #tpu.memory_space<vmem>>, vector<16xf32>,
      %mul3A_1153 = arith.mulf %gather3A_1148, %get3A_1152 : vector<16xf32>
      %add3A_1154 = arith.addf %add3A_1142, %mul3A_1153 : vector<16xf32>
      %add3A_1155 = vector.broadcast %add3A_1044 : i32 to vector<16xi32>
      %add3A_1156 = arith.addi %mul3A_5, %add3A_1155 : vector<16xi32>
      %add3A_1157 = arith.constant 9 : i32
      %add3A_1158 = vector.broadcast %add3A_1157 : i32 to vector<16xi32>
      %add3A_1159 = arith.addi %mul3A_5, %add3A_1158 : vector<16xi32>
      %gather3A_1160 = tpu.vector_load_idx %arg7[%add3A_1156, %add3A_1159] : memref<64x20xf32, #tpu.memory_space<vmem>>[vector<16xi32>, vector<16xi32>], vector<16xf32>,
      %get3A_1161 = arith.constant 9 : i32
      %get3A_1162 = arith.index_cast %get3A_1161 : i32 to index
      %get3A_1163 = arith.constant 0 : index
      %get3A_1164 = tpu.vector_load %arg9[%get3A_1162, %get3A_1163] {strides = array<i32>} : memref<20x64xf32, #tpu.memory_space<vmem>>, vector<16xf32>,
      %mul3A_1165 = arith.mulf %gather3A_1160, %get3A_1164 : vector<16xf32>
      %add3A_1166 = arith.addf %add3A_1154, %mul3A_1165 : vector<16xf32>
      %add3A_1167 = vector.broadcast %add3A_1044 : i32 to vector<16xi32>
      %add3A_1168 = arith.addi %mul3A_5, %add3A_1167 : vector<16xi32>
      %add3A_1169 = arith.constant 10 : i32
      %add3A_1170 = vector.broadcast %add3A_1169 : i32 to vector<16xi32>
      %add3A_1171 = arith.addi %mul3A_5, %add3A_1170 : vector<16xi32>
      %gather3A_1172 = tpu.vector_load_idx %arg7[%add3A_1168, %add3A_1171] : memref<64x20xf32, #tpu.memory_space<vmem>>[vector<16xi32>, vector<16xi32>], vector<16xf32>,
      %get3A_1173 = arith.constant 10 : i32
      %get3A_1174 = arith.index_cast %get3A_1173 : i32 to index
      %get3A_1175 = arith.constant 0 : index
      %get3A_1176 = tpu.vector_load %arg9[%get3A_1174, %get3A_1175] {strides = array<i32>} : memref<20x64xf32, #tpu.memory_space<vmem>>, vector<16xf32>,
      %mul3A_1177 = arith.mulf %gather3A_1172, %get3A_1176 : vector<16xf32>
      %add3A_1178 = arith.addf %add3A_1166, %mul3A_1177 : vector<16xf32>
      %add3A_1179 = vector.broadcast %add3A_1044 : i32 to vector<16xi32>
      %add3A_1180 = arith.addi %mul3A_5, %add3A_1179 : vector<16xi32>
      %add3A_1181 = arith.constant 11 : i32
      %add3A_1182 = vector.broadcast %add3A_1181 : i32 to vector<16xi32>
      %add3A_1183 = arith.addi %mul3A_5, %add3A_1182 : vector<16xi32>
      %gather3A_1184 = tpu.vector_load_idx %arg7[%add3A_1180, %add3A_1183] : memref<64x20xf32, #tpu.memory_space<vmem>>[vector<16xi32>, vector<16xi32>], vector<16xf32>,
      %get3A_1185 = arith.constant 11 : i32
      %get3A_1186 = arith.index_cast %get3A_1185 : i32 to index
      %get3A_1187 = arith.constant 0 : index
      %get3A_1188 = tpu.vector_load %arg9[%get3A_1186, %get3A_1187] {strides = array<i32>} : memref<20x64xf32, #tpu.memory_space<vmem>>, vector<16xf32>,
      %mul3A_1189 = arith.mulf %gather3A_1184, %get3A_1188 : vector<16xf32>
      %add3A_1190 = arith.addf %add3A_1178, %mul3A_1189 : vector<16xf32>
      %add3A_1191 = vector.broadcast %add3A_1044 : i32 to vector<16xi32>
      %add3A_1192 = arith.addi %mul3A_5, %add3A_1191 : vector<16xi32>
      %add3A_1193 = arith.constant 12 : i32
      %add3A_1194 = vector.broadcast %add3A_1193 : i32 to vector<16xi32>
      %add3A_1195 = arith.addi %mul3A_5, %add3A_1194 : vector<16xi32>
      %gather3A_1196 = tpu.vector_load_idx %arg7[%add3A_1192, %add3A_1195] : memref<64x20xf32, #tpu.memory_space<vmem>>[vector<16xi32>, vector<16xi32>], vector<16xf32>,
      %get3A_1197 = arith.constant 12 : i32
      %get3A_1198 = arith.index_cast %get3A_1197 : i32 to index
      %get3A_1199 = arith.constant 0 : index
      %get3A_1200 = tpu.vector_load %arg9[%get3A_1198, %get3A_1199] {strides = array<i32>} : memref<20x64xf32, #tpu.memory_space<vmem>>, vector<16xf32>,
      %mul3A_1201 = arith.mulf %gather3A_1196, %get3A_1200 : vector<16xf32>
      %add3A_1202 = arith.addf %add3A_1190, %mul3A_1201 : vector<16xf32>
      %add3A_1203 = vector.broadcast %add3A_1044 : i32 to vector<16xi32>
      %add3A_1204 = arith.addi %mul3A_5, %add3A_1203 : vector<16xi32>
      %add3A_1205 = arith.constant 13 : i32
      %add3A_1206 = vector.broadcast %add3A_1205 : i32 to vector<16xi32>
      %add3A_1207 = arith.addi %mul3A_5, %add3A_1206 : vector<16xi32>
      %gather3A_1208 = tpu.vector_load_idx %arg7[%add3A_1204, %add3A_1207] : memref<64x20xf32, #tpu.memory_space<vmem>>[vector<16xi32>, vector<16xi32>], vector<16xf32>,
      %get3A_1209 = arith.constant 13 : i32
      %get3A_1210 = arith.index_cast %get3A_1209 : i32 to index
      %get3A_1211 = arith.constant 0 : index
      %get3A_1212 = tpu.vector_load %arg9[%get3A_1210, %get3A_1211] {strides = array<i32>} : memref<20x64xf32, #tpu.memory_space<vmem>>, vector<16xf32>,
      %mul3A_1213 = arith.mulf %gather3A_1208, %get3A_1212 : vector<16xf32>
      %add3A_1214 = arith.addf %add3A_1202, %mul3A_1213 : vector<16xf32>
      %add3A_1215 = vector.broadcast %add3A_1044 : i32 to vector<16xi32>
      %add3A_1216 = arith.addi %mul3A_5, %add3A_1215 : vector<16xi32>
      %add3A_1217 = arith.constant 14 : i32
      %add3A_1218 = vector.broadcast %add3A_1217 : i32 to vector<16xi32>
      %add3A_1219 = arith.addi %mul3A_5, %add3A_1218 : vector<16xi32>
      %gather3A_1220 = tpu.vector_load_idx %arg7[%add3A_1216, %add3A_1219] : memref<64x20xf32, #tpu.memory_space<vmem>>[vector<16xi32>, vector<16xi32>], vector<16xf32>,
      %get3A_1221 = arith.constant 14 : i32
      %get3A_1222 = arith.index_cast %get3A_1221 : i32 to index
      %get3A_1223 = arith.constant 0 : index
      %get3A_1224 = tpu.vector_load %arg9[%get3A_1222, %get3A_1223] {strides = array<i32>} : memref<20x64xf32, #tpu.memory_space<vmem>>, vector<16xf32>,
      %mul3A_1225 = arith.mulf %gather3A_1220, %get3A_1224 : vector<16xf32>
      %add3A_1226 = arith.addf %add3A_1214, %mul3A_1225 : vector<16xf32>
      %add3A_1227 = vector.broadcast %add3A_1044 : i32 to vector<16xi32>
      %add3A_1228 = arith.addi %mul3A_5, %add3A_1227 : vector<16xi32>
      %add3A_1229 = arith.constant 15 : i32
      %add3A_1230 = vector.broadcast %add3A_1229 : i32 to vector<16xi32>
      %add3A_1231 = arith.addi %mul3A_5, %add3A_1230 : vector<16xi32>
      %gather3A_1232 = tpu.vector_load_idx %arg7[%add3A_1228, %add3A_1231] : memref<64x20xf32, #tpu.memory_space<vmem>>[vector<16xi32>, vector<16xi32>], vector<16xf32>,
      %get3A_1233 = arith.constant 15 : i32
      %get3A_1234 = arith.index_cast %get3A_1233 : i32 to index
      %get3A_1235 = arith.constant 0 : index
      %get3A_1236 = tpu.vector_load %arg9[%get3A_1234, %get3A_1235] {strides = array<i32>} : memref<20x64xf32, #tpu.memory_space<vmem>>, vector<16xf32>,
      %mul3A_1237 = arith.mulf %gather3A_1232, %get3A_1236 : vector<16xf32>
      %add3A_1238 = arith.addf %add3A_1226, %mul3A_1237 : vector<16xf32>
      %add3A_1239 = vector.broadcast %add3A_1044 : i32 to vector<16xi32>
      %add3A_1240 = arith.addi %mul3A_5, %add3A_1239 : vector<16xi32>
      %add3A_1241 = arith.constant 16 : i32
      %add3A_1242 = vector.broadcast %add3A_1241 : i32 to vector<16xi32>
      %add3A_1243 = arith.addi %mul3A_5, %add3A_1242 : vector<16xi32>
      %gather3A_1244 = tpu.vector_load_idx %arg7[%add3A_1240, %add3A_1243] : memref<64x20xf32, #tpu.memory_space<vmem>>[vector<16xi32>, vector<16xi32>], vector<16xf32>,
      %get3A_1245 = arith.constant 16 : i32
      %get3A_1246 = arith.index_cast %get3A_1245 : i32 to index
      %get3A_1247 = arith.constant 0 : index
      %get3A_1248 = tpu.vector_load %arg9[%get3A_1246, %get3A_1247] {strides = array<i32>} : memref<20x64xf32, #tpu.memory_space<vmem>>, vector<16xf32>,
      %mul3A_1249 = arith.mulf %gather3A_1244, %get3A_1248 : vector<16xf32>
      %add3A_1250 = arith.addf %add3A_1238, %mul3A_1249 : vector<16xf32>
      %add3A_1251 = vector.broadcast %add3A_1044 : i32 to vector<16xi32>
      %add3A_1252 = arith.addi %mul3A_5, %add3A_1251 : vector<16xi32>
      %add3A_1253 = arith.constant 17 : i32
      %add3A_1254 = vector.broadcast %add3A_1253 : i32 to vector<16xi32>
      %add3A_1255 = arith.addi %mul3A_5, %add3A_1254 : vector<16xi32>
      %gather3A_1256 = tpu.vector_load_idx %arg7[%add3A_1252, %add3A_1255] : memref<64x20xf32, #tpu.memory_space<vmem>>[vector<16xi32>, vector<16xi32>], vector<16xf32>,
      %get3A_1257 = arith.constant 17 : i32
      %get3A_1258 = arith.index_cast %get3A_1257 : i32 to index
      %get3A_1259 = arith.constant 0 : index
      %get3A_1260 = tpu.vector_load %arg9[%get3A_1258, %get3A_1259] {strides = array<i32>} : memref<20x64xf32, #tpu.memory_space<vmem>>, vector<16xf32>,
      %mul3A_1261 = arith.mulf %gather3A_1256, %get3A_1260 : vector<16xf32>
      %add3A_1262 = arith.addf %add3A_1250, %mul3A_1261 : vector<16xf32>
      %add3A_1263 = vector.broadcast %add3A_1044 : i32 to vector<16xi32>
      %add3A_1264 = arith.addi %mul3A_5, %add3A_1263 : vector<16xi32>
      %add3A_1265 = arith.constant 18 : i32
      %add3A_1266 = vector.broadcast %add3A_1265 : i32 to vector<16xi32>
      %add3A_1267 = arith.addi %mul3A_5, %add3A_1266 : vector<16xi32>
      %gather3A_1268 = tpu.vector_load_idx %arg7[%add3A_1264, %add3A_1267] : memref<64x20xf32, #tpu.memory_space<vmem>>[vector<16xi32>, vector<16xi32>], vector<16xf32>,
      %get3A_1269 = arith.constant 18 : i32
      %get3A_1270 = arith.index_cast %get3A_1269 : i32 to index
      %get3A_1271 = arith.constant 0 : index
      %get3A_1272 = tpu.vector_load %arg9[%get3A_1270, %get3A_1271] {strides = array<i32>} : memref<20x64xf32, #tpu.memory_space<vmem>>, vector<16xf32>,
      %mul3A_1273 = arith.mulf %gather3A_1268, %get3A_1272 : vector<16xf32>
      %add3A_1274 = arith.addf %add3A_1262, %mul3A_1273 : vector<16xf32>
      %add3A_1275 = vector.broadcast %add3A_1044 : i32 to vector<16xi32>
      %add3A_1276 = arith.addi %mul3A_5, %add3A_1275 : vector<16xi32>
      %add3A_1277 = arith.constant 19 : i32
      %add3A_1278 = vector.broadcast %add3A_1277 : i32 to vector<16xi32>
      %add3A_1279 = arith.addi %mul3A_5, %add3A_1278 : vector<16xi32>
      %gather3A_1280 = tpu.vector_load_idx %arg7[%add3A_1276, %add3A_1279] : memref<64x20xf32, #tpu.memory_space<vmem>>[vector<16xi32>, vector<16xi32>], vector<16xf32>,
      %get3A_1281 = arith.constant 19 : i32
      %get3A_1282 = arith.index_cast %get3A_1281 : i32 to index
      %get3A_1283 = arith.constant 0 : index
      %get3A_1284 = tpu.vector_load %arg9[%get3A_1282, %get3A_1283] {strides = array<i32>} : memref<20x64xf32, #tpu.memory_space<vmem>>, vector<16xf32>,
      %mul3A_1285 = arith.mulf %gather3A_1280, %get3A_1284 : vector<16xf32>
      %add3A_1286 = arith.addf %add3A_1274, %mul3A_1285 : vector<16xf32>
      %swap3A_1287 = arith.index_cast %add3A_1044 : i32 to index
      %swap3A_1288 = arith.constant 0 : index
      %swap3A_1289 = tpu.vector_load %arg10[%swap3A_1287, %swap3A_1288] {strides = array<i32>} : memref<64x64xf32, #tpu.memory_space<vmem>>, vector<16xf32>,
      tpu.vector_store %arg10[%swap3A_1287, %swap3A_1288], %add3A_1286 {strides = array<i32>} : memref<64x64xf32, #tpu.memory_space<vmem>>, vector<16xf32>,
      %broadcast_in_dim3A_1290 = arith.constant 0.000000e+00 : f32
      %broadcast_in_dim3A_1291 = vector.broadcast %broadcast_in_dim3A_1290 : f32 to vector<16xf32>
      %add3A_1292 = vector.broadcast %add3A_1044 : i32 to vector<16xi32>
      %add3A_1293 = arith.addi %mul3A_5, %add3A_1292 : vector<16xi32>
      %add3A_1294 = arith.constant 0 : i32
      %add3A_1295 = vector.broadcast %add3A_1294 : i32 to vector<16xi32>
      %add3A_1296 = arith.addi %mul3A_5, %add3A_1295 : vector<16xi32>
      %gather3A_1297 = tpu.vector_load_idx %arg7[%add3A_1293, %add3A_1296] : memref<64x20xf32, #tpu.memory_space<vmem>>[vector<16xi32>, vector<16xi32>], vector<16xf32>,
      %get3A_1298 = arith.constant 0 : i32
      %get3A_1299 = arith.index_cast %get3A_1298 : i32 to index
      %get3A_1300 = arith.constant 16 : index
      %get3A_1301 = tpu.vector_load %arg9[%get3A_1299, %get3A_1300] {strides = array<i32>} : memref<20x64xf32, #tpu.memory_space<vmem>>, vector<16xf32>,
      %mul3A_1302 = arith.mulf %gather3A_1297, %get3A_1301 : vector<16xf32>
      %add3A_1303 = arith.addf %broadcast_in_dim3A_1291, %mul3A_1302 : vector<16xf32>
      %add3A_1304 = vector.broadcast %add3A_1044 : i32 to vector<16xi32>
      %add3A_1305 = arith.addi %mul3A_5, %add3A_1304 : vector<16xi32>
      %add3A_1306 = arith.constant 1 : i32
      %add3A_1307 = vector.broadcast %add3A_1306 : i32 to vector<16xi32>
      %add3A_1308 = arith.addi %mul3A_5, %add3A_1307 : vector<16xi32>
      %gather3A_1309 = tpu.vector_load_idx %arg7[%add3A_1305, %add3A_1308] : memref<64x20xf32, #tpu.memory_space<vmem>>[vector<16xi32>, vector<16xi32>], vector<16xf32>,
      %get3A_1310 = arith.constant 1 : i32
      %get3A_1311 = arith.index_cast %get3A_1310 : i32 to index
      %get3A_1312 = arith.constant 16 : index
      %get3A_1313 = tpu.vector_load %arg9[%get3A_1311, %get3A_1312] {strides = array<i32>} : memref<20x64xf32, #tpu.memory_space<vmem>>, vector<16xf32>,
      %mul3A_1314 = arith.mulf %gather3A_1309, %get3A_1313 : vector<16xf32>
      %add3A_1315 = arith.addf %add3A_1303, %mul3A_1314 : vector<16xf32>
      %add3A_1316 = vector.broadcast %add3A_1044 : i32 to vector<16xi32>
      %add3A_1317 = arith.addi %mul3A_5, %add3A_1316 : vector<16xi32>
      %add3A_1318 = arith.constant 2 : i32
      %add3A_1319 = vector.broadcast %add3A_1318 : i32 to vector<16xi32>
      %add3A_1320 = arith.addi %mul3A_5, %add3A_1319 : vector<16xi32>
      %gather3A_1321 = tpu.vector_load_idx %arg7[%add3A_1317, %add3A_1320] : memref<64x20xf32, #tpu.memory_space<vmem>>[vector<16xi32>, vector<16xi32>], vector<16xf32>,
      %get3A_1322 = arith.constant 2 : i32
      %get3A_1323 = arith.index_cast %get3A_1322 : i32 to index
      %get3A_1324 = arith.constant 16 : index
      %get3A_1325 = tpu.vector_load %arg9[%get3A_1323, %get3A_1324] {strides = array<i32>} : memref<20x64xf32, #tpu.memory_space<vmem>>, vector<16xf32>,
      %mul3A_1326 = arith.mulf %gather3A_1321, %get3A_1325 : vector<16xf32>
      %add3A_1327 = arith.addf %add3A_1315, %mul3A_1326 : vector<16xf32>
      %add3A_1328 = vector.broadcast %add3A_1044 : i32 to vector<16xi32>
      %add3A_1329 = arith.addi %mul3A_5, %add3A_1328 : vector<16xi32>
      %add3A_1330 = arith.constant 3 : i32
      %add3A_1331 = vector.broadcast %add3A_1330 : i32 to vector<16xi32>
      %add3A_1332 = arith.addi %mul3A_5, %add3A_1331 : vector<16xi32>
      %gather3A_1333 = tpu.vector_load_idx %arg7[%add3A_1329, %add3A_1332] : memref<64x20xf32, #tpu.memory_space<vmem>>[vector<16xi32>, vector<16xi32>], vector<16xf32>,
      %get3A_1334 = arith.constant 3 : i32
      %get3A_1335 = arith.index_cast %get3A_1334 : i32 to index
      %get3A_1336 = arith.constant 16 : index
      %get3A_1337 = tpu.vector_load %arg9[%get3A_1335, %get3A_1336] {strides = array<i32>} : memref<20x64xf32, #tpu.memory_space<vmem>>, vector<16xf32>,
      %mul3A_1338 = arith.mulf %gather3A_1333, %get3A_1337 : vector<16xf32>
      %add3A_1339 = arith.addf %add3A_1327, %mul3A_1338 : vector<16xf32>
      %add3A_1340 = vector.broadcast %add3A_1044 : i32 to vector<16xi32>
      %add3A_1341 = arith.addi %mul3A_5, %add3A_1340 : vector<16xi32>
      %add3A_1342 = arith.constant 4 : i32
      %add3A_1343 = vector.broadcast %add3A_1342 : i32 to vector<16xi32>
      %add3A_1344 = arith.addi %mul3A_5, %add3A_1343 : vector<16xi32>
      %gather3A_1345 = tpu.vector_load_idx %arg7[%add3A_1341, %add3A_1344] : memref<64x20xf32, #tpu.memory_space<vmem>>[vector<16xi32>, vector<16xi32>], vector<16xf32>,
      %get3A_1346 = arith.constant 4 : i32
      %get3A_1347 = arith.index_cast %get3A_1346 : i32 to index
      %get3A_1348 = arith.constant 16 : index
      %get3A_1349 = tpu.vector_load %arg9[%get3A_1347, %get3A_1348] {strides = array<i32>} : memref<20x64xf32, #tpu.memory_space<vmem>>, vector<16xf32>,
      %mul3A_1350 = arith.mulf %gather3A_1345, %get3A_1349 : vector<16xf32>
      %add3A_1351 = arith.addf %add3A_1339, %mul3A_1350 : vector<16xf32>
      %add3A_1352 = vector.broadcast %add3A_1044 : i32 to vector<16xi32>
      %add3A_1353 = arith.addi %mul3A_5, %add3A_1352 : vector<16xi32>
      %add3A_1354 = arith.constant 5 : i32
      %add3A_1355 = vector.broadcast %add3A_1354 : i32 to vector<16xi32>
      %add3A_1356 = arith.addi %mul3A_5, %add3A_1355 : vector<16xi32>
      %gather3A_1357 = tpu.vector_load_idx %arg7[%add3A_1353, %add3A_1356] : memref<64x20xf32, #tpu.memory_space<vmem>>[vector<16xi32>, vector<16xi32>], vector<16xf32>,
      %get3A_1358 = arith.constant 5 : i32
      %get3A_1359 = arith.index_cast %get3A_1358 : i32 to index
      %get3A_1360 = arith.constant 16 : index
      %get3A_1361 = tpu.vector_load %arg9[%get3A_1359, %get3A_1360] {strides = array<i32>} : memref<20x64xf32, #tpu.memory_space<vmem>>, vector<16xf32>,
      %mul3A_1362 = arith.mulf %gather3A_1357, %get3A_1361 : vector<16xf32>
      %add3A_1363 = arith.addf %add3A_1351, %mul3A_1362 : vector<16xf32>
      %add3A_1364 = vector.broadcast %add3A_1044 : i32 to vector<16xi32>
      %add3A_1365 = arith.addi %mul3A_5, %add3A_1364 : vector<16xi32>
      %add3A_1366 = arith.constant 6 : i32
      %add3A_1367 = vector.broadcast %add3A_1366 : i32 to vector<16xi32>
      %add3A_1368 = arith.addi %mul3A_5, %add3A_1367 : vector<16xi32>
      %gather3A_1369 = tpu.vector_load_idx %arg7[%add3A_1365, %add3A_1368] : memref<64x20xf32, #tpu.memory_space<vmem>>[vector<16xi32>, vector<16xi32>], vector<16xf32>,
      %get3A_1370 = arith.constant 6 : i32
      %get3A_1371 = arith.index_cast %get3A_1370 : i32 to index
      %get3A_1372 = arith.constant 16 : index
      %get3A_1373 = tpu.vector_load %arg9[%get3A_1371, %get3A_1372] {strides = array<i32>} : memref<20x64xf32, #tpu.memory_space<vmem>>, vector<16xf32>,
      %mul3A_1374 = arith.mulf %gather3A_1369, %get3A_1373 : vector<16xf32>
      %add3A_1375 = arith.addf %add3A_1363, %mul3A_1374 : vector<16xf32>
      %add3A_1376 = vector.broadcast %add3A_1044 : i32 to vector<16xi32>
      %add3A_1377 = arith.addi %mul3A_5, %add3A_1376 : vector<16xi32>
      %add3A_1378 = arith.constant 7 : i32
      %add3A_1379 = vector.broadcast %add3A_1378 : i32 to vector<16xi32>
      %add3A_1380 = arith.addi %mul3A_5, %add3A_1379 : vector<16xi32>
      %gather3A_1381 = tpu.vector_load_idx %arg7[%add3A_1377, %add3A_1380] : memref<64x20xf32, #tpu.memory_space<vmem>>[vector<16xi32>, vector<16xi32>], vector<16xf32>,
      %get3A_1382 = arith.constant 7 : i32
      %get3A_1383 = arith.index_cast %get3A_1382 : i32 to index
      %get3A_1384 = arith.constant 16 : index
      %get3A_1385 = tpu.vector_load %arg9[%get3A_1383, %get3A_1384] {strides = array<i32>} : memref<20x64xf32, #tpu.memory_space<vmem>>, vector<16xf32>,
      %mul3A_1386 = arith.mulf %gather3A_1381, %get3A_1385 : vector<16xf32>
      %add3A_1387 = arith.addf %add3A_1375, %mul3A_1386 : vector<16xf32>
      %add3A_1388 = vector.broadcast %add3A_1044 : i32 to vector<16xi32>
      %add3A_1389 = arith.addi %mul3A_5, %add3A_1388 : vector<16xi32>
      %add3A_1390 = arith.constant 8 : i32
      %add3A_1391 = vector.broadcast %add3A_1390 : i32 to vector<16xi32>
      %add3A_1392 = arith.addi %mul3A_5, %add3A_1391 : vector<16xi32>
      %gather3A_1393 = tpu.vector_load_idx %arg7[%add3A_1389, %add3A_1392] : memref<64x20xf32, #tpu.memory_space<vmem>>[vector<16xi32>, vector<16xi32>], vector<16xf32>,
      %get3A_1394 = arith.constant 8 : i32
      %get3A_1395 = arith.index_cast %get3A_1394 : i32 to index
      %get3A_1396 = arith.constant 16 : index
      %get3A_1397 = tpu.vector_load %arg9[%get3A_1395, %get3A_1396] {strides = array<i32>} : memref<20x64xf32, #tpu.memory_space<vmem>>, vector<16xf32>,
      %mul3A_1398 = arith.mulf %gather3A_1393, %get3A_1397 : vector<16xf32>
      %add3A_1399 = arith.addf %add3A_1387, %mul3A_1398 : vector<16xf32>
      %add3A_1400 = vector.broadcast %add3A_1044 : i32 to vector<16xi32>
      %add3A_1401 = arith.addi %mul3A_5, %add3A_1400 : vector<16xi32>
      %add3A_1402 = arith.constant 9 : i32
      %add3A_1403 = vector.broadcast %add3A_1402 : i32 to vector<16xi32>
      %add3A_1404 = arith.addi %mul3A_5, %add3A_1403 : vector<16xi32>
      %gather3A_1405 = tpu.vector_load_idx %arg7[%add3A_1401, %add3A_1404] : memref<64x20xf32, #tpu.memory_space<vmem>>[vector<16xi32>, vector<16xi32>], vector<16xf32>,
      %get3A_1406 = arith.constant 9 : i32
      %get3A_1407 = arith.index_cast %get3A_1406 : i32 to index
      %get3A_1408 = arith.constant 16 : index
      %get3A_1409 = tpu.vector_load %arg9[%get3A_1407, %get3A_1408] {strides = array<i32>} : memref<20x64xf32, #tpu.memory_space<vmem>>, vector<16xf32>,
      %mul3A_1410 = arith.mulf %gather3A_1405, %get3A_1409 : vector<16xf32>
      %add3A_1411 = arith.addf %add3A_1399, %mul3A_1410 : vector<16xf32>
      %add3A_1412 = vector.broadcast %add3A_1044 : i32 to vector<16xi32>
      %add3A_1413 = arith.addi %mul3A_5, %add3A_1412 : vector<16xi32>
      %add3A_1414 = arith.constant 10 : i32
      %add3A_1415 = vector.broadcast %add3A_1414 : i32 to vector<16xi32>
      %add3A_1416 = arith.addi %mul3A_5, %add3A_1415 : vector<16xi32>
      %gather3A_1417 = tpu.vector_load_idx %arg7[%add3A_1413, %add3A_1416] : memref<64x20xf32, #tpu.memory_space<vmem>>[vector<16xi32>, vector<16xi32>], vector<16xf32>,
      %get3A_1418 = arith.constant 10 : i32
      %get3A_1419 = arith.index_cast %get3A_1418 : i32 to index
      %get3A_1420 = arith.constant 16 : index
      %get3A_1421 = tpu.vector_load %arg9[%get3A_1419, %get3A_1420] {strides = array<i32>} : memref<20x64xf32, #tpu.memory_space<vmem>>, vector<16xf32>,
      %mul3A_1422 = arith.mulf %gather3A_1417, %get3A_1421 : vector<16xf32>
      %add3A_1423 = arith.addf %add3A_1411, %mul3A_1422 : vector<16xf32>
      %add3A_1424 = vector.broadcast %add3A_1044 : i32 to vector<16xi32>
      %add3A_1425 = arith.addi %mul3A_5, %add3A_1424 : vector<16xi32>
      %add3A_1426 = arith.constant 11 : i32
      %add3A_1427 = vector.broadcast %add3A_1426 : i32 to vector<16xi32>
      %add3A_1428 = arith.addi %mul3A_5, %add3A_1427 : vector<16xi32>
      %gather3A_1429 = tpu.vector_load_idx %arg7[%add3A_1425, %add3A_1428] : memref<64x20xf32, #tpu.memory_space<vmem>>[vector<16xi32>, vector<16xi32>], vector<16xf32>,
      %get3A_1430 = arith.constant 11 : i32
      %get3A_1431 = arith.index_cast %get3A_1430 : i32 to index
      %get3A_1432 = arith.constant 16 : index
      %get3A_1433 = tpu.vector_load %arg9[%get3A_1431, %get3A_1432] {strides = array<i32>} : memref<20x64xf32, #tpu.memory_space<vmem>>, vector<16xf32>,
      %mul3A_1434 = arith.mulf %gather3A_1429, %get3A_1433 : vector<16xf32>
      %add3A_1435 = arith.addf %add3A_1423, %mul3A_1434 : vector<16xf32>
      %add3A_1436 = vector.broadcast %add3A_1044 : i32 to vector<16xi32>
      %add3A_1437 = arith.addi %mul3A_5, %add3A_1436 : vector<16xi32>
      %add3A_1438 = arith.constant 12 : i32
      %add3A_1439 = vector.broadcast %add3A_1438 : i32 to vector<16xi32>
      %add3A_1440 = arith.addi %mul3A_5, %add3A_1439 : vector<16xi32>
      %gather3A_1441 = tpu.vector_load_idx %arg7[%add3A_1437, %add3A_1440] : memref<64x20xf32, #tpu.memory_space<vmem>>[vector<16xi32>, vector<16xi32>], vector<16xf32>,
      %get3A_1442 = arith.constant 12 : i32
      %get3A_1443 = arith.index_cast %get3A_1442 : i32 to index
      %get3A_1444 = arith.constant 16 : index
      %get3A_1445 = tpu.vector_load %arg9[%get3A_1443, %get3A_1444] {strides = array<i32>} : memref<20x64xf32, #tpu.memory_space<vmem>>, vector<16xf32>,
      %mul3A_1446 = arith.mulf %gather3A_1441, %get3A_1445 : vector<16xf32>
      %add3A_1447 = arith.addf %add3A_1435, %mul3A_1446 : vector<16xf32>
      %add3A_1448 = vector.broadcast %add3A_1044 : i32 to vector<16xi32>
      %add3A_1449 = arith.addi %mul3A_5, %add3A_1448 : vector<16xi32>
      %add3A_1450 = arith.constant 13 : i32
      %add3A_1451 = vector.broadcast %add3A_1450 : i32 to vector<16xi32>
      %add3A_1452 = arith.addi %mul3A_5, %add3A_1451 : vector<16xi32>
      %gather3A_1453 = tpu.vector_load_idx %arg7[%add3A_1449, %add3A_1452] : memref<64x20xf32, #tpu.memory_space<vmem>>[vector<16xi32>, vector<16xi32>], vector<16xf32>,
      %get3A_1454 = arith.constant 13 : i32
      %get3A_1455 = arith.index_cast %get3A_1454 : i32 to index
      %get3A_1456 = arith.constant 16 : index
      %get3A_1457 = tpu.vector_load %arg9[%get3A_1455, %get3A_1456] {strides = array<i32>} : memref<20x64xf32, #tpu.memory_space<vmem>>, vector<16xf32>,
      %mul3A_1458 = arith.mulf %gather3A_1453, %get3A_1457 : vector<16xf32>
      %add3A_1459 = arith.addf %add3A_1447, %mul3A_1458 : vector<16xf32>
      %add3A_1460 = vector.broadcast %add3A_1044 : i32 to vector<16xi32>
      %add3A_1461 = arith.addi %mul3A_5, %add3A_1460 : vector<16xi32>
      %add3A_1462 = arith.constant 14 : i32
      %add3A_1463 = vector.broadcast %add3A_1462 : i32 to vector<16xi32>
      %add3A_1464 = arith.addi %mul3A_5, %add3A_1463 : vector<16xi32>
      %gather3A_1465 = tpu.vector_load_idx %arg7[%add3A_1461, %add3A_1464] : memref<64x20xf32, #tpu.memory_space<vmem>>[vector<16xi32>, vector<16xi32>], vector<16xf32>,
      %get3A_1466 = arith.constant 14 : i32
      %get3A_1467 = arith.index_cast %get3A_1466 : i32 to index
      %get3A_1468 = arith.constant 16 : index
      %get3A_1469 = tpu.vector_load %arg9[%get3A_1467, %get3A_1468] {strides = array<i32>} : memref<20x64xf32, #tpu.memory_space<vmem>>, vector<16xf32>,
      %mul3A_1470 = arith.mulf %gather3A_1465, %get3A_1469 : vector<16xf32>
      %add3A_1471 = arith.addf %add3A_1459, %mul3A_1470 : vector<16xf32>
      %add3A_1472 = vector.broadcast %add3A_1044 : i32 to vector<16xi32>
      %add3A_1473 = arith.addi %mul3A_5, %add3A_1472 : vector<16xi32>
      %add3A_1474 = arith.constant 15 : i32
      %add3A_1475 = vector.broadcast %add3A_1474 : i32 to vector<16xi32>
      %add3A_1476 = arith.addi %mul3A_5, %add3A_1475 : vector<16xi32>
      %gather3A_1477 = tpu.vector_load_idx %arg7[%add3A_1473, %add3A_1476] : memref<64x20xf32, #tpu.memory_space<vmem>>[vector<16xi32>, vector<16xi32>], vector<16xf32>,
      %get3A_1478 = arith.constant 15 : i32
      %get3A_1479 = arith.index_cast %get3A_1478 : i32 to index
      %get3A_1480 = arith.constant 16 : index
      %get3A_1481 = tpu.vector_load %arg9[%get3A_1479, %get3A_1480] {strides = array<i32>} : memref<20x64xf32, #tpu.memory_space<vmem>>, vector<16xf32>,
      %mul3A_1482 = arith.mulf %gather3A_1477, %get3A_1481 : vector<16xf32>
      %add3A_1483 = arith.addf %add3A_1471, %mul3A_1482 : vector<16xf32>
      %add3A_1484 = vector.broadcast %add3A_1044 : i32 to vector<16xi32>
      %add3A_1485 = arith.addi %mul3A_5, %add3A_1484 : vector<16xi32>
      %add3A_1486 = arith.constant 16 : i32
      %add3A_1487 = vector.broadcast %add3A_1486 : i32 to vector<16xi32>
      %add3A_1488 = arith.addi %mul3A_5, %add3A_1487 : vector<16xi32>
      %gather3A_1489 = tpu.vector_load_idx %arg7[%add3A_1485, %add3A_1488] : memref<64x20xf32, #tpu.memory_space<vmem>>[vector<16xi32>, vector<16xi32>], vector<16xf32>,
      %get3A_1490 = arith.constant 16 : i32
      %get3A_1491 = arith.index_cast %get3A_1490 : i32 to index
      %get3A_1492 = arith.constant 16 : index
      %get3A_1493 = tpu.vector_load %arg9[%get3A_1491, %get3A_1492] {strides = array<i32>} : memref<20x64xf32, #tpu.memory_space<vmem>>, vector<16xf32>,
      %mul3A_1494 = arith.mulf %gather3A_1489, %get3A_1493 : vector<16xf32>
      %add3A_1495 = arith.addf %add3A_1483, %mul3A_1494 : vector<16xf32>
      %add3A_1496 = vector.broadcast %add3A_1044 : i32 to vector<16xi32>
      %add3A_1497 = arith.addi %mul3A_5, %add3A_1496 : vector<16xi32>
      %add3A_1498 = arith.constant 17 : i32
      %add3A_1499 = vector.broadcast %add3A_1498 : i32 to vector<16xi32>
      %add3A_1500 = arith.addi %mul3A_5, %add3A_1499 : vector<16xi32>
      %gather3A_1501 = tpu.vector_load_idx %arg7[%add3A_1497, %add3A_1500] : memref<64x20xf32, #tpu.memory_space<vmem>>[vector<16xi32>, vector<16xi32>], vector<16xf32>,
      %get3A_1502 = arith.constant 17 : i32
      %get3A_1503 = arith.index_cast %get3A_1502 : i32 to index
      %get3A_1504 = arith.constant 16 : index
      %get3A_1505 = tpu.vector_load %arg9[%get3A_1503, %get3A_1504] {strides = array<i32>} : memref<20x64xf32, #tpu.memory_space<vmem>>, vector<16xf32>,
      %mul3A_1506 = arith.mulf %gather3A_1501, %get3A_1505 : vector<16xf32>
      %add3A_1507 = arith.addf %add3A_1495, %mul3A_1506 : vector<16xf32>
      %add3A_1508 = vector.broadcast %add3A_1044 : i32 to vector<16xi32>
      %add3A_1509 = arith.addi %mul3A_5, %add3A_1508 : vector<16xi32>
      %add3A_1510 = arith.constant 18 : i32
      %add3A_1511 = vector.broadcast %add3A_1510 : i32 to vector<16xi32>
      %add3A_1512 = arith.addi %mul3A_5, %add3A_1511 : vector<16xi32>
      %gather3A_1513 = tpu.vector_load_idx %arg7[%add3A_1509, %add3A_1512] : memref<64x20xf32, #tpu.memory_space<vmem>>[vector<16xi32>, vector<16xi32>], vector<16xf32>,
      %get3A_1514 = arith.constant 18 : i32
      %get3A_1515 = arith.index_cast %get3A_1514 : i32 to index
      %get3A_1516 = arith.constant 16 : index
      %get3A_1517 = tpu.vector_load %arg9[%get3A_1515, %get3A_1516] {strides = array<i32>} : memref<20x64xf32, #tpu.memory_space<vmem>>, vector<16xf32>,
      %mul3A_1518 = arith.mulf %gather3A_1513, %get3A_1517 : vector<16xf32>
      %add3A_1519 = arith.addf %add3A_1507, %mul3A_1518 : vector<16xf32>
      %add3A_1520 = vector.broadcast %add3A_1044 : i32 to vector<16xi32>
      %add3A_1521 = arith.addi %mul3A_5, %add3A_1520 : vector<16xi32>
      %add3A_1522 = arith.constant 19 : i32
      %add3A_1523 = vector.broadcast %add3A_1522 : i32 to vector<16xi32>
      %add3A_1524 = arith.addi %mul3A_5, %add3A_1523 : vector<16xi32>
      %gather3A_1525 = tpu.vector_load_idx %arg7[%add3A_1521, %add3A_1524] : memref<64x20xf32, #tpu.memory_space<vmem>>[vector<16xi32>, vector<16xi32>], vector<16xf32>,
      %get3A_1526 = arith.constant 19 : i32
      %get3A_1527 = arith.index_cast %get3A_1526 : i32 to index
      %get3A_1528 = arith.constant 16 : index
      %get3A_1529 = tpu.vector_load %arg9[%get3A_1527, %get3A_1528] {strides = array<i32>} : memref<20x64xf32, #tpu.memory_space<vmem>>, vector<16xf32>,
      %mul3A_1530 = arith.mulf %gather3A_1525, %get3A_1529 : vector<16xf32>
      %add3A_1531 = arith.addf %add3A_1519, %mul3A_1530 : vector<16xf32>
      %swap3A_1532 = arith.index_cast %add3A_1044 : i32 to index
      %swap3A_1533 = arith.constant 16 : index
      %swap3A_1534 = tpu.vector_load %arg10[%swap3A_1532, %swap3A_1533] {strides = array<i32>} : memref<64x64xf32, #tpu.memory_space<vmem>>, vector<16xf32>,
      tpu.vector_store %arg10[%swap3A_1532, %swap3A_1533], %add3A_1531 {strides = array<i32>} : memref<64x64xf32, #tpu.memory_space<vmem>>, vector<16xf32>,
      %broadcast_in_dim3A_1535 = arith.constant 0.000000e+00 : f32
      %broadcast_in_dim3A_1536 = vector.broadcast %broadcast_in_dim3A_1535 : f32 to vector<16xf32>
      %add3A_1537 = vector.broadcast %add3A_1044 : i32 to vector<16xi32>
      %add3A_1538 = arith.addi %mul3A_5, %add3A_1537 : vector<16xi32>
      %add3A_1539 = arith.constant 0 : i32
      %add3A_1540 = vector.broadcast %add3A_1539 : i32 to vector<16xi32>
      %add3A_1541 = arith.addi %mul3A_5, %add3A_1540 : vector<16xi32>
      %gather3A_1542 = tpu.vector_load_idx %arg7[%add3A_1538, %add3A_1541] : memref<64x20xf32, #tpu.memory_space<vmem>>[vector<16xi32>, vector<16xi32>], vector<16xf32>,
      %get3A_1543 = arith.constant 0 : i32
      %get3A_1544 = arith.index_cast %get3A_1543 : i32 to index
      %get3A_1545 = arith.constant 32 : index
      %get3A_1546 = tpu.vector_load %arg9[%get3A_1544, %get3A_1545] {strides = array<i32>} : memref<20x64xf32, #tpu.memory_space<vmem>>, vector<16xf32>,
      %mul3A_1547 = arith.mulf %gather3A_1542, %get3A_1546 : vector<16xf32>
      %add3A_1548 = arith.addf %broadcast_in_dim3A_1536, %mul3A_1547 : vector<16xf32>
      %add3A_1549 = vector.broadcast %add3A_1044 : i32 to vector<16xi32>
      %add3A_1550 = arith.addi %mul3A_5, %add3A_1549 : vector<16xi32>
      %add3A_1551 = arith.constant 1 : i32
      %add3A_1552 = vector.broadcast %add3A_1551 : i32 to vector<16xi32>
      %add3A_1553 = arith.addi %mul3A_5, %add3A_1552 : vector<16xi32>
      %gather3A_1554 = tpu.vector_load_idx %arg7[%add3A_1550, %add3A_1553] : memref<64x20xf32, #tpu.memory_space<vmem>>[vector<16xi32>, vector<16xi32>], vector<16xf32>,
      %get3A_1555 = arith.constant 1 : i32
      %get3A_1556 = arith.index_cast %get3A_1555 : i32 to index
      %get3A_1557 = arith.constant 32 : index
      %get3A_1558 = tpu.vector_load %arg9[%get3A_1556, %get3A_1557] {strides = array<i32>} : memref<20x64xf32, #tpu.memory_space<vmem>>, vector<16xf32>,
      %mul3A_1559 = arith.mulf %gather3A_1554, %get3A_1558 : vector<16xf32>
      %add3A_1560 = arith.addf %add3A_1548, %mul3A_1559 : vector<16xf32>
      %add3A_1561 = vector.broadcast %add3A_1044 : i32 to vector<16xi32>
      %add3A_1562 = arith.addi %mul3A_5, %add3A_1561 : vector<16xi32>
      %add3A_1563 = arith.constant 2 : i32
      %add3A_1564 = vector.broadcast %add3A_1563 : i32 to vector<16xi32>
      %add3A_1565 = arith.addi %mul3A_5, %add3A_1564 : vector<16xi32>
      %gather3A_1566 = tpu.vector_load_idx %arg7[%add3A_1562, %add3A_1565] : memref<64x20xf32, #tpu.memory_space<vmem>>[vector<16xi32>, vector<16xi32>], vector<16xf32>,
      %get3A_1567 = arith.constant 2 : i32
      %get3A_1568 = arith.index_cast %get3A_1567 : i32 to index
      %get3A_1569 = arith.constant 32 : index
      %get3A_1570 = tpu.vector_load %arg9[%get3A_1568, %get3A_1569] {strides = array<i32>} : memref<20x64xf32, #tpu.memory_space<vmem>>, vector<16xf32>,
      %mul3A_1571 = arith.mulf %gather3A_1566, %get3A_1570 : vector<16xf32>
      %add3A_1572 = arith.addf %add3A_1560, %mul3A_1571 : vector<16xf32>
      %add3A_1573 = vector.broadcast %add3A_1044 : i32 to vector<16xi32>
      %add3A_1574 = arith.addi %mul3A_5, %add3A_1573 : vector<16xi32>
      %add3A_1575 = arith.constant 3 : i32
      %add3A_1576 = vector.broadcast %add3A_1575 : i32 to vector<16xi32>
      %add3A_1577 = arith.addi %mul3A_5, %add3A_1576 : vector<16xi32>
      %gather3A_1578 = tpu.vector_load_idx %arg7[%add3A_1574, %add3A_1577] : memref<64x20xf32, #tpu.memory_space<vmem>>[vector<16xi32>, vector<16xi32>], vector<16xf32>,
      %get3A_1579 = arith.constant 3 : i32
      %get3A_1580 = arith.index_cast %get3A_1579 : i32 to index
      %get3A_1581 = arith.constant 32 : index
      %get3A_1582 = tpu.vector_load %arg9[%get3A_1580, %get3A_1581] {strides = array<i32>} : memref<20x64xf32, #tpu.memory_space<vmem>>, vector<16xf32>,
      %mul3A_1583 = arith.mulf %gather3A_1578, %get3A_1582 : vector<16xf32>
      %add3A_1584 = arith.addf %add3A_1572, %mul3A_1583 : vector<16xf32>
      %add3A_1585 = vector.broadcast %add3A_1044 : i32 to vector<16xi32>
      %add3A_1586 = arith.addi %mul3A_5, %add3A_1585 : vector<16xi32>
      %add3A_1587 = arith.constant 4 : i32
      %add3A_1588 = vector.broadcast %add3A_1587 : i32 to vector<16xi32>
      %add3A_1589 = arith.addi %mul3A_5, %add3A_1588 : vector<16xi32>
      %gather3A_1590 = tpu.vector_load_idx %arg7[%add3A_1586, %add3A_1589] : memref<64x20xf32, #tpu.memory_space<vmem>>[vector<16xi32>, vector<16xi32>], vector<16xf32>,
      %get3A_1591 = arith.constant 4 : i32
      %get3A_1592 = arith.index_cast %get3A_1591 : i32 to index
      %get3A_1593 = arith.constant 32 : index
      %get3A_1594 = tpu.vector_load %arg9[%get3A_1592, %get3A_1593] {strides = array<i32>} : memref<20x64xf32, #tpu.memory_space<vmem>>, vector<16xf32>,
      %mul3A_1595 = arith.mulf %gather3A_1590, %get3A_1594 : vector<16xf32>
      %add3A_1596 = arith.addf %add3A_1584, %mul3A_1595 : vector<16xf32>
      %add3A_1597 = vector.broadcast %add3A_1044 : i32 to vector<16xi32>
      %add3A_1598 = arith.addi %mul3A_5, %add3A_1597 : vector<16xi32>
      %add3A_1599 = arith.constant 5 : i32
      %add3A_1600 = vector.broadcast %add3A_1599 : i32 to vector<16xi32>
      %add3A_1601 = arith.addi %mul3A_5, %add3A_1600 : vector<16xi32>
      %gather3A_1602 = tpu.vector_load_idx %arg7[%add3A_1598, %add3A_1601] : memref<64x20xf32, #tpu.memory_space<vmem>>[vector<16xi32>, vector<16xi32>], vector<16xf32>,
      %get3A_1603 = arith.constant 5 : i32
      %get3A_1604 = arith.index_cast %get3A_1603 : i32 to index
      %get3A_1605 = arith.constant 32 : index
      %get3A_1606 = tpu.vector_load %arg9[%get3A_1604, %get3A_1605] {strides = array<i32>} : memref<20x64xf32, #tpu.memory_space<vmem>>, vector<16xf32>,
      %mul3A_1607 = arith.mulf %gather3A_1602, %get3A_1606 : vector<16xf32>
      %add3A_1608 = arith.addf %add3A_1596, %mul3A_1607 : vector<16xf32>
      %add3A_1609 = vector.broadcast %add3A_1044 : i32 to vector<16xi32>
      %add3A_1610 = arith.addi %mul3A_5, %add3A_1609 : vector<16xi32>
      %add3A_1611 = arith.constant 6 : i32
      %add3A_1612 = vector.broadcast %add3A_1611 : i32 to vector<16xi32>
      %add3A_1613 = arith.addi %mul3A_5, %add3A_1612 : vector<16xi32>
      %gather3A_1614 = tpu.vector_load_idx %arg7[%add3A_1610, %add3A_1613] : memref<64x20xf32, #tpu.memory_space<vmem>>[vector<16xi32>, vector<16xi32>], vector<16xf32>,
      %get3A_1615 = arith.constant 6 : i32
      %get3A_1616 = arith.index_cast %get3A_1615 : i32 to index
      %get3A_1617 = arith.constant 32 : index
      %get3A_1618 = tpu.vector_load %arg9[%get3A_1616, %get3A_1617] {strides = array<i32>} : memref<20x64xf32, #tpu.memory_space<vmem>>, vector<16xf32>,
      %mul3A_1619 = arith.mulf %gather3A_1614, %get3A_1618 : vector<16xf32>
      %add3A_1620 = arith.addf %add3A_1608, %mul3A_1619 : vector<16xf32>
      %add3A_1621 = vector.broadcast %add3A_1044 : i32 to vector<16xi32>
      %add3A_1622 = arith.addi %mul3A_5, %add3A_1621 : vector<16xi32>
      %add3A_1623 = arith.constant 7 : i32
      %add3A_1624 = vector.broadcast %add3A_1623 : i32 to vector<16xi32>
      %add3A_1625 = arith.addi %mul3A_5, %add3A_1624 : vector<16xi32>
      %gather3A_1626 = tpu.vector_load_idx %arg7[%add3A_1622, %add3A_1625] : memref<64x20xf32, #tpu.memory_space<vmem>>[vector<16xi32>, vector<16xi32>], vector<16xf32>,
      %get3A_1627 = arith.constant 7 : i32
      %get3A_1628 = arith.index_cast %get3A_1627 : i32 to index
      %get3A_1629 = arith.constant 32 : index
      %get3A_1630 = tpu.vector_load %arg9[%get3A_1628, %get3A_1629] {strides = array<i32>} : memref<20x64xf32, #tpu.memory_space<vmem>>, vector<16xf32>,
      %mul3A_1631 = arith.mulf %gather3A_1626, %get3A_1630 : vector<16xf32>
      %add3A_1632 = arith.addf %add3A_1620, %mul3A_1631 : vector<16xf32>
      %add3A_1633 = vector.broadcast %add3A_1044 : i32 to vector<16xi32>
      %add3A_1634 = arith.addi %mul3A_5, %add3A_1633 : vector<16xi32>
      %add3A_1635 = arith.constant 8 : i32
      %add3A_1636 = vector.broadcast %add3A_1635 : i32 to vector<16xi32>
      %add3A_1637 = arith.addi %mul3A_5, %add3A_1636 : vector<16xi32>
      %gather3A_1638 = tpu.vector_load_idx %arg7[%add3A_1634, %add3A_1637] : memref<64x20xf32, #tpu.memory_space<vmem>>[vector<16xi32>, vector<16xi32>], vector<16xf32>,
      %get3A_1639 = arith.constant 8 : i32
      %get3A_1640 = arith.index_cast %get3A_1639 : i32 to index
      %get3A_1641 = arith.constant 32 : index
      %get3A_1642 = tpu.vector_load %arg9[%get3A_1640, %get3A_1641] {strides = array<i32>} : memref<20x64xf32, #tpu.memory_space<vmem>>, vector<16xf32>,
      %mul3A_1643 = arith.mulf %gather3A_1638, %get3A_1642 : vector<16xf32>
      %add3A_1644 = arith.addf %add3A_1632, %mul3A_1643 : vector<16xf32>
      %add3A_1645 = vector.broadcast %add3A_1044 : i32 to vector<16xi32>
      %add3A_1646 = arith.addi %mul3A_5, %add3A_1645 : vector<16xi32>
      %add3A_1647 = arith.constant 9 : i32
      %add3A_1648 = vector.broadcast %add3A_1647 : i32 to vector<16xi32>
      %add3A_1649 = arith.addi %mul3A_5, %add3A_1648 : vector<16xi32>
      %gather3A_1650 = tpu.vector_load_idx %arg7[%add3A_1646, %add3A_1649] : memref<64x20xf32, #tpu.memory_space<vmem>>[vector<16xi32>, vector<16xi32>], vector<16xf32>,
      %get3A_1651 = arith.constant 9 : i32
      %get3A_1652 = arith.index_cast %get3A_1651 : i32 to index
      %get3A_1653 = arith.constant 32 : index
      %get3A_1654 = tpu.vector_load %arg9[%get3A_1652, %get3A_1653] {strides = array<i32>} : memref<20x64xf32, #tpu.memory_space<vmem>>, vector<16xf32>,
      %mul3A_1655 = arith.mulf %gather3A_1650, %get3A_1654 : vector<16xf32>
      %add3A_1656 = arith.addf %add3A_1644, %mul3A_1655 : vector<16xf32>
      %add3A_1657 = vector.broadcast %add3A_1044 : i32 to vector<16xi32>
      %add3A_1658 = arith.addi %mul3A_5, %add3A_1657 : vector<16xi32>
      %add3A_1659 = arith.constant 10 : i32
      %add3A_1660 = vector.broadcast %add3A_1659 : i32 to vector<16xi32>
      %add3A_1661 = arith.addi %mul3A_5, %add3A_1660 : vector<16xi32>
      %gather3A_1662 = tpu.vector_load_idx %arg7[%add3A_1658, %add3A_1661] : memref<64x20xf32, #tpu.memory_space<vmem>>[vector<16xi32>, vector<16xi32>], vector<16xf32>,
      %get3A_1663 = arith.constant 10 : i32
      %get3A_1664 = arith.index_cast %get3A_1663 : i32 to index
      %get3A_1665 = arith.constant 32 : index
      %get3A_1666 = tpu.vector_load %arg9[%get3A_1664, %get3A_1665] {strides = array<i32>} : memref<20x64xf32, #tpu.memory_space<vmem>>, vector<16xf32>,
      %mul3A_1667 = arith.mulf %gather3A_1662, %get3A_1666 : vector<16xf32>
      %add3A_1668 = arith.addf %add3A_1656, %mul3A_1667 : vector<16xf32>
      %add3A_1669 = vector.broadcast %add3A_1044 : i32 to vector<16xi32>
      %add3A_1670 = arith.addi %mul3A_5, %add3A_1669 : vector<16xi32>
      %add3A_1671 = arith.constant 11 : i32
      %add3A_1672 = vector.broadcast %add3A_1671 : i32 to vector<16xi32>
      %add3A_1673 = arith.addi %mul3A_5, %add3A_1672 : vector<16xi32>
      %gather3A_1674 = tpu.vector_load_idx %arg7[%add3A_1670, %add3A_1673] : memref<64x20xf32, #tpu.memory_space<vmem>>[vector<16xi32>, vector<16xi32>], vector<16xf32>,
      %get3A_1675 = arith.constant 11 : i32
      %get3A_1676 = arith.index_cast %get3A_1675 : i32 to index
      %get3A_1677 = arith.constant 32 : index
      %get3A_1678 = tpu.vector_load %arg9[%get3A_1676, %get3A_1677] {strides = array<i32>} : memref<20x64xf32, #tpu.memory_space<vmem>>, vector<16xf32>,
      %mul3A_1679 = arith.mulf %gather3A_1674, %get3A_1678 : vector<16xf32>
      %add3A_1680 = arith.addf %add3A_1668, %mul3A_1679 : vector<16xf32>
      %add3A_1681 = vector.broadcast %add3A_1044 : i32 to vector<16xi32>
      %add3A_1682 = arith.addi %mul3A_5, %add3A_1681 : vector<16xi32>
      %add3A_1683 = arith.constant 12 : i32
      %add3A_1684 = vector.broadcast %add3A_1683 : i32 to vector<16xi32>
      %add3A_1685 = arith.addi %mul3A_5, %add3A_1684 : vector<16xi32>
      %gather3A_1686 = tpu.vector_load_idx %arg7[%add3A_1682, %add3A_1685] : memref<64x20xf32, #tpu.memory_space<vmem>>[vector<16xi32>, vector<16xi32>], vector<16xf32>,
      %get3A_1687 = arith.constant 12 : i32
      %get3A_1688 = arith.index_cast %get3A_1687 : i32 to index
      %get3A_1689 = arith.constant 32 : index
      %get3A_1690 = tpu.vector_load %arg9[%get3A_1688, %get3A_1689] {strides = array<i32>} : memref<20x64xf32, #tpu.memory_space<vmem>>, vector<16xf32>,
      %mul3A_1691 = arith.mulf %gather3A_1686, %get3A_1690 : vector<16xf32>
      %add3A_1692 = arith.addf %add3A_1680, %mul3A_1691 : vector<16xf32>
      %add3A_1693 = vector.broadcast %add3A_1044 : i32 to vector<16xi32>
      %add3A_1694 = arith.addi %mul3A_5, %add3A_1693 : vector<16xi32>
      %add3A_1695 = arith.constant 13 : i32
      %add3A_1696 = vector.broadcast %add3A_1695 : i32 to vector<16xi32>
      %add3A_1697 = arith.addi %mul3A_5, %add3A_1696 : vector<16xi32>
      %gather3A_1698 = tpu.vector_load_idx %arg7[%add3A_1694, %add3A_1697] : memref<64x20xf32, #tpu.memory_space<vmem>>[vector<16xi32>, vector<16xi32>], vector<16xf32>,
      %get3A_1699 = arith.constant 13 : i32
      %get3A_1700 = arith.index_cast %get3A_1699 : i32 to index
      %get3A_1701 = arith.constant 32 : index
      %get3A_1702 = tpu.vector_load %arg9[%get3A_1700, %get3A_1701] {strides = array<i32>} : memref<20x64xf32, #tpu.memory_space<vmem>>, vector<16xf32>,
      %mul3A_1703 = arith.mulf %gather3A_1698, %get3A_1702 : vector<16xf32>
      %add3A_1704 = arith.addf %add3A_1692, %mul3A_1703 : vector<16xf32>
      %add3A_1705 = vector.broadcast %add3A_1044 : i32 to vector<16xi32>
      %add3A_1706 = arith.addi %mul3A_5, %add3A_1705 : vector<16xi32>
      %add3A_1707 = arith.constant 14 : i32
      %add3A_1708 = vector.broadcast %add3A_1707 : i32 to vector<16xi32>
      %add3A_1709 = arith.addi %mul3A_5, %add3A_1708 : vector<16xi32>
      %gather3A_1710 = tpu.vector_load_idx %arg7[%add3A_1706, %add3A_1709] : memref<64x20xf32, #tpu.memory_space<vmem>>[vector<16xi32>, vector<16xi32>], vector<16xf32>,
      %get3A_1711 = arith.constant 14 : i32
      %get3A_1712 = arith.index_cast %get3A_1711 : i32 to index
      %get3A_1713 = arith.constant 32 : index
      %get3A_1714 = tpu.vector_load %arg9[%get3A_1712, %get3A_1713] {strides = array<i32>} : memref<20x64xf32, #tpu.memory_space<vmem>>, vector<16xf32>,
      %mul3A_1715 = arith.mulf %gather3A_1710, %get3A_1714 : vector<16xf32>
      %add3A_1716 = arith.addf %add3A_1704, %mul3A_1715 : vector<16xf32>
      %add3A_1717 = vector.broadcast %add3A_1044 : i32 to vector<16xi32>
      %add3A_1718 = arith.addi %mul3A_5, %add3A_1717 : vector<16xi32>
      %add3A_1719 = arith.constant 15 : i32
      %add3A_1720 = vector.broadcast %add3A_1719 : i32 to vector<16xi32>
      %add3A_1721 = arith.addi %mul3A_5, %add3A_1720 : vector<16xi32>
      %gather3A_1722 = tpu.vector_load_idx %arg7[%add3A_1718, %add3A_1721] : memref<64x20xf32, #tpu.memory_space<vmem>>[vector<16xi32>, vector<16xi32>], vector<16xf32>,
      %get3A_1723 = arith.constant 15 : i32
      %get3A_1724 = arith.index_cast %get3A_1723 : i32 to index
      %get3A_1725 = arith.constant 32 : index
      %get3A_1726 = tpu.vector_load %arg9[%get3A_1724, %get3A_1725] {strides = array<i32>} : memref<20x64xf32, #tpu.memory_space<vmem>>, vector<16xf32>,
      %mul3A_1727 = arith.mulf %gather3A_1722, %get3A_1726 : vector<16xf32>
      %add3A_1728 = arith.addf %add3A_1716, %mul3A_1727 : vector<16xf32>
      %add3A_1729 = vector.broadcast %add3A_1044 : i32 to vector<16xi32>
      %add3A_1730 = arith.addi %mul3A_5, %add3A_1729 : vector<16xi32>
      %add3A_1731 = arith.constant 16 : i32
      %add3A_1732 = vector.broadcast %add3A_1731 : i32 to vector<16xi32>
      %add3A_1733 = arith.addi %mul3A_5, %add3A_1732 : vector<16xi32>
      %gather3A_1734 = tpu.vector_load_idx %arg7[%add3A_1730, %add3A_1733] : memref<64x20xf32, #tpu.memory_space<vmem>>[vector<16xi32>, vector<16xi32>], vector<16xf32>,
      %get3A_1735 = arith.constant 16 : i32
      %get3A_1736 = arith.index_cast %get3A_1735 : i32 to index
      %get3A_1737 = arith.constant 32 : index
      %get3A_1738 = tpu.vector_load %arg9[%get3A_1736, %get3A_1737] {strides = array<i32>} : memref<20x64xf32, #tpu.memory_space<vmem>>, vector<16xf32>,
      %mul3A_1739 = arith.mulf %gather3A_1734, %get3A_1738 : vector<16xf32>
      %add3A_1740 = arith.addf %add3A_1728, %mul3A_1739 : vector<16xf32>
      %add3A_1741 = vector.broadcast %add3A_1044 : i32 to vector<16xi32>
      %add3A_1742 = arith.addi %mul3A_5, %add3A_1741 : vector<16xi32>
      %add3A_1743 = arith.constant 17 : i32
      %add3A_1744 = vector.broadcast %add3A_1743 : i32 to vector<16xi32>
      %add3A_1745 = arith.addi %mul3A_5, %add3A_1744 : vector<16xi32>
      %gather3A_1746 = tpu.vector_load_idx %arg7[%add3A_1742, %add3A_1745] : memref<64x20xf32, #tpu.memory_space<vmem>>[vector<16xi32>, vector<16xi32>], vector<16xf32>,
      %get3A_1747 = arith.constant 17 : i32
      %get3A_1748 = arith.index_cast %get3A_1747 : i32 to index
      %get3A_1749 = arith.constant 32 : index
      %get3A_1750 = tpu.vector_load %arg9[%get3A_1748, %get3A_1749] {strides = array<i32>} : memref<20x64xf32, #tpu.memory_space<vmem>>, vector<16xf32>,
      %mul3A_1751 = arith.mulf %gather3A_1746, %get3A_1750 : vector<16xf32>
      %add3A_1752 = arith.addf %add3A_1740, %mul3A_1751 : vector<16xf32>
      %add3A_1753 = vector.broadcast %add3A_1044 : i32 to vector<16xi32>
      %add3A_1754 = arith.addi %mul3A_5, %add3A_1753 : vector<16xi32>
      %add3A_1755 = arith.constant 18 : i32
      %add3A_1756 = vector.broadcast %add3A_1755 : i32 to vector<16xi32>
      %add3A_1757 = arith.addi %mul3A_5, %add3A_1756 : vector<16xi32>
      %gather3A_1758 = tpu.vector_load_idx %arg7[%add3A_1754, %add3A_1757] : memref<64x20xf32, #tpu.memory_space<vmem>>[vector<16xi32>, vector<16xi32>], vector<16xf32>,
      %get3A_1759 = arith.constant 18 : i32
      %get3A_1760 = arith.index_cast %get3A_1759 : i32 to index
      %get3A_1761 = arith.constant 32 : index
      %get3A_1762 = tpu.vector_load %arg9[%get3A_1760, %get3A_1761] {strides = array<i32>} : memref<20x64xf32, #tpu.memory_space<vmem>>, vector<16xf32>,
      %mul3A_1763 = arith.mulf %gather3A_1758, %get3A_1762 : vector<16xf32>
      %add3A_1764 = arith.addf %add3A_1752, %mul3A_1763 : vector<16xf32>
      %add3A_1765 = vector.broadcast %add3A_1044 : i32 to vector<16xi32>
      %add3A_1766 = arith.addi %mul3A_5, %add3A_1765 : vector<16xi32>
      %add3A_1767 = arith.constant 19 : i32
      %add3A_1768 = vector.broadcast %add3A_1767 : i32 to vector<16xi32>
      %add3A_1769 = arith.addi %mul3A_5, %add3A_1768 : vector<16xi32>
      %gather3A_1770 = tpu.vector_load_idx %arg7[%add3A_1766, %add3A_1769] : memref<64x20xf32, #tpu.memory_space<vmem>>[vector<16xi32>, vector<16xi32>], vector<16xf32>,
      %get3A_1771 = arith.constant 19 : i32
      %get3A_1772 = arith.index_cast %get3A_1771 : i32 to index
      %get3A_1773 = arith.constant 32 : index
      %get3A_1774 = tpu.vector_load %arg9[%get3A_1772, %get3A_1773] {strides = array<i32>} : memref<20x64xf32, #tpu.memory_space<vmem>>, vector<16xf32>,
      %mul3A_1775 = arith.mulf %gather3A_1770, %get3A_1774 : vector<16xf32>
      %add3A_1776 = arith.addf %add3A_1764, %mul3A_1775 : vector<16xf32>
      %swap3A_1777 = arith.index_cast %add3A_1044 : i32 to index
      %swap3A_1778 = arith.constant 32 : index
      %swap3A_1779 = tpu.vector_load %arg10[%swap3A_1777, %swap3A_1778] {strides = array<i32>} : memref<64x64xf32, #tpu.memory_space<vmem>>, vector<16xf32>,
      tpu.vector_store %arg10[%swap3A_1777, %swap3A_1778], %add3A_1776 {strides = array<i32>} : memref<64x64xf32, #tpu.memory_space<vmem>>, vector<16xf32>,
      %broadcast_in_dim3A_1780 = arith.constant 0.000000e+00 : f32
      %broadcast_in_dim3A_1781 = vector.broadcast %broadcast_in_dim3A_1780 : f32 to vector<16xf32>
      %add3A_1782 = vector.broadcast %add3A_1044 : i32 to vector<16xi32>
      %add3A_1783 = arith.addi %mul3A_5, %add3A_1782 : vector<16xi32>
      %add3A_1784 = arith.constant 0 : i32
      %add3A_1785 = vector.broadcast %add3A_1784 : i32 to vector<16xi32>
      %add3A_1786 = arith.addi %mul3A_5, %add3A_1785 : vector<16xi32>
      %gather3A_1787 = tpu.vector_load_idx %arg7[%add3A_1783, %add3A_1786] : memref<64x20xf32, #tpu.memory_space<vmem>>[vector<16xi32>, vector<16xi32>], vector<16xf32>,
      %get3A_1788 = arith.constant 0 : i32
      %get3A_1789 = arith.index_cast %get3A_1788 : i32 to index
      %get3A_1790 = arith.constant 48 : index
      %get3A_1791 = tpu.vector_load %arg9[%get3A_1789, %get3A_1790] {strides = array<i32>} : memref<20x64xf32, #tpu.memory_space<vmem>>, vector<16xf32>,
      %mul3A_1792 = arith.mulf %gather3A_1787, %get3A_1791 : vector<16xf32>
      %add3A_1793 = arith.addf %broadcast_in_dim3A_1781, %mul3A_1792 : vector<16xf32>
      %add3A_1794 = vector.broadcast %add3A_1044 : i32 to vector<16xi32>
      %add3A_1795 = arith.addi %mul3A_5, %add3A_1794 : vector<16xi32>
      %add3A_1796 = arith.constant 1 : i32
      %add3A_1797 = vector.broadcast %add3A_1796 : i32 to vector<16xi32>
      %add3A_1798 = arith.addi %mul3A_5, %add3A_1797 : vector<16xi32>
      %gather3A_1799 = tpu.vector_load_idx %arg7[%add3A_1795, %add3A_1798] : memref<64x20xf32, #tpu.memory_space<vmem>>[vector<16xi32>, vector<16xi32>], vector<16xf32>,
      %get3A_1800 = arith.constant 1 : i32
      %get3A_1801 = arith.index_cast %get3A_1800 : i32 to index
      %get3A_1802 = arith.constant 48 : index
      %get3A_1803 = tpu.vector_load %arg9[%get3A_1801, %get3A_1802] {strides = array<i32>} : memref<20x64xf32, #tpu.memory_space<vmem>>, vector<16xf32>,
      %mul3A_1804 = arith.mulf %gather3A_1799, %get3A_1803 : vector<16xf32>
      %add3A_1805 = arith.addf %add3A_1793, %mul3A_1804 : vector<16xf32>
      %add3A_1806 = vector.broadcast %add3A_1044 : i32 to vector<16xi32>
      %add3A_1807 = arith.addi %mul3A_5, %add3A_1806 : vector<16xi32>
      %add3A_1808 = arith.constant 2 : i32
      %add3A_1809 = vector.broadcast %add3A_1808 : i32 to vector<16xi32>
      %add3A_1810 = arith.addi %mul3A_5, %add3A_1809 : vector<16xi32>
      %gather3A_1811 = tpu.vector_load_idx %arg7[%add3A_1807, %add3A_1810] : memref<64x20xf32, #tpu.memory_space<vmem>>[vector<16xi32>, vector<16xi32>], vector<16xf32>,
      %get3A_1812 = arith.constant 2 : i32
      %get3A_1813 = arith.index_cast %get3A_1812 : i32 to index
      %get3A_1814 = arith.constant 48 : index
      %get3A_1815 = tpu.vector_load %arg9[%get3A_1813, %get3A_1814] {strides = array<i32>} : memref<20x64xf32, #tpu.memory_space<vmem>>, vector<16xf32>,
      %mul3A_1816 = arith.mulf %gather3A_1811, %get3A_1815 : vector<16xf32>
      %add3A_1817 = arith.addf %add3A_1805, %mul3A_1816 : vector<16xf32>
      %add3A_1818 = vector.broadcast %add3A_1044 : i32 to vector<16xi32>
      %add3A_1819 = arith.addi %mul3A_5, %add3A_1818 : vector<16xi32>
      %add3A_1820 = arith.constant 3 : i32
      %add3A_1821 = vector.broadcast %add3A_1820 : i32 to vector<16xi32>
      %add3A_1822 = arith.addi %mul3A_5, %add3A_1821 : vector<16xi32>
      %gather3A_1823 = tpu.vector_load_idx %arg7[%add3A_1819, %add3A_1822] : memref<64x20xf32, #tpu.memory_space<vmem>>[vector<16xi32>, vector<16xi32>], vector<16xf32>,
      %get3A_1824 = arith.constant 3 : i32
      %get3A_1825 = arith.index_cast %get3A_1824 : i32 to index
      %get3A_1826 = arith.constant 48 : index
      %get3A_1827 = tpu.vector_load %arg9[%get3A_1825, %get3A_1826] {strides = array<i32>} : memref<20x64xf32, #tpu.memory_space<vmem>>, vector<16xf32>,
      %mul3A_1828 = arith.mulf %gather3A_1823, %get3A_1827 : vector<16xf32>
      %add3A_1829 = arith.addf %add3A_1817, %mul3A_1828 : vector<16xf32>
      %add3A_1830 = vector.broadcast %add3A_1044 : i32 to vector<16xi32>
      %add3A_1831 = arith.addi %mul3A_5, %add3A_1830 : vector<16xi32>
      %add3A_1832 = arith.constant 4 : i32
      %add3A_1833 = vector.broadcast %add3A_1832 : i32 to vector<16xi32>
      %add3A_1834 = arith.addi %mul3A_5, %add3A_1833 : vector<16xi32>
      %gather3A_1835 = tpu.vector_load_idx %arg7[%add3A_1831, %add3A_1834] : memref<64x20xf32, #tpu.memory_space<vmem>>[vector<16xi32>, vector<16xi32>], vector<16xf32>,
      %get3A_1836 = arith.constant 4 : i32
      %get3A_1837 = arith.index_cast %get3A_1836 : i32 to index
      %get3A_1838 = arith.constant 48 : index
      %get3A_1839 = tpu.vector_load %arg9[%get3A_1837, %get3A_1838] {strides = array<i32>} : memref<20x64xf32, #tpu.memory_space<vmem>>, vector<16xf32>,
      %mul3A_1840 = arith.mulf %gather3A_1835, %get3A_1839 : vector<16xf32>
      %add3A_1841 = arith.addf %add3A_1829, %mul3A_1840 : vector<16xf32>
      %add3A_1842 = vector.broadcast %add3A_1044 : i32 to vector<16xi32>
      %add3A_1843 = arith.addi %mul3A_5, %add3A_1842 : vector<16xi32>
      %add3A_1844 = arith.constant 5 : i32
      %add3A_1845 = vector.broadcast %add3A_1844 : i32 to vector<16xi32>
      %add3A_1846 = arith.addi %mul3A_5, %add3A_1845 : vector<16xi32>
      %gather3A_1847 = tpu.vector_load_idx %arg7[%add3A_1843, %add3A_1846] : memref<64x20xf32, #tpu.memory_space<vmem>>[vector<16xi32>, vector<16xi32>], vector<16xf32>,
      %get3A_1848 = arith.constant 5 : i32
      %get3A_1849 = arith.index_cast %get3A_1848 : i32 to index
      %get3A_1850 = arith.constant 48 : index
      %get3A_1851 = tpu.vector_load %arg9[%get3A_1849, %get3A_1850] {strides = array<i32>} : memref<20x64xf32, #tpu.memory_space<vmem>>, vector<16xf32>,
      %mul3A_1852 = arith.mulf %gather3A_1847, %get3A_1851 : vector<16xf32>
      %add3A_1853 = arith.addf %add3A_1841, %mul3A_1852 : vector<16xf32>
      %add3A_1854 = vector.broadcast %add3A_1044 : i32 to vector<16xi32>
      %add3A_1855 = arith.addi %mul3A_5, %add3A_1854 : vector<16xi32>
      %add3A_1856 = arith.constant 6 : i32
      %add3A_1857 = vector.broadcast %add3A_1856 : i32 to vector<16xi32>
      %add3A_1858 = arith.addi %mul3A_5, %add3A_1857 : vector<16xi32>
      %gather3A_1859 = tpu.vector_load_idx %arg7[%add3A_1855, %add3A_1858] : memref<64x20xf32, #tpu.memory_space<vmem>>[vector<16xi32>, vector<16xi32>], vector<16xf32>,
      %get3A_1860 = arith.constant 6 : i32
      %get3A_1861 = arith.index_cast %get3A_1860 : i32 to index
      %get3A_1862 = arith.constant 48 : index
      %get3A_1863 = tpu.vector_load %arg9[%get3A_1861, %get3A_1862] {strides = array<i32>} : memref<20x64xf32, #tpu.memory_space<vmem>>, vector<16xf32>,
      %mul3A_1864 = arith.mulf %gather3A_1859, %get3A_1863 : vector<16xf32>
      %add3A_1865 = arith.addf %add3A_1853, %mul3A_1864 : vector<16xf32>
      %add3A_1866 = vector.broadcast %add3A_1044 : i32 to vector<16xi32>
      %add3A_1867 = arith.addi %mul3A_5, %add3A_1866 : vector<16xi32>
      %add3A_1868 = arith.constant 7 : i32
      %add3A_1869 = vector.broadcast %add3A_1868 : i32 to vector<16xi32>
      %add3A_1870 = arith.addi %mul3A_5, %add3A_1869 : vector<16xi32>
      %gather3A_1871 = tpu.vector_load_idx %arg7[%add3A_1867, %add3A_1870] : memref<64x20xf32, #tpu.memory_space<vmem>>[vector<16xi32>, vector<16xi32>], vector<16xf32>,
      %get3A_1872 = arith.constant 7 : i32
      %get3A_1873 = arith.index_cast %get3A_1872 : i32 to index
      %get3A_1874 = arith.constant 48 : index
      %get3A_1875 = tpu.vector_load %arg9[%get3A_1873, %get3A_1874] {strides = array<i32>} : memref<20x64xf32, #tpu.memory_space<vmem>>, vector<16xf32>,
      %mul3A_1876 = arith.mulf %gather3A_1871, %get3A_1875 : vector<16xf32>
      %add3A_1877 = arith.addf %add3A_1865, %mul3A_1876 : vector<16xf32>
      %add3A_1878 = vector.broadcast %add3A_1044 : i32 to vector<16xi32>
      %add3A_1879 = arith.addi %mul3A_5, %add3A_1878 : vector<16xi32>
      %add3A_1880 = arith.constant 8 : i32
      %add3A_1881 = vector.broadcast %add3A_1880 : i32 to vector<16xi32>
      %add3A_1882 = arith.addi %mul3A_5, %add3A_1881 : vector<16xi32>
      %gather3A_1883 = tpu.vector_load_idx %arg7[%add3A_1879, %add3A_1882] : memref<64x20xf32, #tpu.memory_space<vmem>>[vector<16xi32>, vector<16xi32>], vector<16xf32>,
      %get3A_1884 = arith.constant 8 : i32
      %get3A_1885 = arith.index_cast %get3A_1884 : i32 to index
      %get3A_1886 = arith.constant 48 : index
      %get3A_1887 = tpu.vector_load %arg9[%get3A_1885, %get3A_1886] {strides = array<i32>} : memref<20x64xf32, #tpu.memory_space<vmem>>, vector<16xf32>,
      %mul3A_1888 = arith.mulf %gather3A_1883, %get3A_1887 : vector<16xf32>
      %add3A_1889 = arith.addf %add3A_1877, %mul3A_1888 : vector<16xf32>
      %add3A_1890 = vector.broadcast %add3A_1044 : i32 to vector<16xi32>
      %add3A_1891 = arith.addi %mul3A_5, %add3A_1890 : vector<16xi32>
      %add3A_1892 = arith.constant 9 : i32
      %add3A_1893 = vector.broadcast %add3A_1892 : i32 to vector<16xi32>
      %add3A_1894 = arith.addi %mul3A_5, %add3A_1893 : vector<16xi32>
      %gather3A_1895 = tpu.vector_load_idx %arg7[%add3A_1891, %add3A_1894] : memref<64x20xf32, #tpu.memory_space<vmem>>[vector<16xi32>, vector<16xi32>], vector<16xf32>,
      %get3A_1896 = arith.constant 9 : i32
      %get3A_1897 = arith.index_cast %get3A_1896 : i32 to index
      %get3A_1898 = arith.constant 48 : index
      %get3A_1899 = tpu.vector_load %arg9[%get3A_1897, %get3A_1898] {strides = array<i32>} : memref<20x64xf32, #tpu.memory_space<vmem>>, vector<16xf32>,
      %mul3A_1900 = arith.mulf %gather3A_1895, %get3A_1899 : vector<16xf32>
      %add3A_1901 = arith.addf %add3A_1889, %mul3A_1900 : vector<16xf32>
      %add3A_1902 = vector.broadcast %add3A_1044 : i32 to vector<16xi32>
      %add3A_1903 = arith.addi %mul3A_5, %add3A_1902 : vector<16xi32>
      %add3A_1904 = arith.constant 10 : i32
      %add3A_1905 = vector.broadcast %add3A_1904 : i32 to vector<16xi32>
      %add3A_1906 = arith.addi %mul3A_5, %add3A_1905 : vector<16xi32>
      %gather3A_1907 = tpu.vector_load_idx %arg7[%add3A_1903, %add3A_1906] : memref<64x20xf32, #tpu.memory_space<vmem>>[vector<16xi32>, vector<16xi32>], vector<16xf32>,
      %get3A_1908 = arith.constant 10 : i32
      %get3A_1909 = arith.index_cast %get3A_1908 : i32 to index
      %get3A_1910 = arith.constant 48 : index
      %get3A_1911 = tpu.vector_load %arg9[%get3A_1909, %get3A_1910] {strides = array<i32>} : memref<20x64xf32, #tpu.memory_space<vmem>>, vector<16xf32>,
      %mul3A_1912 = arith.mulf %gather3A_1907, %get3A_1911 : vector<16xf32>
      %add3A_1913 = arith.addf %add3A_1901, %mul3A_1912 : vector<16xf32>
      %add3A_1914 = vector.broadcast %add3A_1044 : i32 to vector<16xi32>
      %add3A_1915 = arith.addi %mul3A_5, %add3A_1914 : vector<16xi32>
      %add3A_1916 = arith.constant 11 : i32
      %add3A_1917 = vector.broadcast %add3A_1916 : i32 to vector<16xi32>
      %add3A_1918 = arith.addi %mul3A_5, %add3A_1917 : vector<16xi32>
      %gather3A_1919 = tpu.vector_load_idx %arg7[%add3A_1915, %add3A_1918] : memref<64x20xf32, #tpu.memory_space<vmem>>[vector<16xi32>, vector<16xi32>], vector<16xf32>,
      %get3A_1920 = arith.constant 11 : i32
      %get3A_1921 = arith.index_cast %get3A_1920 : i32 to index
      %get3A_1922 = arith.constant 48 : index
      %get3A_1923 = tpu.vector_load %arg9[%get3A_1921, %get3A_1922] {strides = array<i32>} : memref<20x64xf32, #tpu.memory_space<vmem>>, vector<16xf32>,
      %mul3A_1924 = arith.mulf %gather3A_1919, %get3A_1923 : vector<16xf32>
      %add3A_1925 = arith.addf %add3A_1913, %mul3A_1924 : vector<16xf32>
      %add3A_1926 = vector.broadcast %add3A_1044 : i32 to vector<16xi32>
      %add3A_1927 = arith.addi %mul3A_5, %add3A_1926 : vector<16xi32>
      %add3A_1928 = arith.constant 12 : i32
      %add3A_1929 = vector.broadcast %add3A_1928 : i32 to vector<16xi32>
      %add3A_1930 = arith.addi %mul3A_5, %add3A_1929 : vector<16xi32>
      %gather3A_1931 = tpu.vector_load_idx %arg7[%add3A_1927, %add3A_1930] : memref<64x20xf32, #tpu.memory_space<vmem>>[vector<16xi32>, vector<16xi32>], vector<16xf32>,
      %get3A_1932 = arith.constant 12 : i32
      %get3A_1933 = arith.index_cast %get3A_1932 : i32 to index
      %get3A_1934 = arith.constant 48 : index
      %get3A_1935 = tpu.vector_load %arg9[%get3A_1933, %get3A_1934] {strides = array<i32>} : memref<20x64xf32, #tpu.memory_space<vmem>>, vector<16xf32>,
      %mul3A_1936 = arith.mulf %gather3A_1931, %get3A_1935 : vector<16xf32>
      %add3A_1937 = arith.addf %add3A_1925, %mul3A_1936 : vector<16xf32>
      %add3A_1938 = vector.broadcast %add3A_1044 : i32 to vector<16xi32>
      %add3A_1939 = arith.addi %mul3A_5, %add3A_1938 : vector<16xi32>
      %add3A_1940 = arith.constant 13 : i32
      %add3A_1941 = vector.broadcast %add3A_1940 : i32 to vector<16xi32>
      %add3A_1942 = arith.addi %mul3A_5, %add3A_1941 : vector<16xi32>
      %gather3A_1943 = tpu.vector_load_idx %arg7[%add3A_1939, %add3A_1942] : memref<64x20xf32, #tpu.memory_space<vmem>>[vector<16xi32>, vector<16xi32>], vector<16xf32>,
      %get3A_1944 = arith.constant 13 : i32
      %get3A_1945 = arith.index_cast %get3A_1944 : i32 to index
      %get3A_1946 = arith.constant 48 : index
      %get3A_1947 = tpu.vector_load %arg9[%get3A_1945, %get3A_1946] {strides = array<i32>} : memref<20x64xf32, #tpu.memory_space<vmem>>, vector<16xf32>,
      %mul3A_1948 = arith.mulf %gather3A_1943, %get3A_1947 : vector<16xf32>
      %add3A_1949 = arith.addf %add3A_1937, %mul3A_1948 : vector<16xf32>
      %add3A_1950 = vector.broadcast %add3A_1044 : i32 to vector<16xi32>
      %add3A_1951 = arith.addi %mul3A_5, %add3A_1950 : vector<16xi32>
      %add3A_1952 = arith.constant 14 : i32
      %add3A_1953 = vector.broadcast %add3A_1952 : i32 to vector<16xi32>
      %add3A_1954 = arith.addi %mul3A_5, %add3A_1953 : vector<16xi32>
      %gather3A_1955 = tpu.vector_load_idx %arg7[%add3A_1951, %add3A_1954] : memref<64x20xf32, #tpu.memory_space<vmem>>[vector<16xi32>, vector<16xi32>], vector<16xf32>,
      %get3A_1956 = arith.constant 14 : i32
      %get3A_1957 = arith.index_cast %get3A_1956 : i32 to index
      %get3A_1958 = arith.constant 48 : index
      %get3A_1959 = tpu.vector_load %arg9[%get3A_1957, %get3A_1958] {strides = array<i32>} : memref<20x64xf32, #tpu.memory_space<vmem>>, vector<16xf32>,
      %mul3A_1960 = arith.mulf %gather3A_1955, %get3A_1959 : vector<16xf32>
      %add3A_1961 = arith.addf %add3A_1949, %mul3A_1960 : vector<16xf32>
      %add3A_1962 = vector.broadcast %add3A_1044 : i32 to vector<16xi32>
      %add3A_1963 = arith.addi %mul3A_5, %add3A_1962 : vector<16xi32>
      %add3A_1964 = arith.constant 15 : i32
      %add3A_1965 = vector.broadcast %add3A_1964 : i32 to vector<16xi32>
      %add3A_1966 = arith.addi %mul3A_5, %add3A_1965 : vector<16xi32>
      %gather3A_1967 = tpu.vector_load_idx %arg7[%add3A_1963, %add3A_1966] : memref<64x20xf32, #tpu.memory_space<vmem>>[vector<16xi32>, vector<16xi32>], vector<16xf32>,
      %get3A_1968 = arith.constant 15 : i32
      %get3A_1969 = arith.index_cast %get3A_1968 : i32 to index
      %get3A_1970 = arith.constant 48 : index
      %get3A_1971 = tpu.vector_load %arg9[%get3A_1969, %get3A_1970] {strides = array<i32>} : memref<20x64xf32, #tpu.memory_space<vmem>>, vector<16xf32>,
      %mul3A_1972 = arith.mulf %gather3A_1967, %get3A_1971 : vector<16xf32>
      %add3A_1973 = arith.addf %add3A_1961, %mul3A_1972 : vector<16xf32>
      %add3A_1974 = vector.broadcast %add3A_1044 : i32 to vector<16xi32>
      %add3A_1975 = arith.addi %mul3A_5, %add3A_1974 : vector<16xi32>
      %add3A_1976 = arith.constant 16 : i32
      %add3A_1977 = vector.broadcast %add3A_1976 : i32 to vector<16xi32>
      %add3A_1978 = arith.addi %mul3A_5, %add3A_1977 : vector<16xi32>
      %gather3A_1979 = tpu.vector_load_idx %arg7[%add3A_1975, %add3A_1978] : memref<64x20xf32, #tpu.memory_space<vmem>>[vector<16xi32>, vector<16xi32>], vector<16xf32>,
      %get3A_1980 = arith.constant 16 : i32
      %get3A_1981 = arith.index_cast %get3A_1980 : i32 to index
      %get3A_1982 = arith.constant 48 : index
      %get3A_1983 = tpu.vector_load %arg9[%get3A_1981, %get3A_1982] {strides = array<i32>} : memref<20x64xf32, #tpu.memory_space<vmem>>, vector<16xf32>,
      %mul3A_1984 = arith.mulf %gather3A_1979, %get3A_1983 : vector<16xf32>
      %add3A_1985 = arith.addf %add3A_1973, %mul3A_1984 : vector<16xf32>
      %add3A_1986 = vector.broadcast %add3A_1044 : i32 to vector<16xi32>
      %add3A_1987 = arith.addi %mul3A_5, %add3A_1986 : vector<16xi32>
      %add3A_1988 = arith.constant 17 : i32
      %add3A_1989 = vector.broadcast %add3A_1988 : i32 to vector<16xi32>
      %add3A_1990 = arith.addi %mul3A_5, %add3A_1989 : vector<16xi32>
      %gather3A_1991 = tpu.vector_load_idx %arg7[%add3A_1987, %add3A_1990] : memref<64x20xf32, #tpu.memory_space<vmem>>[vector<16xi32>, vector<16xi32>], vector<16xf32>,
      %get3A_1992 = arith.constant 17 : i32
      %get3A_1993 = arith.index_cast %get3A_1992 : i32 to index
      %get3A_1994 = arith.constant 48 : index
      %get3A_1995 = tpu.vector_load %arg9[%get3A_1993, %get3A_1994] {strides = array<i32>} : memref<20x64xf32, #tpu.memory_space<vmem>>, vector<16xf32>,
      %mul3A_1996 = arith.mulf %gather3A_1991, %get3A_1995 : vector<16xf32>
      %add3A_1997 = arith.addf %add3A_1985, %mul3A_1996 : vector<16xf32>
      %add3A_1998 = vector.broadcast %add3A_1044 : i32 to vector<16xi32>
      %add3A_1999 = arith.addi %mul3A_5, %add3A_1998 : vector<16xi32>
      %add3A_2000 = arith.constant 18 : i32
      %add3A_2001 = vector.broadcast %add3A_2000 : i32 to vector<16xi32>
      %add3A_2002 = arith.addi %mul3A_5, %add3A_2001 : vector<16xi32>
      %gather3A_2003 = tpu.vector_load_idx %arg7[%add3A_1999, %add3A_2002] : memref<64x20xf32, #tpu.memory_space<vmem>>[vector<16xi32>, vector<16xi32>], vector<16xf32>,
      %get3A_2004 = arith.constant 18 : i32
      %get3A_2005 = arith.index_cast %get3A_2004 : i32 to index
      %get3A_2006 = arith.constant 48 : index
      %get3A_2007 = tpu.vector_load %arg9[%get3A_2005, %get3A_2006] {strides = array<i32>} : memref<20x64xf32, #tpu.memory_space<vmem>>, vector<16xf32>,
      %mul3A_2008 = arith.mulf %gather3A_2003, %get3A_2007 : vector<16xf32>
      %add3A_2009 = arith.addf %add3A_1997, %mul3A_2008 : vector<16xf32>
      %add3A_2010 = vector.broadcast %add3A_1044 : i32 to vector<16xi32>
      %add3A_2011 = arith.addi %mul3A_5, %add3A_2010 : vector<16xi32>
      %add3A_2012 = arith.constant 19 : i32
      %add3A_2013 = vector.broadcast %add3A_2012 : i32 to vector<16xi32>
      %add3A_2014 = arith.addi %mul3A_5, %add3A_2013 : vector<16xi32>
      %gather3A_2015 = tpu.vector_load_idx %arg7[%add3A_2011, %add3A_2014] : memref<64x20xf32, #tpu.memory_space<vmem>>[vector<16xi32>, vector<16xi32>], vector<16xf32>,
      %get3A_2016 = arith.constant 19 : i32
      %get3A_2017 = arith.index_cast %get3A_2016 : i32 to index
      %get3A_2018 = arith.constant 48 : index
      %get3A_2019 = tpu.vector_load %arg9[%get3A_2017, %get3A_2018] {strides = array<i32>} : memref<20x64xf32, #tpu.memory_space<vmem>>, vector<16xf32>,
      %mul3A_2020 = arith.mulf %gather3A_2015, %get3A_2019 : vector<16xf32>
      %add3A_2021 = arith.addf %add3A_2009, %mul3A_2020 : vector<16xf32>
      %swap3A_2022 = arith.index_cast %add3A_1044 : i32 to index
      %swap3A_2023 = arith.constant 48 : index
      %swap3A_2024 = tpu.vector_load %arg10[%swap3A_2022, %swap3A_2023] {strides = array<i32>} : memref<64x64xf32, #tpu.memory_space<vmem>>, vector<16xf32>,
      tpu.vector_store %arg10[%swap3A_2022, %swap3A_2023], %add3A_2021 {strides = array<i32>} : memref<64x64xf32, #tpu.memory_space<vmem>>, vector<16xf32>,
      %scan3A_2025 = arith.constant 0 : i32
      scf.yield %scan3A_2025 : i32
    }
    %scan3A_17 = arith.constant 32 : i32
    %dma_wait3A = arith.constant 0 : i32
    %dma_wait3A_18 = arith.constant 0 : i32
    %dma_wait3A_19 = tpu.memref_slice %arg6[%dma_wait3A, %dma_wait3A_18] : memref<64x20xi32, #tpu.memory_space<vmem>> -> memref<1x20xi32, #tpu.memory_space<vmem>>
    %dma_wait3A_20 = tpu.memref_squeeze %dma_wait3A_19 : memref<1x20xi32, #tpu.memory_space<vmem>> -> memref<20xi32, #tpu.memory_space<vmem>>
    %dma_wait3A_21 = arith.constant 0 : i32
    %dma_wait3A_22 = arith.constant 0 : i32
    %dma_wait3A_23 = tpu.memref_slice %arg2[%dma_wait3A_21, %dma_wait3A_22] : memref<2048x64xf32, #tpu.memory_space<hbm>> -> memref<2048x64xf32, #tpu.memory_space<hbm>>
    tpu.wait_indirect_dma semaphore(%arg11 : memref<!tpu.dma_semaphore, #tpu.memory_space<semaphore_mem>>) src(%dma_wait3A_23 : memref<2048x64xf32, #tpu.memory_space<hbm>>) dst(%arg8 : memref<20x64xf32, #tpu.memory_space<vmem>>)
    "tpu.region"() ({
      %run_scoped3A = tpu.sem_alloc : memref<!tpu.dma_semaphore, #tpu.memory_space<semaphore_mem>>
      %dma_start3A_24 = arith.constant 0 : i32
      %dma_start3A_25 = tpu.memref_slice %arg5[%mul3A_2, %dma_start3A_24] : memref<2048x64xf32, #tpu.memory_space<hbm>> -> memref<64x64xf32, #tpu.memory_space<hbm>>
      %dma_start3A_26 = arith.constant 0 : i32
      %dma_start3A_27 = tpu.memref_slice %arg5[%mul3A_2, %dma_start3A_26] : memref<2048x64xf32, #tpu.memory_space<hbm>> -> memref<64x64xf32, #tpu.memory_space<hbm>>
      tpu.enqueue_dma source(%arg10 : memref<64x64xf32, #tpu.memory_space<vmem>>) target(%dma_start3A_27 : memref<64x64xf32, #tpu.memory_space<hbm>>) target_semaphore(%run_scoped3A : memref<!tpu.dma_semaphore, #tpu.memory_space<semaphore_mem>>)
      %dma_wait3A_28 = arith.constant 0 : i32
      %dma_wait3A_29 = tpu.memref_slice %arg5[%mul3A_2, %dma_wait3A_28] : memref<2048x64xf32, #tpu.memory_space<hbm>> -> memref<64x64xf32, #tpu.memory_space<hbm>>
      %dma_wait3A_30 = arith.constant 0 : i32
      %dma_wait3A_31 = tpu.memref_slice %arg5[%mul3A_2, %dma_wait3A_30] : memref<2048x64xf32, #tpu.memory_space<hbm>> -> memref<64x64xf32, #tpu.memory_space<hbm>>
      tpu.wait_dma2 semaphore(%run_scoped3A : memref<!tpu.dma_semaphore, #tpu.memory_space<semaphore_mem>>) src(%arg10 : memref<64x64xf32, #tpu.memory_space<vmem>>) dst(%dma_wait3A_31 : memref<64x64xf32, #tpu.memory_space<hbm>>)
      tpu.yield
    }) : () -> ()
    return
  }
}

</mosaic_0001>

<sc_bundles>
// kernel: _sc_learned.3.cloned.1.call-start
scs
__scs_entry_jumppad:
0x0: {  	(pc) =	sbr.rel $0x88, $3  }
0x1: {  	(tag) =	ssettag $0x0;
	lr =	simm.s32 $0x1  }
0x2: {  	[smem:$0x3F9E] =	sst lr;
	_ =	strace $0xD0000000  }
0x3: {  	_ = 	snop  }
0x4: {  	_ = 	snop  }
0x5: {  	_ = 	snop  }
0x6: {  	_ = 	snop  }
0x7: {  	_ = 	snop  }
__scs_overlays_trampoline_lowered:
0x8: {  	[smem:$0x3FAD] =	sst s0  }
0x9: {  	[smem:$0x3FAE] =	sst s1  }
0xa: {  	[smem:$0x3FAF] =	sst s2  }
0xb: {  	[smem:$0x3FB0] =	sst s3  }
0xc: {  	[smem:$0x3FB1] =	sst s4  }
0xd: {  	[smem:$0x3FB2] =	sst s5  }
0xe: {  	[smem:$0x3FB3] =	sst s6  }
0xf: {  	[smem:$0x3FB4] =	sst s7  }
0x10: {  	[smem:$0x3FB5] =	sst s8  }
0x11: {  	[smem:$0x3FB6] =	sst s9;
	s0 =	simm.s32 @!p0 $0x0  }
0x12: {  	s1 =	sld [smem:$0x3F9C];
	s0 =	simm.s32 @p0 $0x1  }
0x13: {  	[smem:$0x3FB7] =	sst s0;
	s0 =	simm.s32 @!p1 $0x0  }
0x14: {  	s2 =	sld [smem:$0x3F9B];
	s0 =	simm.s32 @p1 $0x1  }
0x15: {  	[smem:$0x3FB8] =	sst s0;
	s0 =	simm.s32 @!p2 $0x0  }
0x16: {  	s3 =	sld [smem:$0x3FDB];
	s0 =	simm.s32 @p2 $0x1  }
0x17: {  	s4 =	simm.s32 $0x1BF5;
	[smem:$0x3FBA] =	sst s0  }
0x18: {  	s0 =	sld [smem:$0x3F9D];
	_ =	swait.ge [sflag:s4], $0x0  }
0x19: {  	s7 =	sld [smem:$0x3F9E]  }
0x1a: {  	s8 =	sadd.s32 $0xFFFFE003, lr  }
0x1b: {  	s9 =	sadd.s32 $0xFFFFFEF7, lr;
	s5 =	simm.s32 $0xFFFFFFFF;
	p2 =	slt.u32 s8, $0xFFFFF086  }
0x1c: {  	p1 =	slt.u32 s9, $0xF7A;
	s5 =	simm.s32 @!p2 $0x0  }
0x1d: {  	s5 =	simm.s32 @p1 $0x1;
	p0 =	seq.s32 s7, s2  }
0x1e: {  	s7 =	smul.u32 @!p0 $0xF7A, s2;
	p2 =	seq.s32 @!p0 s5, $0x0  }
0x1f: {  	s9 =	smul.u32 $0xF7A, s1;
	s8 =	simm.s32 @!p0 $0x1BF5;
	p2 =	por !p2, p0  }
0x20: {  	[sflag:s8] =	ssyncset.s32 @!p0 $0xFFFFF086;
	s6 =	sadd.s32 @!p0 s3, s7;
	s7 =	simm.s32 @!p0 $0x108  }
0x21: {  	s3 =	sadd.s32 s3, s9;
	s6 =	sadd.s32 @!p0 $0x88, s6;
	s7 =	simm.s32 @p2 $0x1082  }
0x22: {  	[simem:s7], [sflag:s8] =	dma.local @!p0 [hbm:s6], $0xF7A  }
0x23: {  	s9 =	sor.u32 $0xD0000000, s2;
	s6 =	simm.s32 $0x108;
	_ =	swait.ge @!p0 [sflag:s8], $0x0  }
0x24: {  	s3 =	sadd.s32 $0x88, s3;
	s6 =	simm.s32 @!p1 $0x1082;
	[sflag:s4] =	ssyncset.s32 $0xFFFFF086  }
0x25: {  	[simem:s6], [sflag:s4] =	dma.local [hbm:s3], $0xF7A  }
0x26: {  	[smem:$0x3F9E] =	sst s1;
	(tag) =	ssettag s2;
	_ =	strace s9  }
0x27: {  	s1 =	sld [smem:$0x3FAE]  }
0x28: {  	s2 =	sld [smem:$0x3FAF]  }
0x29: {  	s4 =	sld [smem:$0x3FB1]  }
0x2a: {  	p0 =	seq.s32 s5, $0x0;
	s5 =	sld [smem:$0x3FB2]  }
0x2b: {  	s6 =	sld [smem:$0x3FB3]  }
0x2c: {  	s7 =	sld [smem:$0x3FB4]  }
0x2d: {  	s3 =	simm.s32 $0x108;
	s8 =	sld [smem:$0x3FB5]  }
0x2e: {  	s3 =	simm.s32 @!p0 $0x1082;
	s9 =	sld [smem:$0x3FB6]  }
0x2f: {  	lr =	sadd.s32 s0, s3;
	s0 =	sld [smem:$0x3FAD]  }
0x30: {  	s3 =	sld [smem:$0x3FB0]  }
0x31: {  	[smem:$0x3FB9] =	sst s10  }
0x32: {  	s10 =	sld [smem:$0x3FB7];
	_ =	sdelay $0x3  }
0x33: {  	p0 =	seq.s32 s10, $0x1;
	s10 =	sld [smem:$0x3FB9];
	_ =	sdelay $0x3  }
0x34: {  	[smem:$0x3FB9] =	sst s10  }
0x35: {  	s10 =	sld [smem:$0x3FB8];
	_ =	sdelay $0x3  }
0x36: {  	p1 =	seq.s32 s10, $0x1;
	s10 =	sld [smem:$0x3FB9];
	_ =	sdelay $0x3  }
0x37: {  	[smem:$0x3FB9] =	sst s10  }
0x38: {  	s10 =	sld [smem:$0x3FBA]  }
0x39: {  	_ = 	snop;
	(pc) =	sbr.ind lr, $3  }
0x3a: {  	_ = 	snop  }
0x3b: {  	_ = 	snop  }
0x3c: {  	p2 =	seq.s32 s10, $0x1;
	s10 =	sld [smem:$0x3FB9]  }
0x3d: {  	_ =	shalt  }
0x3e: {  	_ =	shalt  }
0x3f: {  	_ =	shalt  }
0x40: {  	_ =	shalt  }
0x41: {  	_ =	shalt  }
0x42: {  	_ =	shalt  }
0x43: {  	_ =	shalt  }
0x44: {  	_ =	shalt  }
0x45: {  	_ =	shalt  }
0x46: {  	_ =	shalt  }
0x47: {  	_ =	shalt  }
0x48: {  	_ =	shalt  }
0x49: {  	_ =	shalt  }
0x4a: {  	_ =	shalt  }
0x4b: {  	_ =	shalt  }
0x4c: {  	_ =	shalt  }
0x4d: {  	_ =	shalt  }
0x4e: {  	_ =	shalt  }
0x4f: {  	_ =	shalt  }
0x50: {  	_ =	shalt  }
0x51: {  	_ =	shalt  }
0x52: {  	_ =	shalt  }
0x53: {  	_ =	shalt  }
0x54: {  	_ =	shalt  }
0x55: {  	_ =	shalt  }
0x56: {  	_ =	shalt  }
0x57: {  	_ =	shalt  }
0x58: {  	_ =	shalt  }
0x59: {  	_ =	shalt  }
0x5a: {  	_ =	shalt  }
0x5b: {  	_ =	shalt  }
0x5c: {  	_ =	shalt  }
0x5d: {  	_ =	shalt  }
0x5e: {  	_ =	shalt  }
0x5f: {  	_ =	shalt  }
0x60: {  	_ =	shalt  }
0x61: {  	_ =	shalt  }
0x62: {  	_ =	shalt  }
0x63: {  	_ =	shalt  }
0x64: {  	_ =	shalt  }
0x65: {  	_ =	shalt  }
0x66: {  	_ =	shalt  }
0x67: {  	_ =	shalt  }
0x68: {  	_ =	shalt  }
0x69: {  	_ =	shalt  }
0x6a: {  	_ =	shalt  }
0x6b: {  	_ =	shalt  }
0x6c: {  	_ =	shalt  }
0x6d: {  	_ =	shalt  }
0x6e: {  	_ =	shalt  }
0x6f: {  	_ =	shalt  }
0x70: {  	_ =	shalt  }
0x71: {  	_ =	shalt  }
0x72: {  	_ =	shalt  }
0x73: {  	_ =	shalt  }
0x74: {  	_ =	shalt  }
0x75: {  	_ =	shalt  }
0x76: {  	_ =	shalt  }
0x77: {  	_ =	shalt  }
0x78: {  	_ =	shalt  }
0x79: {  	_ =	shalt  }
0x7a: {  	_ =	shalt  }
0x7b: {  	_ =	shalt  }
0x7c: {  	_ =	shalt  }
0x7d: {  	_ =	shalt  }
0x7e: {  	_ =	shalt  }
0x7f: {  	_ =	shalt  }
0x80: {  	_ =	shalt  }
0x81: {  	_ =	shalt  }
0x82: {  	_ =	shalt  }
0x83: {  	_ =	shalt  }
0x84: {  	_ =	shalt  }
0x85: {  	_ =	shalt  }
0x86: {  	_ =	shalt  }
0x87: {  	_ =	shalt  }
.Lfunc_end0:
.L_simem_size_0:
called_computation_lowered:
.L_overlay_start_0:
0x88: {  	s2 =	sld [smem:$0x3FD9]  }
0x89: {  	s3 =	sld [smem:$0x3FFE];
	_ =	sdelay $0x1  }
0x8a: {  	s1 =	srdreg.scid  }
0x8b: {  	s0 =	sand.u32 $0x1, s1  }
0x8c: {  	s17 =	sshll.u32 s0, $0xA;
	s2 =	sadd.s32 s3, s2  }
0x8d: {  	s2 =	sadd.s32 s2, s17  }
0x8e: {  	[smem:$0x3FC5] =	sst s2  }
0x8f: {  	_ = 	snop  }
0x90: {  	s2 =	sld [smem:$0x3FD0];
	(tm) =	ssettm $0x1  }
0x91: {  	s18 =	sld [smem:$0x3FFB];
	_ =	sdelay $0x3  }
0x92: {  	_ =	strace s18  }
0x93: {  	s3 =	sld [smem:$0x3FFC];
	_ =	sdelay $0x3  }
0x94: {  	_ =	strace s3  }
0x95: {  	s3 =	sld [smem:$0x3FFD];
	_ =	sdelay $0x3  }
0x96: {  	_ =	strace s3  }
0x97: {  	_ =	strace $0x8FFFFFFF  }
0x98: {  	s19 =	sld [smem:$0x3FDB];
	_ =	sdelay $0x1  }
0x99: {  	s4 =	simm.s32 $_scs_section_size  }
0x9a: {  	s5 =	simm.s32 $_size__tile_overlayer_lowered;
	s6 =	simm.s32 $_tile_overlayer_lowered  }
0x9b: {  	s22 =	simm.s32 $0x1BFF;
	s21 =	sshll.u32 s6, $0x1;
	s3 =	sadd.s32 s4, s19  }
0x9c: {  	s7 =	simm.s32 $0x0;
	s20 =	sshll.u32 s5, $0x1;
	s5 =	sadd.s32 s21, s3  }
0x9d: {  	[timem:s7], [sflag:s22] =	dma.local [hbm:s5], s20  }
0x9e: {  	_ =	swait.ge [sflag:s22], s20  }
0x9f: {  	s4 =	ssub.s32 $0x0, s20;
	[sflag:s22] =	ssyncset.done $0x0  }
0xa0: {  	[sflag:s22] =	ssyncadd.s32 s4;
	_ =	sdelay $0x1  }
0xa1: {  	s23 =	simm.s32 $0x1B8B  }
0xa2: {  	_ =	swait.ge [sflag:s23], $0x1  }
0xa3: {  	[sflag:s23] =	ssyncset.done $0x0  }
0xa4: {  	s25 =	simm.s32 $0x1B8E;
	s24 =	sld [smem:$0x3FFE];
	[sflag:s23] =	ssyncadd.s32 $0xFFFFFFFF  }
0xa5: {  	s26 =	simm.s32 $execute0_lowered;
	[smem:$0x3FD2] =	sst s25  }
0xa6: {  	s5 =	sshll.u32 s26, $0x1;
	_ =	strace $0x80000046;
	[dreg:$0x1] =	wrdreg $0xFFFFFFFF  }
0xa7: {  	s28 =	simm.s32 $_size_execute0_lowered;
	s3 =	sadd.s32 s3, s5;
	[dreg:$0x0] =	wrdreg $0x0  }
0xa8: {  	s5 =	sshll.u32 s28, $0x1;
	[dreg:$0x2] =	wrdreg s3  }
0xa9: {  	[dreg:$0x3] =	wrdreg s5  }
0xaa: {  	[dreg:$0x4] =	wrdreg $0xC0  }
0xab: {  	_ =	task [dreg:s7], $0x5FFFF  }
0xac: {  	[dreg:$0x1] =	wrdreg $0xFFFFFFFF  }
0xad: {  	[dreg:$0x0] =	wrdreg $0x60  }
0xae: {  	[dreg:$0x2] =	wrdreg s2  }
0xaf: {  	[dreg:$0x3] =	wrdreg s24  }
0xb0: {  	[dreg:$0x4] =	wrdreg $0x9  }
0xb1: {  	_ =	task.clear_ibuf [dreg:s7], $0x5FFFF;
	_ =	strace $0x90000046  }
0xb2: {  	s29 =	simm.s32 $0x9;
	_ =	strace $0x80000048  }
0xb3: {  	_ =	swait.ge [sflag:s29], $0x1  }
0xb4: {  	[sflag:s29] =	ssyncadd.s32 $0xFFFFFFFF  }
0xb5: {  	_ =	strace $0x90000048  }
0xb6: {  	_ =	sfence  }
0xb7: {  	s30 =	sld [smem:$0x0];
	_ =	sdelay $0x2  }
0xb8: {  	s31 =	sshll.u32 s1, $0xD;
	s1 =	sshrl.u32 s1, $0x2  }
0xb9: {  	s3 =	sand.u32 $0x4000, s31;
	s1 =	sadd.s32 s1, s30  }
0xba: {  	s0 =	sor.u32 s3, s0;
	s1 =	sshll.u32 s1, $0x11  }
0xbb: {  	s0 =	sor.u32 s1, s0  }
0xbc: {  	s0 =	sadd.s32 $0x8F2B, s0  }
0xbd: {  	[sflag:s0] =	ssyncadd.remote.s32 $0x1  }
0xbe: {  	_ =	sfence.sel $0xFFFF  }
0xbf: {  	[dreg:$0x0] =	wrdreg $0xFFFFFFFF;
	(pc) =	sbr.abs _section_cstart, $3  }
0xc0: {  	[dreg:$0x1] =	wrdreg $0xFFFFFFFF  }
0xc1: {  	_ =	task.clear_ibuf [dreg:s7], $0x2FFFF;
	_ =	strace $0x9FFFFFFF  }
0xc2: {  	(tm) =	ssettm $0x7FFFFFFF  }
0xc3: {  	_ =	shalt  }
tec
execute0_lowered:
.L_overlay_start_1:
0x0: {  	(tag) =	ssettag $0x1  }
0x1: {  	s1 =	srdreg.scid;
	s2 =	rddreg [dreg:$0x0]  }
0x2: {  	s0 =	stileid.u32;
	s5 =	rddreg [dreg:$0x1];
	s3 =	simm.s32 $0x0  }
0x3: {  	s9 =	simm.s32 $0x600;
	s10 =	simm.s32 $0x14;
	s11 =	simm.s32 $0xC00  }
0x4: {  	s12 =	simm.s32 $0x1100;
	s13 =	simm.s32 $0x1;
	s4 =	sand.u32 $0x1, s1  }
0x5: {  	s14 =	simm.s32 $0x2;
	s6 =	sshll.u32 s0, $0x7;
	s7 =	sshll.u32 s4, $0x6  }
0x6: {  	s15 =	simm.s32 $0x1600;
	s1 =	rddreg [dreg:$0x2];
	s6 =	sor.u32 s7, s6  }
0x7: {  	s16 =	simm.s32 $0x0;
	[smem:$0x7FF] =	sst s3;
	s7 =	smul.u32 $0x3, s6  }
0x8: {  	_ =	strace $0x80000047;
	s4 =	ssub.s32 $0x2, s4;
	s6 =	sshll.u32 s6, $0x3  }
0x9: {  	s8 =	sshrl.u32 s4, $0x1;
	s6 =	sadd.s32 s6, s5;
	s7 =	sadd.s32 s7, s5  }
0xa: {  	s8 =	ssub.s32 s4, s8;
	s6 =	sadd.s32 $0x3800, s6;
	s4 =	sadd.s32 $0x2000, s7  }
0xb: {  	s5 =	sadd.s32 $0x800, s7;
	s7 =	smax.u32 s8, $0x1;
	s8 =	simm.s32 $0x3  }
.LBB2_1:
0xc: {  	[tilespmem:s3], [sflag:$0x3] =	stream.linear.gather [hbm4b:s4+s3], $0x600, $0x38;
	[tilespmem:$0x2600] =	vst v63  }
0xd: {  	_ =	swait.ge [sflag:s8], $0x600  }
0xe: {  	[sflag:s8] =	ssyncset.done $0x0  }
0xf: {  	[sflag:s8] =	ssyncadd.s32 $0xFFFFFA00  }
0x10: {  	[tilespmem:s9], [sflag:$0x3] =	stream.linear.gather [hbm4b:s5+s3], $0x600, $0x38;
	[tilespmem:$0x2600] =	vst v63  }
0x11: {  	v0 =	vmov s3;
	_ =	swait.ge [sflag:s8], $0x600  }
0x12: {  	v0 =	vmul.u32 $0x18, v0;
	[sflag:s8] =	ssyncset.done $0x0  }
0x13: {  	[sflag:s8] =	ssyncadd.s32 $0xFFFFFA00  }
0x14: {  	v0 =	vbroadcast v0, $0x0;
	[tilespmem:s11], [sflag:$0x1] =	stream.indirect.gather [hbm4b:s2+s10], $0x40, s3, s10, $0xb8;
	[tilespmem:$0x2600] =	vst v63  }
0x15: {  	s18 =	simm.s32 $0x18  }
0x16: {  	[tilespmem:s12], [sflag:$0x2] =	stream.indirect.gather [hbm4b:s2+s10], $0x40, s18, s10, $0xb8;
	[tilespmem:$0x2600] =	vst v63  }
0x17: {  	v3 =	vor.u32 $0x1, v0;
	_ =	swait.ge [sflag:s13], $0x500  }
0x18: {  	[sflag:s13] =	ssyncset.done $0x0  }
0x19: {  	v6 =	vor.u32 $0x2, v0;
	[sflag:s13] =	ssyncadd.s32 $0xFFFFFB00  }
0x1a: {  	v2 =	vld.idx.msk [tilespmem:v0+s9+$0x0], $0xffff  }
0x1b: {  	v7 =	vor.u32 $0x3, v0;
	v5 =	vld [tilespmem:$0xC00]  }
0x1c: {  	v8 =	vld.idx.msk [tilespmem:v3+s9+$0x0], $0xffff  }
0x1d: {  	v4 =	vor.u32 $0x4, v0;
	v9 =	vld [tilespmem:$0xC40]  }
0x1e: {  	v10 =	vld.idx.msk [tilespmem:v6+s9+$0x0], $0xffff  }
0x1f: {  	v1 =	vor.u32 $0x5, v0;
	v11 =	vld [tilespmem:$0xC80]  }
0x20: {  	v12 =	vld.idx.msk [tilespmem:v7+s9+$0x0], $0xffff;
	v5 =	vmul.f32 v5, v2  }
0x21: {  	v13 =	vld [tilespmem:$0xCC0]  }
0x22: {  	v15 =	vld.idx.msk [tilespmem:v4+s9+$0x0], $0xffff;
	v2 =	vor.u32 $0x6, v0;
	v8 =	vmul.f32 v9, v8;
	v14 =	vadd.f32 $0.0e+00, v5  }
0x23: {  	v16 =	vld [tilespmem:$0xD00]  }
0x24: {  	v56 =	vld.idx.msk [tilespmem:v1+s9+$0x0], $0xffff;
	v10 =	vmul.f32 v11, v10;
	v5 =	vor.u32 $0x7, v0;
	v9 =	vadd.f32 v8, v14  }
0x25: {  	v57 =	vld [tilespmem:$0xD40]  }
0x26: {  	v17 =	vld [tilespmem:$0xD80];
	v12 =	vmul.f32 v13, v12;
	v8 =	vor.u32 $0x8, v0;
	v10 =	vadd.f32 v10, v9  }
0x27: {  	v58 =	vld.idx.msk [tilespmem:v2+s9+$0x0], $0xffff  }
0x28: {  	v18 =	vld [tilespmem:$0xDC0];
	v15 =	vmul.f32 v16, v15;
	v9 =	vor.u32 $0x9, v0;
	v12 =	vadd.f32 v12, v10  }
0x29: {  	v59 =	vld.idx.msk [tilespmem:v5+s9+$0x0], $0xffff  }
0x2a: {  	v19 =	vld [tilespmem:$0xE00];
	v14 =	vmul.f32 v57, v56;
	v10 =	vor.u32 $0xA, v0;
	v12 =	vadd.f32 v15, v12  }
0x2b: {  	v60 =	vld.idx.msk [tilespmem:v8+s9+$0x0], $0xffff  }
0x2c: {  	v20 =	vld [tilespmem:$0xE40];
	v11 =	vor.u32 $0xB, v0;
	v13 =	vmul.f32 v17, v58;
	v14 =	vadd.f32 v14, v12  }
0x2d: {  	v61 =	vld.idx.msk [tilespmem:v9+s9+$0x0], $0xffff  }
0x2e: {  	v21 =	vld [tilespmem:$0xE80];
	v12 =	vor.u32 $0xC, v0;
	v16 =	vmul.f32 v18, v59;
	v14 =	vadd.f32 v13, v14  }
0x2f: {  	v62 =	vld.idx.msk [tilespmem:v10+s9+$0x0], $0xffff  }
0x30: {  	v22 =	vld [tilespmem:$0xEC0];
	v13 =	vor.u32 $0xD, v0;
	v15 =	vmul.f32 v19, v60;
	v16 =	vadd.f32 v16, v14  }
0x31: {  	v63 =	vld.idx.msk [tilespmem:v11+s9+$0x0], $0xffff  }
0x32: {  	v23 =	vld [tilespmem:$0xF00];
	v14 =	vor.u32 $0xE, v0;
	v17 =	vmul.f32 v20, v61;
	v16 =	vadd.f32 v15, v16  }
0x33: {  	v28 =	vld.idx.msk [tilespmem:v12+s9+$0x0], $0xffff  }
0x34: {  	v24 =	vld [tilespmem:$0xF40];
	v15 =	vor.u32 $0xF, v0;
	v18 =	vmul.f32 v21, v62;
	v17 =	vadd.f32 v17, v16  }
0x35: {  	v29 =	vld.idx.msk [tilespmem:v13+s9+$0x0], $0xffff  }
0x36: {  	v25 =	vld [tilespmem:$0xF80];
	v19 =	vmul.f32 v22, v63;
	v16 =	vadd.s32 $0x10, v0;
	v18 =	vadd.f32 v18, v17  }
0x37: {  	v30 =	vld.idx.msk [tilespmem:v14+s9+$0x0], $0xffff  }
0x38: {  	v26 =	vld [tilespmem:$0xFC0];
	v17 =	vadd.s32 $0x11, v0;
	v20 =	vmul.f32 v23, v28;
	v19 =	vadd.f32 v19, v18  }
0x39: {  	v31 =	vld.idx.msk [tilespmem:v15+s9+$0x0], $0xffff  }
0x3a: {  	v27 =	vld [tilespmem:$0x1000];
	v18 =	vadd.s32 $0x12, v0;
	v21 =	vmul.f32 v24, v29;
	v20 =	vadd.f32 v20, v19  }
0x3b: {  	v32 =	vld.idx.msk [tilespmem:v16+s9+$0x0], $0xffff  }
0x3c: {  	v35 =	vld [tilespmem:$0x1040];
	v19 =	vadd.s32 $0x13, v0;
	v33 =	vmul.f32 v25, v30;
	v20 =	vadd.f32 v21, v20  }
0x3d: {  	v34 =	vld.idx.msk [tilespmem:v17+s9+$0x0], $0xffff  }
0x3e: {  	v38 =	vld [tilespmem:$0x1080];
	v36 =	vmul.f32 v26, v31;
	v20 =	vadd.f32 v33, v20  }
0x3f: {  	v37 =	vld.idx.msk [tilespmem:v18+s9+$0x0], $0xffff  }
0x40: {  	v41 =	vld [tilespmem:$0x10C0];
	v39 =	vmul.f32 v27, v32;
	v20 =	vadd.f32 v36, v20  }
0x41: {  	v40 =	vld.idx.msk [tilespmem:v19+s9+$0x0], $0xffff  }
0x42: {  	v42 =	vmul.f32 v35, v34;
	v20 =	vadd.f32 v39, v20;
	_ =	sdelay $0x1  }
0x43: {  	v43 =	vmul.f32 v38, v37;
	v20 =	vadd.f32 v42, v20;
	_ =	sdelay $0x1  }
0x44: {  	v44 =	vmul.f32 v41, v40;
	v20 =	vadd.f32 v43, v20;
	_ =	sdelay $0x1  }
0x45: {  	v20 =	vadd.f32 v44, v20  }
0x46: {  	s17 =	simm.s32 $0x1640  }
0x47: {  	[tilespmem:s17+$0xFFFFFFC0] =	vst v20  }
0x48: {  	v20 =	vld.idx.msk [tilespmem:v0+s9+$0x0], $0xffff  }
0x49: {  	v45 =	vld [tilespmem:$0xC10]  }
0x4a: {  	v46 =	vld.idx.msk [tilespmem:v3+s9+$0x0], $0xffff  }
0x4b: {  	v47 =	vld [tilespmem:$0xC50]  }
0x4c: {  	v48 =	vld.idx.msk [tilespmem:v6+s9+$0x0], $0xffff  }
0x4d: {  	v49 =	vld [tilespmem:$0xC90]  }
0x4e: {  	v50 =	vld.idx.msk [tilespmem:v7+s9+$0x0], $0xffff;
	v20 =	vmul.f32 v45, v20  }
0x4f: {  	v51 =	vld [tilespmem:$0xCD0]  }
0x50: {  	v52 =	vld.idx.msk [tilespmem:v4+s9+$0x0], $0xffff;
	v22 =	vmul.f32 v47, v46;
	v20 =	vadd.f32 $0.0e+00, v20  }
0x51: {  	v53 =	vld [tilespmem:$0xD10]  }
0x52: {  	v55 =	vld.idx.msk [tilespmem:v1+s9+$0x0], $0xffff;
	v54 =	vmul.f32 v49, v48;
	v20 =	vadd.f32 v22, v20  }
0x53: {  	v56 =	vld [tilespmem:$0xD50]  }
0x54: {  	v57 =	vld.idx.msk [tilespmem:v2+s9+$0x0], $0xffff;
	v21 =	vmul.f32 v51, v50;
	v20 =	vadd.f32 v54, v20  }
0x55: {  	v58 =	vld [tilespmem:$0xD90]  }
0x56: {  	v60 =	vld.idx.msk [tilespmem:v5+s9+$0x0], $0xffff;
	v59 =	vmul.f32 v53, v52;
	v20 =	vadd.f32 v21, v20  }
0x57: {  	v61 =	vld [tilespmem:$0xDD0]  }
0x58: {  	v63 =	vld.idx.msk [tilespmem:v8+s9+$0x0], $0xffff;
	v62 =	vmul.f32 v56, v55;
	v20 =	vadd.f32 v59, v20  }
0x59: {  	v30 =	vld [tilespmem:$0xE10]  }
0x5a: {  	v32 =	vld.idx.msk [tilespmem:v9+s9+$0x0], $0xffff;
	v31 =	vmul.f32 v58, v57;
	v20 =	vadd.f32 v62, v20  }
0x5b: {  	v33 =	vld [tilespmem:$0xE50]  }
0x5c: {  	v35 =	vld.idx.msk [tilespmem:v10+s9+$0x0], $0xffff;
	v34 =	vmul.f32 v61, v60;
	v20 =	vadd.f32 v31, v20  }
0x5d: {  	v36 =	vld [tilespmem:$0xE90]  }
0x5e: {  	v38 =	vld.idx.msk [tilespmem:v11+s9+$0x0], $0xffff;
	v37 =	vmul.f32 v30, v63;
	v20 =	vadd.f32 v34, v20  }
0x5f: {  	v39 =	vld [tilespmem:$0xED0]  }
0x60: {  	v41 =	vld.idx.msk [tilespmem:v12+s9+$0x0], $0xffff;
	v40 =	vmul.f32 v33, v32;
	v20 =	vadd.f32 v37, v20  }
0x61: {  	v42 =	vld [tilespmem:$0xF10]  }
0x62: {  	v44 =	vld.idx.msk [tilespmem:v13+s9+$0x0], $0xffff;
	v43 =	vmul.f32 v36, v35;
	v20 =	vadd.f32 v40, v20  }
0x63: {  	v45 =	vld [tilespmem:$0xF50]  }
0x64: {  	v46 =	vmul.f32 v39, v38;
	v47 =	vld.idx.msk [tilespmem:v14+s9+$0x0], $0xffff;
	v20 =	vadd.f32 v43, v20  }
0x65: {  	v48 =	vld [tilespmem:$0xF90]  }
0x66: {  	v49 =	vmul.f32 v42, v41;
	v50 =	vld.idx.msk [tilespmem:v15+s9+$0x0], $0xffff;
	v20 =	vadd.f32 v46, v20  }
0x67: {  	v51 =	vld [tilespmem:$0xFD0]  }
0x68: {  	v53 =	vld.idx.msk [tilespmem:v16+s9+$0x0], $0xffff;
	v52 =	vmul.f32 v45, v44;
	v20 =	vadd.f32 v49, v20  }
0x69: {  	v54 =	vld [tilespmem:$0x1010]  }
0x6a: {  	v56 =	vld.idx.msk [tilespmem:v17+s9+$0x0], $0xffff;
	v55 =	vmul.f32 v48, v47;
	v20 =	vadd.f32 v52, v20  }
0x6b: {  	v57 =	vld [tilespmem:$0x1050]  }
0x6c: {  	v60 =	vld [tilespmem:$0x1090];
	v58 =	vmul.f32 v51, v50;
	v20 =	vadd.f32 v55, v20  }
0x6d: {  	v59 =	vld.idx.msk [tilespmem:v18+s9+$0x0], $0xffff  }
0x6e: {  	v63 =	vld [tilespmem:$0x10D0];
	v61 =	vmul.f32 v54, v53;
	v20 =	vadd.f32 v58, v20  }
0x6f: {  	v62 =	vld.idx.msk [tilespmem:v19+s9+$0x0], $0xffff  }
0x70: {  	v25 =	vmul.f32 v57, v56;
	v20 =	vadd.f32 v61, v20;
	_ =	sdelay $0x1  }
0x71: {  	v28 =	vmul.f32 v60, v59;
	v20 =	vadd.f32 v25, v20;
	_ =	sdelay $0x1  }
0x72: {  	v29 =	vmul.f32 v63, v62;
	v20 =	vadd.f32 v28, v20;
	_ =	sdelay $0x1  }
0x73: {  	v20 =	vadd.f32 v29, v20;
	_ =	sdelay $0x1  }
0x74: {  	[tilespmem:s17+$0xFFFFFFD0] =	vst v20  }
0x75: {  	v20 =	vld.idx.msk [tilespmem:v0+s9+$0x0], $0xffff  }
0x76: {  	v30 =	vld [tilespmem:$0xC20]  }
0x77: {  	v31 =	vld.idx.msk [tilespmem:v3+s9+$0x0], $0xffff  }
0x78: {  	v32 =	vld [tilespmem:$0xC60]  }
0x79: {  	v33 =	vld.idx.msk [tilespmem:v6+s9+$0x0], $0xffff  }
0x7a: {  	v34 =	vld [tilespmem:$0xCA0]  }
0x7b: {  	v35 =	vld.idx.msk [tilespmem:v7+s9+$0x0], $0xffff;
	v20 =	vmul.f32 v30, v20  }
0x7c: {  	v36 =	vld [tilespmem:$0xCE0]  }
0x7d: {  	v37 =	vld.idx.msk [tilespmem:v4+s9+$0x0], $0xffff;
	v22 =	vmul.f32 v32, v31;
	v20 =	vadd.f32 $0.0e+00, v20  }
0x7e: {  	v38 =	vld [tilespmem:$0xD20]  }
0x7f: {  	v40 =	vld.idx.msk [tilespmem:v1+s9+$0x0], $0xffff;
	v39 =	vmul.f32 v34, v33;
	v20 =	vadd.f32 v22, v20  }
0x80: {  	v41 =	vld [tilespmem:$0xD60]  }
0x81: {  	v42 =	vld.idx.msk [tilespmem:v2+s9+$0x0], $0xffff;
	v21 =	vmul.f32 v36, v35;
	v20 =	vadd.f32 v39, v20  }
0x82: {  	v43 =	vld [tilespmem:$0xDA0]  }
0x83: {  	v45 =	vld.idx.msk [tilespmem:v5+s9+$0x0], $0xffff;
	v44 =	vmul.f32 v38, v37;
	v20 =	vadd.f32 v21, v20  }
0x84: {  	v46 =	vld [tilespmem:$0xDE0]  }
0x85: {  	v48 =	vld.idx.msk [tilespmem:v8+s9+$0x0], $0xffff;
	v47 =	vmul.f32 v41, v40;
	v20 =	vadd.f32 v44, v20  }
0x86: {  	v49 =	vld [tilespmem:$0xE20]  }
0x87: {  	v51 =	vld.idx.msk [tilespmem:v9+s9+$0x0], $0xffff;
	v50 =	vmul.f32 v43, v42;
	v20 =	vadd.f32 v47, v20  }
0x88: {  	v52 =	vld [tilespmem:$0xE60]  }
0x89: {  	v54 =	vld.idx.msk [tilespmem:v10+s9+$0x0], $0xffff;
	v53 =	vmul.f32 v46, v45;
	v20 =	vadd.f32 v50, v20  }
0x8a: {  	v55 =	vld [tilespmem:$0xEA0]  }
0x8b: {  	v57 =	vld.idx.msk [tilespmem:v11+s9+$0x0], $0xffff;
	v56 =	vmul.f32 v49, v48;
	v20 =	vadd.f32 v53, v20  }
0x8c: {  	v58 =	vld [tilespmem:$0xEE0]  }
0x8d: {  	v60 =	vld.idx.msk [tilespmem:v12+s9+$0x0], $0xffff;
	v59 =	vmul.f32 v52, v51;
	v20 =	vadd.f32 v56, v20  }
0x8e: {  	v61 =	vld [tilespmem:$0xF20]  }
0x8f: {  	v63 =	vld.idx.msk [tilespmem:v13+s9+$0x0], $0xffff;
	v62 =	vmul.f32 v55, v54;
	v20 =	vadd.f32 v59, v20  }
0x90: {  	v30 =	vld [tilespmem:$0xF60]  }
0x91: {  	v31 =	vmul.f32 v58, v57;
	v32 =	vld.idx.msk [tilespmem:v14+s9+$0x0], $0xffff;
	v20 =	vadd.f32 v62, v20  }
0x92: {  	v33 =	vld [tilespmem:$0xFA0]  }
0x93: {  	v34 =	vmul.f32 v61, v60;
	v35 =	vld.idx.msk [tilespmem:v15+s9+$0x0], $0xffff;
	v20 =	vadd.f32 v31, v20  }
0x94: {  	v36 =	vld [tilespmem:$0xFE0]  }
0x95: {  	v38 =	vld.idx.msk [tilespmem:v16+s9+$0x0], $0xffff;
	v37 =	vmul.f32 v30, v63;
	v20 =	vadd.f32 v34, v20  }
0x96: {  	v39 =	vld [tilespmem:$0x1020]  }
0x97: {  	v41 =	vld.idx.msk [tilespmem:v17+s9+$0x0], $0xffff;
	v40 =	vmul.f32 v33, v32;
	v20 =	vadd.f32 v37, v20  }
0x98: {  	v42 =	vld [tilespmem:$0x1060]  }
0x99: {  	v45 =	vld [tilespmem:$0x10A0];
	v43 =	vmul.f32 v36, v35;
	v20 =	vadd.f32 v40, v20  }
0x9a: {  	v44 =	vld.idx.msk [tilespmem:v18+s9+$0x0], $0xffff  }
0x9b: {  	v48 =	vld [tilespmem:$0x10E0];
	v46 =	vmul.f32 v39, v38;
	v20 =	vadd.f32 v43, v20  }
0x9c: {  	v47 =	vld.idx.msk [tilespmem:v19+s9+$0x0], $0xffff  }
0x9d: {  	v49 =	vmul.f32 v42, v41;
	v20 =	vadd.f32 v46, v20;
	_ =	sdelay $0x1  }
0x9e: {  	v50 =	vmul.f32 v45, v44;
	v20 =	vadd.f32 v49, v20;
	_ =	sdelay $0x1  }
0x9f: {  	v51 =	vmul.f32 v48, v47;
	v20 =	vadd.f32 v50, v20;
	_ =	sdelay $0x1  }
0xa0: {  	v20 =	vadd.f32 v51, v20;
	_ =	sdelay $0x1  }
0xa1: {  	[tilespmem:s17+$0xFFFFFFE0] =	vst v20  }
0xa2: {  	v0 =	vld.idx.msk [tilespmem:v0+s9+$0x0], $0xffff  }
0xa3: {  	v20 =	vld [tilespmem:$0xC30]  }
0xa4: {  	v3 =	vld.idx.msk [tilespmem:v3+s9+$0x0], $0xffff  }
0xa5: {  	v52 =	vld [tilespmem:$0xC70]  }
0xa6: {  	v6 =	vld.idx.msk [tilespmem:v6+s9+$0x0], $0xffff  }
0xa7: {  	v53 =	vld [tilespmem:$0xCB0]  }
0xa8: {  	v7 =	vld.idx.msk [tilespmem:v7+s9+$0x0], $0xffff;
	v0 =	vmul.f32 v20, v0  }
0xa9: {  	v54 =	vld [tilespmem:$0xCF0]  }
0xaa: {  	v4 =	vld.idx.msk [tilespmem:v4+s9+$0x0], $0xffff;
	v3 =	vmul.f32 v52, v3;
	v0 =	vadd.f32 $0.0e+00, v0  }
0xab: {  	v55 =	vld [tilespmem:$0xD30]  }
0xac: {  	v1 =	vld.idx.msk [tilespmem:v1+s9+$0x0], $0xffff;
	v0 =	vadd.f32 v3, v0;
	v3 =	vmul.f32 v53, v6  }
0xad: {  	v56 =	vld [tilespmem:$0xD70]  }
0xae: {  	v2 =	vld.idx.msk [tilespmem:v2+s9+$0x0], $0xffff;
	v0 =	vadd.f32 v3, v0;
	v3 =	vmul.f32 v54, v7  }
0xaf: {  	v57 =	vld [tilespmem:$0xDB0]  }
0xb0: {  	v58 =	vld.idx.msk [tilespmem:v5+s9+$0x0], $0xffff;
	v0 =	vadd.f32 v3, v0;
	v3 =	vmul.f32 v55, v4  }
0xb1: {  	v59 =	vld [tilespmem:$0xDF0]  }
0xb2: {  	v60 =	vld [tilespmem:$0xE30];
	v1 =	vmul.f32 v56, v1;
	v0 =	vadd.f32 v3, v0  }
0xb3: {  	v3 =	vld.idx.msk [tilespmem:v8+s9+$0x0], $0xffff  }
0xb4: {  	v61 =	vld [tilespmem:$0xE70];
	v0 =	vadd.f32 v1, v0;
	v1 =	vmul.f32 v57, v2  }
0xb5: {  	v2 =	vld.idx.msk [tilespmem:v9+s9+$0x0], $0xffff  }
0xb6: {  	v62 =	vld.idx.msk [tilespmem:v10+s9+$0x0], $0xffff;
	v0 =	vadd.f32 v1, v0;
	v1 =	vmul.f32 v59, v58  }
0xb7: {  	v63 =	vld [tilespmem:$0xEB0]  }
0xb8: {  	v9 =	vld [tilespmem:$0xEF0];
	v0 =	vadd.f32 v1, v0;
	v1 =	vmul.f32 v60, v3  }
0xb9: {  	v3 =	vld.idx.msk [tilespmem:v11+s9+$0x0], $0xffff  }
0xba: {  	v10 =	vld [tilespmem:$0xF30];
	v0 =	vadd.f32 v1, v0;
	v1 =	vmul.f32 v61, v2  }
0xbb: {  	v2 =	vld.idx.msk [tilespmem:v12+s9+$0x0], $0xffff  }
0xbc: {  	v11 =	vld.idx.msk [tilespmem:v13+s9+$0x0], $0xffff;
	v0 =	vadd.f32 v1, v0;
	v1 =	vmul.f32 v63, v62  }
0xbd: {  	v12 =	vld [tilespmem:$0xF70]  }
0xbe: {  	v13 =	vld [tilespmem:$0xFB0];
	v0 =	vadd.f32 v1, v0;
	v1 =	vmul.f32 v9, v3  }
0xbf: {  	v3 =	vld.idx.msk [tilespmem:v14+s9+$0x0], $0xffff  }
0xc0: {  	v14 =	vld [tilespmem:$0xFF0];
	v0 =	vadd.f32 v1, v0;
	v1 =	vmul.f32 v10, v2  }
0xc1: {  	v2 =	vld.idx.msk [tilespmem:v15+s9+$0x0], $0xffff  }
0xc2: {  	v15 =	vld.idx.msk [tilespmem:v16+s9+$0x0], $0xffff;
	v0 =	vadd.f32 v1, v0;
	v1 =	vmul.f32 v12, v11  }
0xc3: {  	v16 =	vld [tilespmem:$0x1030]  }
0xc4: {  	v0 =	vadd.f32 v1, v0;
	v1 =	vmul.f32 v13, v3;
	v3 =	vld.idx.msk [tilespmem:v17+s9+$0x0], $0xffff  }
0xc5: {  	v17 =	vld [tilespmem:$0x1070]  }
0xc6: {  	v0 =	vadd.f32 v1, v0;
	v1 =	vmul.f32 v14, v2;
	v2 =	vld.idx.msk [tilespmem:v18+s9+$0x0], $0xffff  }
0xc7: {  	v18 =	vld [tilespmem:$0x10B0]  }
0xc8: {  	v19 =	vld.idx.msk [tilespmem:v19+s9+$0x0], $0xffff;
	v0 =	vadd.f32 v1, v0;
	v1 =	vmul.f32 v16, v15  }
0xc9: {  	v20 =	vld [tilespmem:$0x10F0]  }
0xca: {  	v0 =	vadd.f32 v1, v0;
	v1 =	vmul.f32 v17, v3;
	_ =	sdelay $0x1  }
0xcb: {  	v0 =	vadd.f32 v1, v0;
	v1 =	vmul.f32 v18, v2  }
0xcc: {  	s20 =	simm.s32 $0x1  }
0xcd: {  	s19 =	simm.s32 $0x2;
	v2 =	vmov s20;
	v0 =	vadd.f32 v1, v0;
	v1 =	vmul.f32 v20, v19  }
0xce: {  	s30 =	sand.u32 $0x3E, s19;
	v2 =	vmul.u32 $0x18, v2  }
0xcf: {  	s20 =	smul.u32 $0x60, s30;
	v1 =	vadd.f32 v1, v0  }
0xd0: {  	v0 =	vbroadcast v2, $0x0  }
0xd1: {  	s20 =	sshrl.u32 s20, $0x2;
	[tilespmem:s17+$0xFFFFFFF0] =	vst v1  }
0xd2: {  	[tilespmem:s11], [sflag:$0x1] =	stream.indirect.gather [hbm4b:s2+s10], $0x40, s20, s10, $0xb8;
	[tilespmem:$0x2600] =	vst v63  }
0xd3: {  	v3 =	vor.u32 $0x1, v0;
	_ =	swait.ge [sflag:s14], $0x500  }
0xd4: {  	[sflag:s14] =	ssyncset.done $0x0  }
0xd5: {  	v6 =	vor.u32 $0x2, v0;
	[sflag:s14] =	ssyncadd.s32 $0xFFFFFB00  }
0xd6: {  	v2 =	vld.idx.msk [tilespmem:v0+s9+$0x0], $0xffff  }
0xd7: {  	v7 =	vor.u32 $0x3, v0;
	v21 =	vld [tilespmem:$0x1100]  }
0xd8: {  	v22 =	vld.idx.msk [tilespmem:v3+s9+$0x0], $0xffff  }
0xd9: {  	v4 =	vor.u32 $0x4, v0;
	v23 =	vld [tilespmem:$0x1140]  }
0xda: {  	v24 =	vld.idx.msk [tilespmem:v6+s9+$0x0], $0xffff  }
0xdb: {  	v1 =	vor.u32 $0x5, v0;
	v25 =	vld [tilespmem:$0x1180]  }
0xdc: {  	v26 =	vld.idx.msk [tilespmem:v7+s9+$0x0], $0xffff;
	v5 =	vmul.f32 v21, v2  }
0xdd: {  	v27 =	vld [tilespmem:$0x11C0]  }
0xde: {  	v29 =	vld.idx.msk [tilespmem:v4+s9+$0x0], $0xffff;
	v2 =	vor.u32 $0x6, v0;
	v8 =	vmul.f32 v23, v22;
	v28 =	vadd.f32 $0.0e+00, v5  }
0xdf: {  	v30 =	vld [tilespmem:$0x1200]  }
0xe0: {  	v31 =	vld.idx.msk [tilespmem:v1+s9+$0x0], $0xffff;
	v10 =	vmul.f32 v25, v24;
	v5 =	vor.u32 $0x7, v0;
	v9 =	vadd.f32 v8, v28  }
0xe1: {  	v32 =	vld [tilespmem:$0x1240]  }
0xe2: {  	v34 =	vld [tilespmem:$0x1280];
	v12 =	vmul.f32 v27, v26;
	v8 =	vadd.s32 $0x8, v0;
	v10 =	vadd.f32 v10, v9  }
0xe3: {  	v33 =	vld.idx.msk [tilespmem:v2+s9+$0x0], $0xffff  }
0xe4: {  	v36 =	vld [tilespmem:$0x12C0];
	v15 =	vmul.f32 v30, v29;
	v9 =	vadd.s32 $0x9, v0;
	v12 =	vadd.f32 v12, v10  }
0xe5: {  	v35 =	vld.idx.msk [tilespmem:v5+s9+$0x0], $0xffff  }
0xe6: {  	v38 =	vld [tilespmem:$0x1300];
	v14 =	vmul.f32 v32, v31;
	v10 =	vadd.s32 $0xA, v0;
	v12 =	vadd.f32 v15, v12  }
0xe7: {  	v11 =	vadd.s32 $0xB, v0;
	v37 =	vld.idx.msk [tilespmem:v8+s9+$0x0], $0xffff  }
0xe8: {  	v40 =	vld [tilespmem:$0x1340];
	v13 =	vmul.f32 v34, v33;
	v14 =	vadd.f32 v14, v12  }
0xe9: {  	v39 =	vld.idx.msk [tilespmem:v9+s9+$0x0], $0xffff  }
0xea: {  	v42 =	vld [tilespmem:$0x1380];
	v12 =	vadd.s32 $0xC, v0;
	v16 =	vmul.f32 v36, v35;
	v14 =	vadd.f32 v13, v14  }
0xeb: {  	v41 =	vld.idx.msk [tilespmem:v10+s9+$0x0], $0xffff  }
0xec: {  	v43 =	vld.idx.msk [tilespmem:v11+s9+$0x0], $0xffff;
	v13 =	vadd.s32 $0xD, v0;
	v15 =	vmul.f32 v38, v37;
	v16 =	vadd.f32 v16, v14  }
0xed: {  	v44 =	vld [tilespmem:$0x13C0]  }
0xee: {  	v46 =	vld [tilespmem:$0x1400];
	v14 =	vadd.s32 $0xE, v0;
	v17 =	vmul.f32 v40, v39;
	v16 =	vadd.f32 v15, v16  }
0xef: {  	v45 =	vld.idx.msk [tilespmem:v12+s9+$0x0], $0xffff  }
0xf0: {  	v48 =	vld [tilespmem:$0x1440];
	v15 =	vadd.s32 $0xF, v0;
	v18 =	vmul.f32 v42, v41;
	v17 =	vadd.f32 v17, v16  }
0xf1: {  	v47 =	vld.idx.msk [tilespmem:v13+s9+$0x0], $0xffff  }
0xf2: {  	v50 =	vld [tilespmem:$0x1480];
	v19 =	vmul.f32 v44, v43;
	v16 =	vadd.s32 $0x10, v0;
	v18 =	vadd.f32 v18, v17  }
0xf3: {  	v49 =	vld.idx.msk [tilespmem:v14+s9+$0x0], $0xffff  }
0xf4: {  	v52 =	vld [tilespmem:$0x14C0];
	v17 =	vadd.s32 $0x11, v0;
	v20 =	vmul.f32 v46, v45;
	v19 =	vadd.f32 v19, v18  }
0xf5: {  	v51 =	vld.idx.msk [tilespmem:v15+s9+$0x0], $0xffff  }
0xf6: {  	v54 =	vld [tilespmem:$0x1500];
	v18 =	vadd.s32 $0x12, v0;
	v21 =	vmul.f32 v48, v47;
	v20 =	vadd.f32 v20, v19  }
0xf7: {  	v53 =	vld.idx.msk [tilespmem:v16+s9+$0x0], $0xffff  }
0xf8: {  	v57 =	vld [tilespmem:$0x1540];
	v19 =	vadd.s32 $0x13, v0;
	v55 =	vmul.f32 v50, v49;
	v20 =	vadd.f32 v21, v20  }
0xf9: {  	v56 =	vld.idx.msk [tilespmem:v17+s9+$0x0], $0xffff  }
0xfa: {  	v60 =	vld [tilespmem:$0x1580];
	v58 =	vmul.f32 v52, v51;
	v20 =	vadd.f32 v55, v20  }
0xfb: {  	v59 =	vld.idx.msk [tilespmem:v18+s9+$0x0], $0xffff  }
0xfc: {  	v63 =	vld [tilespmem:$0x15C0];
	v61 =	vmul.f32 v54, v53;
	v20 =	vadd.f32 v58, v20  }
0xfd: {  	v62 =	vld.idx.msk [tilespmem:v19+s9+$0x0], $0xffff  }
0xfe: {  	v25 =	vmul.f32 v57, v56;
	v20 =	vadd.f32 v61, v20;
	_ =	sdelay $0x1  }
0xff: {  	v28 =	vmul.f32 v60, v59;
	v20 =	vadd.f32 v25, v20;
	_ =	sdelay $0x1  }
0x100: {  	v29 =	vmul.f32 v63, v62;
	v20 =	vadd.f32 v28, v20;
	_ =	sdelay $0x1  }
0x101: {  	v20 =	vadd.f32 v29, v20;
	_ =	sdelay $0x1  }
0x102: {  	[tilespmem:s17+$0x0] =	vst v20  }
0x103: {  	v20 =	vld.idx.msk [tilespmem:v0+s9+$0x0], $0xffff  }
0x104: {  	v30 =	vld [tilespmem:$0x1110]  }
0x105: {  	v31 =	vld.idx.msk [tilespmem:v3+s9+$0x0], $0xffff  }
0x106: {  	v32 =	vld [tilespmem:$0x1150]  }
0x107: {  	v33 =	vld.idx.msk [tilespmem:v6+s9+$0x0], $0xffff  }
0x108: {  	v34 =	vld [tilespmem:$0x1190]  }
0x109: {  	v35 =	vld.idx.msk [tilespmem:v7+s9+$0x0], $0xffff;
	v20 =	vmul.f32 v30, v20  }
0x10a: {  	v36 =	vld [tilespmem:$0x11D0]  }
0x10b: {  	v37 =	vld.idx.msk [tilespmem:v4+s9+$0x0], $0xffff;
	v22 =	vmul.f32 v32, v31;
	v20 =	vadd.f32 $0.0e+00, v20  }
0x10c: {  	v38 =	vld [tilespmem:$0x1210]  }
0x10d: {  	v40 =	vld.idx.msk [tilespmem:v1+s9+$0x0], $0xffff;
	v39 =	vmul.f32 v34, v33;
	v20 =	vadd.f32 v22, v20  }
0x10e: {  	v41 =	vld [tilespmem:$0x1250]  }
0x10f: {  	v42 =	vld.idx.msk [tilespmem:v2+s9+$0x0], $0xffff;
	v21 =	vmul.f32 v36, v35;
	v20 =	vadd.f32 v39, v20  }
0x110: {  	v43 =	vld [tilespmem:$0x1290]  }
0x111: {  	v45 =	vld.idx.msk [tilespmem:v5+s9+$0x0], $0xffff;
	v44 =	vmul.f32 v38, v37;
	v20 =	vadd.f32 v21, v20  }
0x112: {  	v46 =	vld [tilespmem:$0x12D0]  }
0x113: {  	v48 =	vld.idx.msk [tilespmem:v8+s9+$0x0], $0xffff;
	v47 =	vmul.f32 v41, v40;
	v20 =	vadd.f32 v44, v20  }
0x114: {  	v49 =	vld [tilespmem:$0x1310]  }
0x115: {  	v51 =	vld.idx.msk [tilespmem:v9+s9+$0x0], $0xffff;
	v50 =	vmul.f32 v43, v42;
	v20 =	vadd.f32 v47, v20  }
0x116: {  	v52 =	vld [tilespmem:$0x1350]  }
0x117: {  	v54 =	vld.idx.msk [tilespmem:v10+s9+$0x0], $0xffff;
	v53 =	vmul.f32 v46, v45;
	v20 =	vadd.f32 v50, v20  }
0x118: {  	v55 =	vld [tilespmem:$0x1390]  }
0x119: {  	v57 =	vld.idx.msk [tilespmem:v11+s9+$0x0], $0xffff;
	v56 =	vmul.f32 v49, v48;
	v20 =	vadd.f32 v53, v20  }
0x11a: {  	v58 =	vld [tilespmem:$0x13D0]  }
0x11b: {  	v60 =	vld.idx.msk [tilespmem:v12+s9+$0x0], $0xffff;
	v59 =	vmul.f32 v52, v51;
	v20 =	vadd.f32 v56, v20  }
0x11c: {  	v61 =	vld [tilespmem:$0x1410]  }
0x11d: {  	v63 =	vld.idx.msk [tilespmem:v13+s9+$0x0], $0xffff;
	v62 =	vmul.f32 v55, v54;
	v20 =	vadd.f32 v59, v20  }
0x11e: {  	v30 =	vld [tilespmem:$0x1450]  }
0x11f: {  	v31 =	vmul.f32 v58, v57;
	v32 =	vld.idx.msk [tilespmem:v14+s9+$0x0], $0xffff;
	v20 =	vadd.f32 v62, v20  }
0x120: {  	v33 =	vld [tilespmem:$0x1490]  }
0x121: {  	v34 =	vmul.f32 v61, v60;
	v35 =	vld.idx.msk [tilespmem:v15+s9+$0x0], $0xffff;
	v20 =	vadd.f32 v31, v20  }
0x122: {  	v36 =	vld [tilespmem:$0x14D0]  }
0x123: {  	v38 =	vld.idx.msk [tilespmem:v16+s9+$0x0], $0xffff;
	v37 =	vmul.f32 v30, v63;
	v20 =	vadd.f32 v34, v20  }
0x124: {  	v39 =	vld [tilespmem:$0x1510]  }
0x125: {  	v41 =	vld.idx.msk [tilespmem:v17+s9+$0x0], $0xffff;
	v40 =	vmul.f32 v33, v32;
	v20 =	vadd.f32 v37, v20  }
0x126: {  	v42 =	vld [tilespmem:$0x1550]  }
0x127: {  	v45 =	vld [tilespmem:$0x1590];
	v43 =	vmul.f32 v36, v35;
	v20 =	vadd.f32 v40, v20  }
0x128: {  	v44 =	vld.idx.msk [tilespmem:v18+s9+$0x0], $0xffff  }
0x129: {  	v48 =	vld [tilespmem:$0x15D0];
	v46 =	vmul.f32 v39, v38;
	v20 =	vadd.f32 v43, v20  }
0x12a: {  	v47 =	vld.idx.msk [tilespmem:v19+s9+$0x0], $0xffff  }
0x12b: {  	v49 =	vmul.f32 v42, v41;
	v20 =	vadd.f32 v46, v20;
	_ =	sdelay $0x1  }
0x12c: {  	v50 =	vmul.f32 v45, v44;
	v20 =	vadd.f32 v49, v20;
	_ =	sdelay $0x1  }
0x12d: {  	v51 =	vmul.f32 v48, v47;
	v20 =	vadd.f32 v50, v20;
	_ =	sdelay $0x1  }
0x12e: {  	v20 =	vadd.f32 v51, v20;
	_ =	sdelay $0x1  }
0x12f: {  	[tilespmem:s17+$0x10] =	vst v20  }
0x130: {  	v20 =	vld.idx.msk [tilespmem:v0+s9+$0x0], $0xffff  }
0x131: {  	v52 =	vld [tilespmem:$0x1120]  }
0x132: {  	v53 =	vld.idx.msk [tilespmem:v3+s9+$0x0], $0xffff  }
0x133: {  	v54 =	vld [tilespmem:$0x1160]  }
0x134: {  	v55 =	vld.idx.msk [tilespmem:v6+s9+$0x0], $0xffff  }
0x135: {  	v56 =	vld [tilespmem:$0x11A0]  }
0x136: {  	v57 =	vld.idx.msk [tilespmem:v7+s9+$0x0], $0xffff;
	v20 =	vmul.f32 v52, v20  }
0x137: {  	v58 =	vld [tilespmem:$0x11E0]  }
0x138: {  	v59 =	vld.idx.msk [tilespmem:v4+s9+$0x0], $0xffff;
	v22 =	vmul.f32 v54, v53;
	v20 =	vadd.f32 $0.0e+00, v20  }
0x139: {  	v60 =	vld [tilespmem:$0x1220]  }
0x13a: {  	v62 =	vld.idx.msk [tilespmem:v1+s9+$0x0], $0xffff;
	v61 =	vmul.f32 v56, v55;
	v20 =	vadd.f32 v22, v20  }
0x13b: {  	v63 =	vld [tilespmem:$0x1260]  }
0x13c: {  	v30 =	vld.idx.msk [tilespmem:v2+s9+$0x0], $0xffff;
	v21 =	vmul.f32 v58, v57;
	v20 =	vadd.f32 v61, v20  }
0x13d: {  	v31 =	vld [tilespmem:$0x12A0]  }
0x13e: {  	v33 =	vld.idx.msk [tilespmem:v5+s9+$0x0], $0xffff;
	v32 =	vmul.f32 v60, v59;
	v20 =	vadd.f32 v21, v20  }
0x13f: {  	v34 =	vld [tilespmem:$0x12E0]  }
0x140: {  	v36 =	vld.idx.msk [tilespmem:v8+s9+$0x0], $0xffff;
	v35 =	vmul.f32 v63, v62;
	v20 =	vadd.f32 v32, v20  }
0x141: {  	v37 =	vld [tilespmem:$0x1320]  }
0x142: {  	v39 =	vld.idx.msk [tilespmem:v9+s9+$0x0], $0xffff;
	v38 =	vmul.f32 v31, v30;
	v20 =	vadd.f32 v35, v20  }
0x143: {  	v40 =	vld [tilespmem:$0x1360]  }
0x144: {  	v42 =	vld.idx.msk [tilespmem:v10+s9+$0x0], $0xffff;
	v41 =	vmul.f32 v34, v33;
	v20 =	vadd.f32 v38, v20  }
0x145: {  	v43 =	vld [tilespmem:$0x13A0]  }
0x146: {  	v45 =	vld.idx.msk [tilespmem:v11+s9+$0x0], $0xffff;
	v44 =	vmul.f32 v37, v36;
	v20 =	vadd.f32 v41, v20  }
0x147: {  	v46 =	vld [tilespmem:$0x13E0]  }
0x148: {  	v48 =	vld.idx.msk [tilespmem:v12+s9+$0x0], $0xffff;
	v47 =	vmul.f32 v40, v39;
	v20 =	vadd.f32 v44, v20  }
0x149: {  	v49 =	vld [tilespmem:$0x1420]  }
0x14a: {  	v51 =	vld.idx.msk [tilespmem:v13+s9+$0x0], $0xffff;
	v50 =	vmul.f32 v43, v42;
	v20 =	vadd.f32 v47, v20  }
0x14b: {  	v52 =	vld [tilespmem:$0x1460]  }
0x14c: {  	v53 =	vmul.f32 v46, v45;
	v54 =	vld.idx.msk [tilespmem:v14+s9+$0x0], $0xffff;
	v20 =	vadd.f32 v50, v20  }
0x14d: {  	v55 =	vld [tilespmem:$0x14A0]  }
0x14e: {  	v56 =	vmul.f32 v49, v48;
	v57 =	vld.idx.msk [tilespmem:v15+s9+$0x0], $0xffff;
	v20 =	vadd.f32 v53, v20  }
0x14f: {  	v58 =	vld [tilespmem:$0x14E0]  }
0x150: {  	v60 =	vld.idx.msk [tilespmem:v16+s9+$0x0], $0xffff;
	v59 =	vmul.f32 v52, v51;
	v20 =	vadd.f32 v56, v20  }
0x151: {  	v61 =	vld [tilespmem:$0x1520]  }
0x152: {  	v63 =	vld.idx.msk [tilespmem:v17+s9+$0x0], $0xffff;
	v62 =	vmul.f32 v55, v54;
	v20 =	vadd.f32 v59, v20  }
0x153: {  	v30 =	vld [tilespmem:$0x1560]  }
0x154: {  	v33 =	vld [tilespmem:$0x15A0];
	v31 =	vmul.f32 v58, v57;
	v20 =	vadd.f32 v62, v20  }
0x155: {  	v32 =	vld.idx.msk [tilespmem:v18+s9+$0x0], $0xffff  }
0x156: {  	v36 =	vld [tilespmem:$0x15E0];
	v34 =	vmul.f32 v61, v60;
	v20 =	vadd.f32 v31, v20  }
0x157: {  	v35 =	vld.idx.msk [tilespmem:v19+s9+$0x0], $0xffff  }
0x158: {  	v37 =	vmul.f32 v30, v63;
	v20 =	vadd.f32 v34, v20;
	_ =	sdelay $0x1  }
0x159: {  	v38 =	vmul.f32 v33, v32;
	v20 =	vadd.f32 v37, v20;
	_ =	sdelay $0x1  }
0x15a: {  	v39 =	vmul.f32 v36, v35;
	v20 =	vadd.f32 v38, v20;
	_ =	sdelay $0x1  }
0x15b: {  	v20 =	vadd.f32 v39, v20;
	_ =	sdelay $0x1  }
0x15c: {  	[tilespmem:s17+$0x20] =	vst v20  }
0x15d: {  	v0 =	vld.idx.msk [tilespmem:v0+s9+$0x0], $0xffff  }
0x15e: {  	v20 =	vld [tilespmem:$0x1130]  }
0x15f: {  	v3 =	vld.idx.msk [tilespmem:v3+s9+$0x0], $0xffff  }
0x160: {  	v40 =	vld [tilespmem:$0x1170]  }
0x161: {  	v6 =	vld.idx.msk [tilespmem:v6+s9+$0x0], $0xffff  }
0x162: {  	v41 =	vld [tilespmem:$0x11B0]  }
0x163: {  	v7 =	vld.idx.msk [tilespmem:v7+s9+$0x0], $0xffff;
	v0 =	vmul.f32 v20, v0  }
0x164: {  	v42 =	vld [tilespmem:$0x11F0]  }
0x165: {  	v4 =	vld.idx.msk [tilespmem:v4+s9+$0x0], $0xffff;
	v3 =	vmul.f32 v40, v3;
	v0 =	vadd.f32 $0.0e+00, v0  }
0x166: {  	v43 =	vld [tilespmem:$0x1230]  }
0x167: {  	v1 =	vld.idx.msk [tilespmem:v1+s9+$0x0], $0xffff;
	v0 =	vadd.f32 v3, v0;
	v3 =	vmul.f32 v41, v6  }
0x168: {  	v44 =	vld [tilespmem:$0x1270]  }
0x169: {  	v2 =	vld.idx.msk [tilespmem:v2+s9+$0x0], $0xffff;
	v0 =	vadd.f32 v3, v0;
	v3 =	vmul.f32 v42, v7  }
0x16a: {  	v45 =	vld [tilespmem:$0x12B0]  }
0x16b: {  	v46 =	vld.idx.msk [tilespmem:v5+s9+$0x0], $0xffff;
	v0 =	vadd.f32 v3, v0;
	v3 =	vmul.f32 v43, v4  }
0x16c: {  	v47 =	vld [tilespmem:$0x12F0]  }
0x16d: {  	v48 =	vld [tilespmem:$0x1330];
	v1 =	vmul.f32 v44, v1;
	v0 =	vadd.f32 v3, v0  }
0x16e: {  	v3 =	vld.idx.msk [tilespmem:v8+s9+$0x0], $0xffff  }
0x16f: {  	v49 =	vld [tilespmem:$0x1370];
	v0 =	vadd.f32 v1, v0;
	v1 =	vmul.f32 v45, v2  }
0x170: {  	v2 =	vld.idx.msk [tilespmem:v9+s9+$0x0], $0xffff  }
0x171: {  	v50 =	vld.idx.msk [tilespmem:v10+s9+$0x0], $0xffff;
	v0 =	vadd.f32 v1, v0;
	v1 =	vmul.f32 v47, v46  }
0x172: {  	v51 =	vld [tilespmem:$0x13B0]  }
0x173: {  	v52 =	vld [tilespmem:$0x13F0];
	v0 =	vadd.f32 v1, v0;
	v1 =	vmul.f32 v48, v3  }
0x174: {  	v3 =	vld.idx.msk [tilespmem:v11+s9+$0x0], $0xffff  }
0x175: {  	v53 =	vld [tilespmem:$0x1430];
	v0 =	vadd.f32 v1, v0;
	v1 =	vmul.f32 v49, v2  }
0x176: {  	v2 =	vld.idx.msk [tilespmem:v12+s9+$0x0], $0xffff  }
0x177: {  	v54 =	vld.idx.msk [tilespmem:v13+s9+$0x0], $0xffff;
	v0 =	vadd.f32 v1, v0;
	v1 =	vmul.f32 v51, v50  }
0x178: {  	v55 =	vld [tilespmem:$0x1470]  }
0x179: {  	v56 =	vld [tilespmem:$0x14B0];
	v0 =	vadd.f32 v1, v0;
	v1 =	vmul.f32 v52, v3  }
0x17a: {  	v3 =	vld.idx.msk [tilespmem:v14+s9+$0x0], $0xffff  }
0x17b: {  	v57 =	vld [tilespmem:$0x14F0];
	v0 =	vadd.f32 v1, v0;
	v1 =	vmul.f32 v53, v2  }
0x17c: {  	v2 =	vld.idx.msk [tilespmem:v15+s9+$0x0], $0xffff  }
0x17d: {  	v58 =	vld.idx.msk [tilespmem:v16+s9+$0x0], $0xffff;
	v0 =	vadd.f32 v1, v0;
	v1 =	vmul.f32 v55, v54  }
0x17e: {  	v59 =	vld [tilespmem:$0x1530]  }
0x17f: {  	v60 =	vld [tilespmem:$0x1570];
	v0 =	vadd.f32 v1, v0;
	v1 =	vmul.f32 v56, v3  }
0x180: {  	v3 =	vld.idx.msk [tilespmem:v17+s9+$0x0], $0xffff  }
0x181: {  	v61 =	vld [tilespmem:$0x15B0];
	v0 =	vadd.f32 v1, v0;
	v1 =	vmul.f32 v57, v2  }
0x182: {  	v2 =	vld.idx.msk [tilespmem:v18+s9+$0x0], $0xffff  }
0x183: {  	v62 =	vld.idx.msk [tilespmem:v19+s9+$0x0], $0xffff;
	v0 =	vadd.f32 v1, v0;
	v1 =	vmul.f32 v59, v58  }
0x184: {  	v63 =	vld [tilespmem:$0x15F0]  }
0x185: {  	v0 =	vadd.f32 v1, v0;
	v1 =	vmul.f32 v60, v3;
	_ =	sdelay $0x1  }
0x186: {  	v0 =	vadd.f32 v1, v0;
	v1 =	vmul.f32 v61, v2;
	_ =	sdelay $0x1  }
0x187: {  	v2 =	vmov s19;
	v0 =	vadd.f32 v1, v0;
	v1 =	vmul.f32 v63, v62  }
0x188: {  	s23 =	simm.s32 $0x4;
	v2 =	vmul.u32 $0x18, v2  }
0x189: {  	s31 =	sand.u32 $0x3E, s23;
	v1 =	vadd.f32 v1, v0  }
0x18a: {  	s20 =	smul.u32 $0x60, s31;
	v0 =	vbroadcast v2, $0x0  }
.LBB2_2:
0x18b: {  	[tilespmem:s17+$0x30] =	vst v1;
	s17 =	sadd.s32 $0x80, s17  }
0x18c: {  	s18 =	sadd.s32 $0x30, s18;
	s22 =	smov.u32 s23;
	s21 =	sadd.s32 $0x2, s23  }
0x18d: {  	[tilespmem:s12], [sflag:$0x2] =	stream.indirect.gather [hbm4b:s2+s10], $0x40, s18, s10, $0xb8;
	v19 =	vor.u32 $0x1, v0;
	v18 =	vor.u32 $0x2, v0;
	v17 =	vor.u32 $0x3, v0;
	[tilespmem:$0x2600] =	vst v63  }
0x18e: {  	p0 =	sne.s32 s23, $0x3E;
	s24 =	sand.u32 $0x3E, s21;
	v16 =	vor.u32 $0x4, v0;
	v15 =	vor.u32 $0x5, v0;
	v14 =	vor.u32 $0x6, v0;
	_ =	swait.ge [sflag:s13], $0x500  }
0x18f: {  	v13 =	vor.u32 $0x7, v0;
	v12 =	vor.u32 $0x8, v0;
	v11 =	vor.u32 $0x9, v0;
	s23 =	smul.u32 $0x60, s24;
	[sflag:s13] =	ssyncset.done $0x0  }
0x190: {  	v10 =	vor.u32 $0xA, v0;
	v9 =	vor.u32 $0xB, v0;
	v8 =	vor.u32 $0xC, v0;
	[sflag:s13] =	ssyncadd.s32 $0xFFFFFB00  }
0x191: {  	v7 =	vor.u32 $0xD, v0;
	v6 =	vor.u32 $0xE, v0;
	v5 =	vor.u32 $0xF, v0;
	v20 =	vld.idx.msk [tilespmem:v0+s9+$0x0], $0xffff  }
0x192: {  	v4 =	vadd.s32 $0x10, v0;
	v3 =	vadd.s32 $0x11, v0;
	v2 =	vadd.s32 $0x12, v0;
	v21 =	vld [tilespmem:$0xC00]  }
0x193: {  	v1 =	vadd.s32 $0x13, v0;
	v22 =	vld.idx.msk [tilespmem:v19+s9+$0x0], $0xffff  }
0x194: {  	v23 =	vld [tilespmem:$0xC40]  }
0x195: {  	v24 =	vld.idx.msk [tilespmem:v18+s9+$0x0], $0xffff  }
0x196: {  	v25 =	vld [tilespmem:$0xC80]  }
0x197: {  	v20 =	vmul.f32 v21, v20;
	v21 =	vld.idx.msk [tilespmem:v17+s9+$0x0], $0xffff  }
0x198: {  	v26 =	vld [tilespmem:$0xCC0]  }
0x199: {  	v20 =	vadd.f32 $0.0e+00, v20;
	v22 =	vmul.f32 v23, v22;
	v23 =	vld.idx.msk [tilespmem:v16+s9+$0x0], $0xffff  }
0x19a: {  	v27 =	vld [tilespmem:$0xD00]  }
0x19b: {  	v20 =	vadd.f32 v22, v20;
	v22 =	vmul.f32 v25, v24;
	v24 =	vld.idx.msk [tilespmem:v15+s9+$0x0], $0xffff  }
0x19c: {  	v25 =	vld [tilespmem:$0xD40]  }
0x19d: {  	v20 =	vadd.f32 v22, v20;
	v21 =	vmul.f32 v26, v21;
	v22 =	vld.idx.msk [tilespmem:v14+s9+$0x0], $0xffff  }
0x19e: {  	v26 =	vld [tilespmem:$0xD80]  }
0x19f: {  	v20 =	vadd.f32 v21, v20;
	v21 =	vmul.f32 v27, v23;
	v23 =	vld.idx.msk [tilespmem:v13+s9+$0x0], $0xffff  }
0x1a0: {  	v27 =	vld [tilespmem:$0xDC0]  }
0x1a1: {  	v20 =	vadd.f32 v21, v20;
	v21 =	vmul.f32 v25, v24;
	v24 =	vld.idx.msk [tilespmem:v12+s9+$0x0], $0xffff  }
0x1a2: {  	v25 =	vld [tilespmem:$0xE00]  }
0x1a3: {  	v20 =	vadd.f32 v21, v20;
	v21 =	vmul.f32 v26, v22;
	v22 =	vld.idx.msk [tilespmem:v11+s9+$0x0], $0xffff  }
0x1a4: {  	v26 =	vld [tilespmem:$0xE40]  }
0x1a5: {  	v20 =	vadd.f32 v21, v20;
	v21 =	vmul.f32 v27, v23;
	v23 =	vld.idx.msk [tilespmem:v10+s9+$0x0], $0xffff  }
0x1a6: {  	v27 =	vld [tilespmem:$0xE80]  }
0x1a7: {  	v20 =	vadd.f32 v21, v20;
	v21 =	vmul.f32 v25, v24;
	v24 =	vld.idx.msk [tilespmem:v9+s9+$0x0], $0xffff  }
0x1a8: {  	v25 =	vld [tilespmem:$0xEC0]  }
0x1a9: {  	v20 =	vadd.f32 v21, v20;
	v21 =	vmul.f32 v26, v22;
	v22 =	vld.idx.msk [tilespmem:v8+s9+$0x0], $0xffff  }
0x1aa: {  	v26 =	vld [tilespmem:$0xF00]  }
0x1ab: {  	v20 =	vadd.f32 v21, v20;
	v21 =	vmul.f32 v27, v23;
	v23 =	vld.idx.msk [tilespmem:v7+s9+$0x0], $0xffff  }
0x1ac: {  	v27 =	vld [tilespmem:$0xF40]  }
0x1ad: {  	v20 =	vadd.f32 v21, v20;
	v21 =	vmul.f32 v25, v24;
	v24 =	vld.idx.msk [tilespmem:v6+s9+$0x0], $0xffff  }
0x1ae: {  	v25 =	vld [tilespmem:$0xF80]  }
0x1af: {  	v20 =	vadd.f32 v21, v20;
	v21 =	vmul.f32 v26, v22;
	v22 =	vld.idx.msk [tilespmem:v5+s9+$0x0], $0xffff  }
0x1b0: {  	v26 =	vld [tilespmem:$0xFC0]  }
0x1b1: {  	v20 =	vadd.f32 v21, v20;
	v21 =	vmul.f32 v27, v23;
	v23 =	vld.idx.msk [tilespmem:v4+s9+$0x0], $0xffff  }
0x1b2: {  	v27 =	vld [tilespmem:$0x1000]  }
0x1b3: {  	v20 =	vadd.f32 v21, v20;
	v21 =	vmul.f32 v25, v24;
	v24 =	vld.idx.msk [tilespmem:v3+s9+$0x0], $0xffff  }
0x1b4: {  	v25 =	vld [tilespmem:$0x1040]  }
0x1b5: {  	v20 =	vadd.f32 v21, v20;
	v21 =	vmul.f32 v26, v22;
	v22 =	vld.idx.msk [tilespmem:v2+s9+$0x0], $0xffff  }
0x1b6: {  	v26 =	vld [tilespmem:$0x1080]  }
0x1b7: {  	v20 =	vadd.f32 v21, v20;
	v21 =	vmul.f32 v27, v23;
	v23 =	vld.idx.msk [tilespmem:v1+s9+$0x0], $0xffff  }
0x1b8: {  	v27 =	vld [tilespmem:$0x10C0]  }
0x1b9: {  	v20 =	vadd.f32 v21, v20;
	v21 =	vmul.f32 v25, v24;
	_ =	sdelay $0x1  }
0x1ba: {  	v20 =	vadd.f32 v21, v20;
	v21 =	vmul.f32 v26, v22;
	_ =	sdelay $0x1  }
0x1bb: {  	v20 =	vadd.f32 v21, v20;
	v21 =	vmul.f32 v27, v23;
	_ =	sdelay $0x1  }
0x1bc: {  	v20 =	vadd.f32 v21, v20;
	_ =	sdelay $0x1  }
0x1bd: {  	[tilespmem:s17+$0xFFFFFFC0] =	vst v20  }
0x1be: {  	v20 =	vld.idx.msk [tilespmem:v0+s9+$0x0], $0xffff  }
0x1bf: {  	v21 =	vld [tilespmem:$0xC10]  }
0x1c0: {  	v22 =	vld.idx.msk [tilespmem:v19+s9+$0x0], $0xffff  }
0x1c1: {  	v23 =	vld [tilespmem:$0xC50]  }
0x1c2: {  	v24 =	vld.idx.msk [tilespmem:v18+s9+$0x0], $0xffff  }
0x1c3: {  	v25 =	vld [tilespmem:$0xC90]  }
0x1c4: {  	v20 =	vmul.f32 v21, v20;
	v21 =	vld.idx.msk [tilespmem:v17+s9+$0x0], $0xffff  }
0x1c5: {  	v26 =	vld [tilespmem:$0xCD0]  }
0x1c6: {  	v20 =	vadd.f32 $0.0e+00, v20;
	v22 =	vmul.f32 v23, v22;
	v23 =	vld.idx.msk [tilespmem:v16+s9+$0x0], $0xffff  }
0x1c7: {  	v27 =	vld [tilespmem:$0xD10]  }
0x1c8: {  	v20 =	vadd.f32 v22, v20;
	v22 =	vmul.f32 v25, v24;
	v24 =	vld.idx.msk [tilespmem:v15+s9+$0x0], $0xffff  }
0x1c9: {  	v25 =	vld [tilespmem:$0xD50]  }
0x1ca: {  	v20 =	vadd.f32 v22, v20;
	v21 =	vmul.f32 v26, v21;
	v22 =	vld.idx.msk [tilespmem:v14+s9+$0x0], $0xffff  }
0x1cb: {  	v26 =	vld [tilespmem:$0xD90]  }
0x1cc: {  	v20 =	vadd.f32 v21, v20;
	v21 =	vmul.f32 v27, v23;
	v23 =	vld.idx.msk [tilespmem:v13+s9+$0x0], $0xffff  }
0x1cd: {  	v27 =	vld [tilespmem:$0xDD0]  }
0x1ce: {  	v20 =	vadd.f32 v21, v20;
	v21 =	vmul.f32 v25, v24;
	v24 =	vld.idx.msk [tilespmem:v12+s9+$0x0], $0xffff  }
0x1cf: {  	v25 =	vld [tilespmem:$0xE10]  }
0x1d0: {  	v20 =	vadd.f32 v21, v20;
	v21 =	vmul.f32 v26, v22;
	v22 =	vld.idx.msk [tilespmem:v11+s9+$0x0], $0xffff  }
0x1d1: {  	v26 =	vld [tilespmem:$0xE50]  }
0x1d2: {  	v20 =	vadd.f32 v21, v20;
	v21 =	vmul.f32 v27, v23;
	v23 =	vld.idx.msk [tilespmem:v10+s9+$0x0], $0xffff  }
0x1d3: {  	v27 =	vld [tilespmem:$0xE90]  }
0x1d4: {  	v20 =	vadd.f32 v21, v20;
	v21 =	vmul.f32 v25, v24;
	v24 =	vld.idx.msk [tilespmem:v9+s9+$0x0], $0xffff  }
0x1d5: {  	v25 =	vld [tilespmem:$0xED0]  }
0x1d6: {  	v20 =	vadd.f32 v21, v20;
	v21 =	vmul.f32 v26, v22;
	v22 =	vld.idx.msk [tilespmem:v8+s9+$0x0], $0xffff  }
0x1d7: {  	v26 =	vld [tilespmem:$0xF10]  }
0x1d8: {  	v20 =	vadd.f32 v21, v20;
	v21 =	vmul.f32 v27, v23;
	v23 =	vld.idx.msk [tilespmem:v7+s9+$0x0], $0xffff  }
0x1d9: {  	v27 =	vld [tilespmem:$0xF50]  }
0x1da: {  	v20 =	vadd.f32 v21, v20;
	v21 =	vmul.f32 v25, v24;
	v24 =	vld.idx.msk [tilespmem:v6+s9+$0x0], $0xffff  }
0x1db: {  	v25 =	vld [tilespmem:$0xF90]  }
0x1dc: {  	v20 =	vadd.f32 v21, v20;
	v21 =	vmul.f32 v26, v22;
	v22 =	vld.idx.msk [tilespmem:v5+s9+$0x0], $0xffff  }
0x1dd: {  	v26 =	vld [tilespmem:$0xFD0]  }
0x1de: {  	v20 =	vadd.f32 v21, v20;
	v21 =	vmul.f32 v27, v23;
	v23 =	vld.idx.msk [tilespmem:v4+s9+$0x0], $0xffff  }
0x1df: {  	v27 =	vld [tilespmem:$0x1010]  }
0x1e0: {  	v20 =	vadd.f32 v21, v20;
	v21 =	vmul.f32 v25, v24;
	v24 =	vld.idx.msk [tilespmem:v3+s9+$0x0], $0xffff  }
0x1e1: {  	v25 =	vld [tilespmem:$0x1050]  }
0x1e2: {  	v20 =	vadd.f32 v21, v20;
	v21 =	vmul.f32 v26, v22;
	v22 =	vld.idx.msk [tilespmem:v2+s9+$0x0], $0xffff  }
0x1e3: {  	v26 =	vld [tilespmem:$0x1090]  }
0x1e4: {  	v20 =	vadd.f32 v21, v20;
	v21 =	vmul.f32 v27, v23;
	v23 =	vld.idx.msk [tilespmem:v1+s9+$0x0], $0xffff  }
0x1e5: {  	v27 =	vld [tilespmem:$0x10D0]  }
0x1e6: {  	v20 =	vadd.f32 v21, v20;
	v21 =	vmul.f32 v25, v24;
	_ =	sdelay $0x1  }
0x1e7: {  	v20 =	vadd.f32 v21, v20;
	v21 =	vmul.f32 v26, v22;
	_ =	sdelay $0x1  }
0x1e8: {  	v20 =	vadd.f32 v21, v20;
	v21 =	vmul.f32 v27, v23;
	_ =	sdelay $0x1  }
0x1e9: {  	v20 =	vadd.f32 v21, v20;
	_ =	sdelay $0x1  }
0x1ea: {  	[tilespmem:s17+$0xFFFFFFD0] =	vst v20  }
0x1eb: {  	v20 =	vld.idx.msk [tilespmem:v0+s9+$0x0], $0xffff  }
0x1ec: {  	v21 =	vld [tilespmem:$0xC20]  }
0x1ed: {  	v22 =	vld.idx.msk [tilespmem:v19+s9+$0x0], $0xffff  }
0x1ee: {  	v23 =	vld [tilespmem:$0xC60]  }
0x1ef: {  	v24 =	vld.idx.msk [tilespmem:v18+s9+$0x0], $0xffff  }
0x1f0: {  	v25 =	vld [tilespmem:$0xCA0]  }
0x1f1: {  	v20 =	vmul.f32 v21, v20;
	v21 =	vld.idx.msk [tilespmem:v17+s9+$0x0], $0xffff  }
0x1f2: {  	v26 =	vld [tilespmem:$0xCE0]  }
0x1f3: {  	v20 =	vadd.f32 $0.0e+00, v20;
	v22 =	vmul.f32 v23, v22;
	v23 =	vld.idx.msk [tilespmem:v16+s9+$0x0], $0xffff  }
0x1f4: {  	v27 =	vld [tilespmem:$0xD20]  }
0x1f5: {  	v20 =	vadd.f32 v22, v20;
	v22 =	vmul.f32 v25, v24;
	v24 =	vld.idx.msk [tilespmem:v15+s9+$0x0], $0xffff  }
0x1f6: {  	v25 =	vld [tilespmem:$0xD60]  }
0x1f7: {  	v20 =	vadd.f32 v22, v20;
	v21 =	vmul.f32 v26, v21;
	v22 =	vld.idx.msk [tilespmem:v14+s9+$0x0], $0xffff  }
0x1f8: {  	v26 =	vld [tilespmem:$0xDA0]  }
0x1f9: {  	v20 =	vadd.f32 v21, v20;
	v21 =	vmul.f32 v27, v23;
	v23 =	vld.idx.msk [tilespmem:v13+s9+$0x0], $0xffff  }
0x1fa: {  	v27 =	vld [tilespmem:$0xDE0]  }
0x1fb: {  	v20 =	vadd.f32 v21, v20;
	v21 =	vmul.f32 v25, v24;
	v24 =	vld.idx.msk [tilespmem:v12+s9+$0x0], $0xffff  }
0x1fc: {  	v25 =	vld [tilespmem:$0xE20]  }
0x1fd: {  	v20 =	vadd.f32 v21, v20;
	v21 =	vmul.f32 v26, v22;
	v22 =	vld.idx.msk [tilespmem:v11+s9+$0x0], $0xffff  }
0x1fe: {  	v26 =	vld [tilespmem:$0xE60]  }
0x1ff: {  	v20 =	vadd.f32 v21, v20;
	v21 =	vmul.f32 v27, v23;
	v23 =	vld.idx.msk [tilespmem:v10+s9+$0x0], $0xffff  }
0x200: {  	v27 =	vld [tilespmem:$0xEA0]  }
0x201: {  	v20 =	vadd.f32 v21, v20;
	v21 =	vmul.f32 v25, v24;
	v24 =	vld.idx.msk [tilespmem:v9+s9+$0x0], $0xffff  }
0x202: {  	v25 =	vld [tilespmem:$0xEE0]  }
0x203: {  	v20 =	vadd.f32 v21, v20;
	v21 =	vmul.f32 v26, v22;
	v22 =	vld.idx.msk [tilespmem:v8+s9+$0x0], $0xffff  }
0x204: {  	v26 =	vld [tilespmem:$0xF20]  }
0x205: {  	v20 =	vadd.f32 v21, v20;
	v21 =	vmul.f32 v27, v23;
	v23 =	vld.idx.msk [tilespmem:v7+s9+$0x0], $0xffff  }
0x206: {  	v27 =	vld [tilespmem:$0xF60]  }
0x207: {  	v20 =	vadd.f32 v21, v20;
	v21 =	vmul.f32 v25, v24;
	v24 =	vld.idx.msk [tilespmem:v6+s9+$0x0], $0xffff  }
0x208: {  	v25 =	vld [tilespmem:$0xFA0]  }
0x209: {  	v20 =	vadd.f32 v21, v20;
	v21 =	vmul.f32 v26, v22;
	v22 =	vld.idx.msk [tilespmem:v5+s9+$0x0], $0xffff  }
0x20a: {  	v26 =	vld [tilespmem:$0xFE0]  }
0x20b: {  	v20 =	vadd.f32 v21, v20;
	v21 =	vmul.f32 v27, v23;
	v23 =	vld.idx.msk [tilespmem:v4+s9+$0x0], $0xffff  }
0x20c: {  	v27 =	vld [tilespmem:$0x1020]  }
0x20d: {  	v20 =	vadd.f32 v21, v20;
	v21 =	vmul.f32 v25, v24;
	v24 =	vld.idx.msk [tilespmem:v3+s9+$0x0], $0xffff  }
0x20e: {  	v25 =	vld [tilespmem:$0x1060]  }
0x20f: {  	v20 =	vadd.f32 v21, v20;
	v21 =	vmul.f32 v26, v22;
	v22 =	vld.idx.msk [tilespmem:v2+s9+$0x0], $0xffff  }
0x210: {  	v26 =	vld [tilespmem:$0x10A0]  }
0x211: {  	v20 =	vadd.f32 v21, v20;
	v21 =	vmul.f32 v27, v23;
	v23 =	vld.idx.msk [tilespmem:v1+s9+$0x0], $0xffff  }
0x212: {  	v27 =	vld [tilespmem:$0x10E0]  }
0x213: {  	v20 =	vadd.f32 v21, v20;
	v21 =	vmul.f32 v25, v24;
	_ =	sdelay $0x1  }
0x214: {  	v20 =	vadd.f32 v21, v20;
	v21 =	vmul.f32 v26, v22;
	_ =	sdelay $0x1  }
0x215: {  	v20 =	vadd.f32 v21, v20;
	v21 =	vmul.f32 v27, v23;
	_ =	sdelay $0x1  }
0x216: {  	v20 =	vadd.f32 v21, v20;
	_ =	sdelay $0x1  }
0x217: {  	[tilespmem:s17+$0xFFFFFFE0] =	vst v20  }
0x218: {  	v0 =	vld.idx.msk [tilespmem:v0+s9+$0x0], $0xffff  }
0x219: {  	v20 =	vld [tilespmem:$0xC30]  }
0x21a: {  	v19 =	vld.idx.msk [tilespmem:v19+s9+$0x0], $0xffff  }
0x21b: {  	v21 =	vld [tilespmem:$0xC70]  }
0x21c: {  	v18 =	vld.idx.msk [tilespmem:v18+s9+$0x0], $0xffff  }
0x21d: {  	v22 =	vld [tilespmem:$0xCB0]  }
0x21e: {  	v0 =	vmul.f32 v20, v0;
	v17 =	vld.idx.msk [tilespmem:v17+s9+$0x0], $0xffff  }
0x21f: {  	v20 =	vld [tilespmem:$0xCF0]  }
0x220: {  	v0 =	vadd.f32 $0.0e+00, v0;
	v19 =	vmul.f32 v21, v19;
	v16 =	vld.idx.msk [tilespmem:v16+s9+$0x0], $0xffff  }
0x221: {  	v21 =	vld [tilespmem:$0xD30]  }
0x222: {  	v0 =	vadd.f32 v19, v0;
	v18 =	vmul.f32 v22, v18;
	v15 =	vld.idx.msk [tilespmem:v15+s9+$0x0], $0xffff  }
0x223: {  	v19 =	vld [tilespmem:$0xD70]  }
0x224: {  	v0 =	vadd.f32 v18, v0;
	v17 =	vmul.f32 v20, v17;
	v14 =	vld.idx.msk [tilespmem:v14+s9+$0x0], $0xffff  }
0x225: {  	v18 =	vld [tilespmem:$0xDB0]  }
0x226: {  	v0 =	vadd.f32 v17, v0;
	v16 =	vmul.f32 v21, v16;
	v13 =	vld.idx.msk [tilespmem:v13+s9+$0x0], $0xffff  }
0x227: {  	v17 =	vld [tilespmem:$0xDF0]  }
0x228: {  	v0 =	vadd.f32 v16, v0;
	v15 =	vmul.f32 v19, v15;
	v12 =	vld.idx.msk [tilespmem:v12+s9+$0x0], $0xffff  }
0x229: {  	v16 =	vld [tilespmem:$0xE30]  }
0x22a: {  	v0 =	vadd.f32 v15, v0;
	v14 =	vmul.f32 v18, v14;
	v11 =	vld.idx.msk [tilespmem:v11+s9+$0x0], $0xffff  }
0x22b: {  	v15 =	vld [tilespmem:$0xE70]  }
0x22c: {  	v0 =	vadd.f32 v14, v0;
	v13 =	vmul.f32 v17, v13;
	v10 =	vld.idx.msk [tilespmem:v10+s9+$0x0], $0xffff  }
0x22d: {  	v14 =	vld [tilespmem:$0xEB0]  }
0x22e: {  	v0 =	vadd.f32 v13, v0;
	v12 =	vmul.f32 v16, v12;
	v9 =	vld.idx.msk [tilespmem:v9+s9+$0x0], $0xffff  }
0x22f: {  	v13 =	vld [tilespmem:$0xEF0]  }
0x230: {  	v0 =	vadd.f32 v12, v0;
	v11 =	vmul.f32 v15, v11;
	v8 =	vld.idx.msk [tilespmem:v8+s9+$0x0], $0xffff  }
0x231: {  	v12 =	vld [tilespmem:$0xF30]  }
0x232: {  	v0 =	vadd.f32 v11, v0;
	v10 =	vmul.f32 v14, v10;
	v7 =	vld.idx.msk [tilespmem:v7+s9+$0x0], $0xffff  }
0x233: {  	v11 =	vld [tilespmem:$0xF70]  }
0x234: {  	v0 =	vadd.f32 v10, v0;
	v9 =	vmul.f32 v13, v9;
	v6 =	vld.idx.msk [tilespmem:v6+s9+$0x0], $0xffff  }
0x235: {  	v10 =	vld [tilespmem:$0xFB0]  }
0x236: {  	v0 =	vadd.f32 v9, v0;
	v8 =	vmul.f32 v12, v8;
	v5 =	vld.idx.msk [tilespmem:v5+s9+$0x0], $0xffff  }
0x237: {  	v9 =	vld [tilespmem:$0xFF0]  }
0x238: {  	v0 =	vadd.f32 v8, v0;
	v7 =	vmul.f32 v11, v7;
	v4 =	vld.idx.msk [tilespmem:v4+s9+$0x0], $0xffff  }
0x239: {  	v8 =	vld [tilespmem:$0x1030]  }
0x23a: {  	v0 =	vadd.f32 v7, v0;
	v6 =	vmul.f32 v10, v6;
	v3 =	vld.idx.msk [tilespmem:v3+s9+$0x0], $0xffff  }
0x23b: {  	v7 =	vld [tilespmem:$0x1070]  }
0x23c: {  	v0 =	vadd.f32 v6, v0;
	v5 =	vmul.f32 v9, v5;
	v2 =	vld.idx.msk [tilespmem:v2+s9+$0x0], $0xffff  }
0x23d: {  	v6 =	vld [tilespmem:$0x10B0]  }
0x23e: {  	v0 =	vadd.f32 v5, v0;
	v4 =	vmul.f32 v8, v4;
	v1 =	vld.idx.msk [tilespmem:v1+s9+$0x0], $0xffff  }
0x23f: {  	v5 =	vld [tilespmem:$0x10F0]  }
0x240: {  	v0 =	vadd.f32 v4, v0;
	v3 =	vmul.f32 v7, v3;
	_ =	sdelay $0x1  }
0x241: {  	v0 =	vadd.f32 v3, v0;
	v2 =	vmul.f32 v6, v2  }
0x242: {  	s24 =	sadd.s32 $0x1, s19;
	s19 =	smov.u32 s22  }
0x243: {  	v0 =	vadd.f32 v2, v0;
	v1 =	vmul.f32 v5, v1;
	v2 =	vmov s24  }
0x244: {  	v2 =	vmul.u32 $0x18, v2  }
0x245: {  	v1 =	vadd.f32 v1, v0  }
0x246: {  	v0 =	vbroadcast v2, $0x0  }
0x247: {  	s22 =	sshrl.u32 s20, $0x2;
	s20 =	smov.u32 s23;
	[tilespmem:s17+$0xFFFFFFF0] =	vst v1  }
0x248: {  	[tilespmem:s11], [sflag:$0x1] =	stream.indirect.gather [hbm4b:s2+s10], $0x40, s22, s10, $0xb8;
	[tilespmem:$0x2600] =	vst v63  }
0x249: {  	v3 =	vor.u32 $0x1, v0;
	_ =	swait.ge [sflag:s14], $0x500  }
0x24a: {  	[sflag:s14] =	ssyncset.done $0x0  }
0x24b: {  	v6 =	vor.u32 $0x2, v0;
	[sflag:s14] =	ssyncadd.s32 $0xFFFFFB00  }
0x24c: {  	v2 =	vld.idx.msk [tilespmem:v0+s9+$0x0], $0xffff  }
0x24d: {  	v7 =	vor.u32 $0x3, v0;
	v5 =	vld [tilespmem:$0x1100]  }
0x24e: {  	v8 =	vld.idx.msk [tilespmem:v3+s9+$0x0], $0xffff  }
0x24f: {  	v4 =	vor.u32 $0x4, v0;
	v9 =	vld [tilespmem:$0x1140]  }
0x250: {  	v10 =	vld.idx.msk [tilespmem:v6+s9+$0x0], $0xffff  }
0x251: {  	v1 =	vor.u32 $0x5, v0;
	v11 =	vld [tilespmem:$0x1180]  }
0x252: {  	v5 =	vmul.f32 v5, v2;
	v12 =	vld.idx.msk [tilespmem:v7+s9+$0x0], $0xffff  }
0x253: {  	v2 =	vor.u32 $0x6, v0;
	v13 =	vld [tilespmem:$0x11C0]  }
0x254: {  	v14 =	vadd.f32 $0.0e+00, v5;
	v8 =	vmul.f32 v9, v8;
	v15 =	vld.idx.msk [tilespmem:v4+s9+$0x0], $0xffff  }
0x255: {  	v5 =	vor.u32 $0x7, v0;
	v16 =	vld [tilespmem:$0x1200]  }
0x256: {  	v9 =	vadd.f32 v8, v14;
	v10 =	vmul.f32 v11, v10;
	v11 =	vld.idx.msk [tilespmem:v1+s9+$0x0], $0xffff  }
0x257: {  	v8 =	vadd.s32 $0x8, v0;
	v14 =	vld [tilespmem:$0x1240]  }
0x258: {  	v10 =	vadd.f32 v10, v9;
	v12 =	vmul.f32 v13, v12;
	v13 =	vld.idx.msk [tilespmem:v2+s9+$0x0], $0xffff  }
0x259: {  	v9 =	vadd.s32 $0x9, v0;
	v17 =	vld [tilespmem:$0x1280]  }
0x25a: {  	v12 =	vadd.f32 v12, v10;
	v15 =	vmul.f32 v16, v15;
	v16 =	vld.idx.msk [tilespmem:v5+s9+$0x0], $0xffff  }
0x25b: {  	v10 =	vadd.s32 $0xA, v0;
	v18 =	vld [tilespmem:$0x12C0]  }
0x25c: {  	v12 =	vadd.f32 v15, v12;
	v14 =	vmul.f32 v14, v11;
	v15 =	vld.idx.msk [tilespmem:v8+s9+$0x0], $0xffff  }
0x25d: {  	v11 =	vadd.s32 $0xB, v0;
	v19 =	vld [tilespmem:$0x1300]  }
0x25e: {  	v14 =	vadd.f32 v14, v12;
	v13 =	vmul.f32 v17, v13;
	v17 =	vld.idx.msk [tilespmem:v9+s9+$0x0], $0xffff  }
0x25f: {  	v12 =	vadd.s32 $0xC, v0;
	v20 =	vld [tilespmem:$0x1340]  }
0x260: {  	v14 =	vadd.f32 v13, v14;
	v16 =	vmul.f32 v18, v16;
	v18 =	vld.idx.msk [tilespmem:v10+s9+$0x0], $0xffff  }
0x261: {  	v13 =	vadd.s32 $0xD, v0;
	v21 =	vld [tilespmem:$0x1380]  }
0x262: {  	v16 =	vadd.f32 v16, v14;
	v15 =	vmul.f32 v19, v15;
	v19 =	vld.idx.msk [tilespmem:v11+s9+$0x0], $0xffff  }
0x263: {  	v14 =	vadd.s32 $0xE, v0;
	v22 =	vld [tilespmem:$0x13C0]  }
0x264: {  	v16 =	vadd.f32 v15, v16;
	v17 =	vmul.f32 v20, v17;
	v20 =	vld.idx.msk [tilespmem:v12+s9+$0x0], $0xffff  }
0x265: {  	v15 =	vadd.s32 $0xF, v0;
	v23 =	vld [tilespmem:$0x1400]  }
0x266: {  	v17 =	vadd.f32 v17, v16;
	v18 =	vmul.f32 v21, v18;
	v21 =	vld.idx.msk [tilespmem:v13+s9+$0x0], $0xffff  }
0x267: {  	v16 =	vadd.s32 $0x10, v0;
	v24 =	vld [tilespmem:$0x1440]  }
0x268: {  	v18 =	vadd.f32 v18, v17;
	v19 =	vmul.f32 v22, v19;
	v22 =	vld.idx.msk [tilespmem:v14+s9+$0x0], $0xffff  }
0x269: {  	v17 =	vadd.s32 $0x11, v0;
	v25 =	vld [tilespmem:$0x1480]  }
0x26a: {  	v19 =	vadd.f32 v19, v18;
	v20 =	vmul.f32 v23, v20;
	v23 =	vld.idx.msk [tilespmem:v15+s9+$0x0], $0xffff  }
0x26b: {  	v18 =	vadd.s32 $0x12, v0;
	v26 =	vld [tilespmem:$0x14C0]  }
0x26c: {  	v20 =	vadd.f32 v20, v19;
	v21 =	vmul.f32 v24, v21;
	v24 =	vld.idx.msk [tilespmem:v16+s9+$0x0], $0xffff  }
0x26d: {  	v19 =	vadd.s32 $0x13, v0;
	v27 =	vld [tilespmem:$0x1500]  }
0x26e: {  	v20 =	vadd.f32 v21, v20;
	v21 =	vmul.f32 v25, v22;
	v22 =	vld.idx.msk [tilespmem:v17+s9+$0x0], $0xffff  }
0x26f: {  	v25 =	vld [tilespmem:$0x1540]  }
0x270: {  	v20 =	vadd.f32 v21, v20;
	v21 =	vmul.f32 v26, v23;
	v23 =	vld.idx.msk [tilespmem:v18+s9+$0x0], $0xffff  }
0x271: {  	v26 =	vld [tilespmem:$0x1580]  }
0x272: {  	v20 =	vadd.f32 v21, v20;
	v21 =	vmul.f32 v27, v24;
	v24 =	vld.idx.msk [tilespmem:v19+s9+$0x0], $0xffff  }
0x273: {  	v27 =	vld [tilespmem:$0x15C0]  }
0x274: {  	v20 =	vadd.f32 v21, v20;
	v21 =	vmul.f32 v25, v22;
	_ =	sdelay $0x1  }
0x275: {  	v20 =	vadd.f32 v21, v20;
	v21 =	vmul.f32 v26, v23;
	_ =	sdelay $0x1  }
0x276: {  	v20 =	vadd.f32 v21, v20;
	v21 =	vmul.f32 v27, v24;
	_ =	sdelay $0x1  }
0x277: {  	v20 =	vadd.f32 v21, v20;
	_ =	sdelay $0x1  }
0x278: {  	[tilespmem:s17+$0x0] =	vst v20  }
0x279: {  	v20 =	vld.idx.msk [tilespmem:v0+s9+$0x0], $0xffff  }
0x27a: {  	v21 =	vld [tilespmem:$0x1110]  }
0x27b: {  	v22 =	vld.idx.msk [tilespmem:v3+s9+$0x0], $0xffff  }
0x27c: {  	v23 =	vld [tilespmem:$0x1150]  }
0x27d: {  	v24 =	vld.idx.msk [tilespmem:v6+s9+$0x0], $0xffff  }
0x27e: {  	v25 =	vld [tilespmem:$0x1190]  }
0x27f: {  	v20 =	vmul.f32 v21, v20;
	v21 =	vld.idx.msk [tilespmem:v7+s9+$0x0], $0xffff  }
0x280: {  	v26 =	vld [tilespmem:$0x11D0]  }
0x281: {  	v20 =	vadd.f32 $0.0e+00, v20;
	v22 =	vmul.f32 v23, v22;
	v23 =	vld.idx.msk [tilespmem:v4+s9+$0x0], $0xffff  }
0x282: {  	v27 =	vld [tilespmem:$0x1210]  }
0x283: {  	v20 =	vadd.f32 v22, v20;
	v22 =	vmul.f32 v25, v24;
	v24 =	vld.idx.msk [tilespmem:v1+s9+$0x0], $0xffff  }
0x284: {  	v25 =	vld [tilespmem:$0x1250]  }
0x285: {  	v20 =	vadd.f32 v22, v20;
	v21 =	vmul.f32 v26, v21;
	v22 =	vld.idx.msk [tilespmem:v2+s9+$0x0], $0xffff  }
0x286: {  	v26 =	vld [tilespmem:$0x1290]  }
0x287: {  	v20 =	vadd.f32 v21, v20;
	v21 =	vmul.f32 v27, v23;
	v23 =	vld.idx.msk [tilespmem:v5+s9+$0x0], $0xffff  }
0x288: {  	v27 =	vld [tilespmem:$0x12D0]  }
0x289: {  	v20 =	vadd.f32 v21, v20;
	v21 =	vmul.f32 v25, v24;
	v24 =	vld.idx.msk [tilespmem:v8+s9+$0x0], $0xffff  }
0x28a: {  	v25 =	vld [tilespmem:$0x1310]  }
0x28b: {  	v20 =	vadd.f32 v21, v20;
	v21 =	vmul.f32 v26, v22;
	v22 =	vld.idx.msk [tilespmem:v9+s9+$0x0], $0xffff  }
0x28c: {  	v26 =	vld [tilespmem:$0x1350]  }
0x28d: {  	v20 =	vadd.f32 v21, v20;
	v21 =	vmul.f32 v27, v23;
	v23 =	vld.idx.msk [tilespmem:v10+s9+$0x0], $0xffff  }
0x28e: {  	v27 =	vld [tilespmem:$0x1390]  }
0x28f: {  	v20 =	vadd.f32 v21, v20;
	v21 =	vmul.f32 v25, v24;
	v24 =	vld.idx.msk [tilespmem:v11+s9+$0x0], $0xffff  }
0x290: {  	v25 =	vld [tilespmem:$0x13D0]  }
0x291: {  	v20 =	vadd.f32 v21, v20;
	v21 =	vmul.f32 v26, v22;
	v22 =	vld.idx.msk [tilespmem:v12+s9+$0x0], $0xffff  }
0x292: {  	v26 =	vld [tilespmem:$0x1410]  }
0x293: {  	v20 =	vadd.f32 v21, v20;
	v21 =	vmul.f32 v27, v23;
	v23 =	vld.idx.msk [tilespmem:v13+s9+$0x0], $0xffff  }
0x294: {  	v27 =	vld [tilespmem:$0x1450]  }
0x295: {  	v20 =	vadd.f32 v21, v20;
	v21 =	vmul.f32 v25, v24;
	v24 =	vld.idx.msk [tilespmem:v14+s9+$0x0], $0xffff  }
0x296: {  	v25 =	vld [tilespmem:$0x1490]  }
0x297: {  	v20 =	vadd.f32 v21, v20;
	v21 =	vmul.f32 v26, v22;
	v22 =	vld.idx.msk [tilespmem:v15+s9+$0x0], $0xffff  }
0x298: {  	v26 =	vld [tilespmem:$0x14D0]  }
0x299: {  	v20 =	vadd.f32 v21, v20;
	v21 =	vmul.f32 v27, v23;
	v23 =	vld.idx.msk [tilespmem:v16+s9+$0x0], $0xffff  }
0x29a: {  	v27 =	vld [tilespmem:$0x1510]  }
0x29b: {  	v20 =	vadd.f32 v21, v20;
	v21 =	vmul.f32 v25, v24;
	v24 =	vld.idx.msk [tilespmem:v17+s9+$0x0], $0xffff  }
0x29c: {  	v25 =	vld [tilespmem:$0x1550]  }
0x29d: {  	v20 =	vadd.f32 v21, v20;
	v21 =	vmul.f32 v26, v22;
	v22 =	vld.idx.msk [tilespmem:v18+s9+$0x0], $0xffff  }
0x29e: {  	v26 =	vld [tilespmem:$0x1590]  }
0x29f: {  	v20 =	vadd.f32 v21, v20;
	v21 =	vmul.f32 v27, v23;
	v23 =	vld.idx.msk [tilespmem:v19+s9+$0x0], $0xffff  }
0x2a0: {  	v27 =	vld [tilespmem:$0x15D0]  }
0x2a1: {  	v20 =	vadd.f32 v21, v20;
	v21 =	vmul.f32 v25, v24;
	_ =	sdelay $0x1  }
0x2a2: {  	v20 =	vadd.f32 v21, v20;
	v21 =	vmul.f32 v26, v22;
	_ =	sdelay $0x1  }
0x2a3: {  	v20 =	vadd.f32 v21, v20;
	v21 =	vmul.f32 v27, v23;
	_ =	sdelay $0x1  }
0x2a4: {  	v20 =	vadd.f32 v21, v20;
	_ =	sdelay $0x1  }
0x2a5: {  	[tilespmem:s17+$0x10] =	vst v20  }
0x2a6: {  	v20 =	vld.idx.msk [tilespmem:v0+s9+$0x0], $0xffff  }
0x2a7: {  	v21 =	vld [tilespmem:$0x1120]  }
0x2a8: {  	v22 =	vld.idx.msk [tilespmem:v3+s9+$0x0], $0xffff  }
0x2a9: {  	v23 =	vld [tilespmem:$0x1160]  }
0x2aa: {  	v24 =	vld.idx.msk [tilespmem:v6+s9+$0x0], $0xffff  }
0x2ab: {  	v25 =	vld [tilespmem:$0x11A0]  }
0x2ac: {  	v20 =	vmul.f32 v21, v20;
	v21 =	vld.idx.msk [tilespmem:v7+s9+$0x0], $0xffff  }
0x2ad: {  	v26 =	vld [tilespmem:$0x11E0]  }
0x2ae: {  	v20 =	vadd.f32 $0.0e+00, v20;
	v22 =	vmul.f32 v23, v22;
	v23 =	vld.idx.msk [tilespmem:v4+s9+$0x0], $0xffff  }
0x2af: {  	v27 =	vld [tilespmem:$0x1220]  }
0x2b0: {  	v20 =	vadd.f32 v22, v20;
	v22 =	vmul.f32 v25, v24;
	v24 =	vld.idx.msk [tilespmem:v1+s9+$0x0], $0xffff  }
0x2b1: {  	v25 =	vld [tilespmem:$0x1260]  }
0x2b2: {  	v20 =	vadd.f32 v22, v20;
	v21 =	vmul.f32 v26, v21;
	v22 =	vld.idx.msk [tilespmem:v2+s9+$0x0], $0xffff  }
0x2b3: {  	v26 =	vld [tilespmem:$0x12A0]  }
0x2b4: {  	v20 =	vadd.f32 v21, v20;
	v21 =	vmul.f32 v27, v23;
	v23 =	vld.idx.msk [tilespmem:v5+s9+$0x0], $0xffff  }
0x2b5: {  	v27 =	vld [tilespmem:$0x12E0]  }
0x2b6: {  	v20 =	vadd.f32 v21, v20;
	v21 =	vmul.f32 v25, v24;
	v24 =	vld.idx.msk [tilespmem:v8+s9+$0x0], $0xffff  }
0x2b7: {  	v25 =	vld [tilespmem:$0x1320]  }
0x2b8: {  	v20 =	vadd.f32 v21, v20;
	v21 =	vmul.f32 v26, v22;
	v22 =	vld.idx.msk [tilespmem:v9+s9+$0x0], $0xffff  }
0x2b9: {  	v26 =	vld [tilespmem:$0x1360]  }
0x2ba: {  	v20 =	vadd.f32 v21, v20;
	v21 =	vmul.f32 v27, v23;
	v23 =	vld.idx.msk [tilespmem:v10+s9+$0x0], $0xffff  }
0x2bb: {  	v27 =	vld [tilespmem:$0x13A0]  }
0x2bc: {  	v20 =	vadd.f32 v21, v20;
	v21 =	vmul.f32 v25, v24;
	v24 =	vld.idx.msk [tilespmem:v11+s9+$0x0], $0xffff  }
0x2bd: {  	v25 =	vld [tilespmem:$0x13E0]  }
0x2be: {  	v20 =	vadd.f32 v21, v20;
	v21 =	vmul.f32 v26, v22;
	v22 =	vld.idx.msk [tilespmem:v12+s9+$0x0], $0xffff  }
0x2bf: {  	v26 =	vld [tilespmem:$0x1420]  }
0x2c0: {  	v20 =	vadd.f32 v21, v20;
	v21 =	vmul.f32 v27, v23;
	v23 =	vld.idx.msk [tilespmem:v13+s9+$0x0], $0xffff  }
0x2c1: {  	v27 =	vld [tilespmem:$0x1460]  }
0x2c2: {  	v20 =	vadd.f32 v21, v20;
	v21 =	vmul.f32 v25, v24;
	v24 =	vld.idx.msk [tilespmem:v14+s9+$0x0], $0xffff  }
0x2c3: {  	v25 =	vld [tilespmem:$0x14A0]  }
0x2c4: {  	v20 =	vadd.f32 v21, v20;
	v21 =	vmul.f32 v26, v22;
	v22 =	vld.idx.msk [tilespmem:v15+s9+$0x0], $0xffff  }
0x2c5: {  	v26 =	vld [tilespmem:$0x14E0]  }
0x2c6: {  	v20 =	vadd.f32 v21, v20;
	v21 =	vmul.f32 v27, v23;
	v23 =	vld.idx.msk [tilespmem:v16+s9+$0x0], $0xffff  }
0x2c7: {  	v27 =	vld [tilespmem:$0x1520]  }
0x2c8: {  	v20 =	vadd.f32 v21, v20;
	v21 =	vmul.f32 v25, v24;
	v24 =	vld.idx.msk [tilespmem:v17+s9+$0x0], $0xffff  }
0x2c9: {  	v25 =	vld [tilespmem:$0x1560]  }
0x2ca: {  	v20 =	vadd.f32 v21, v20;
	v21 =	vmul.f32 v26, v22;
	v22 =	vld.idx.msk [tilespmem:v18+s9+$0x0], $0xffff  }
0x2cb: {  	v26 =	vld [tilespmem:$0x15A0]  }
0x2cc: {  	v20 =	vadd.f32 v21, v20;
	v21 =	vmul.f32 v27, v23;
	v23 =	vld.idx.msk [tilespmem:v19+s9+$0x0], $0xffff  }
0x2cd: {  	v27 =	vld [tilespmem:$0x15E0]  }
0x2ce: {  	v20 =	vadd.f32 v21, v20;
	v21 =	vmul.f32 v25, v24;
	_ =	sdelay $0x1  }
0x2cf: {  	v20 =	vadd.f32 v21, v20;
	v21 =	vmul.f32 v26, v22;
	_ =	sdelay $0x1  }
0x2d0: {  	v20 =	vadd.f32 v21, v20;
	v21 =	vmul.f32 v27, v23;
	_ =	sdelay $0x1  }
0x2d1: {  	v20 =	vadd.f32 v21, v20;
	_ =	sdelay $0x1  }
0x2d2: {  	[tilespmem:s17+$0x20] =	vst v20  }
0x2d3: {  	v0 =	vld.idx.msk [tilespmem:v0+s9+$0x0], $0xffff  }
0x2d4: {  	v20 =	vld [tilespmem:$0x1130]  }
0x2d5: {  	v3 =	vld.idx.msk [tilespmem:v3+s9+$0x0], $0xffff  }
0x2d6: {  	v21 =	vld [tilespmem:$0x1170]  }
0x2d7: {  	v6 =	vld.idx.msk [tilespmem:v6+s9+$0x0], $0xffff  }
0x2d8: {  	v22 =	vld [tilespmem:$0x11B0]  }
0x2d9: {  	v0 =	vmul.f32 v20, v0;
	v7 =	vld.idx.msk [tilespmem:v7+s9+$0x0], $0xffff  }
0x2da: {  	v20 =	vld [tilespmem:$0x11F0]  }
0x2db: {  	v0 =	vadd.f32 $0.0e+00, v0;
	v3 =	vmul.f32 v21, v3;
	v4 =	vld.idx.msk [tilespmem:v4+s9+$0x0], $0xffff  }
0x2dc: {  	v21 =	vld [tilespmem:$0x1230]  }
0x2dd: {  	v0 =	vadd.f32 v3, v0;
	v3 =	vmul.f32 v22, v6;
	v1 =	vld.idx.msk [tilespmem:v1+s9+$0x0], $0xffff  }
0x2de: {  	v6 =	vld [tilespmem:$0x1270]  }
0x2df: {  	v0 =	vadd.f32 v3, v0;
	v3 =	vmul.f32 v20, v7;
	v2 =	vld.idx.msk [tilespmem:v2+s9+$0x0], $0xffff  }
0x2e0: {  	v7 =	vld [tilespmem:$0x12B0]  }
0x2e1: {  	v0 =	vadd.f32 v3, v0;
	v3 =	vmul.f32 v21, v4;
	v4 =	vld.idx.msk [tilespmem:v5+s9+$0x0], $0xffff  }
0x2e2: {  	v5 =	vld [tilespmem:$0x12F0]  }
0x2e3: {  	v0 =	vadd.f32 v3, v0;
	v1 =	vmul.f32 v6, v1;
	v3 =	vld.idx.msk [tilespmem:v8+s9+$0x0], $0xffff  }
0x2e4: {  	v6 =	vld [tilespmem:$0x1330]  }
0x2e5: {  	v0 =	vadd.f32 v1, v0;
	v1 =	vmul.f32 v7, v2;
	v2 =	vld.idx.msk [tilespmem:v9+s9+$0x0], $0xffff  }
0x2e6: {  	v7 =	vld [tilespmem:$0x1370]  }
0x2e7: {  	v0 =	vadd.f32 v1, v0;
	v1 =	vmul.f32 v5, v4;
	v4 =	vld.idx.msk [tilespmem:v10+s9+$0x0], $0xffff  }
0x2e8: {  	v5 =	vld [tilespmem:$0x13B0]  }
0x2e9: {  	v0 =	vadd.f32 v1, v0;
	v1 =	vmul.f32 v6, v3;
	v3 =	vld.idx.msk [tilespmem:v11+s9+$0x0], $0xffff  }
0x2ea: {  	v6 =	vld [tilespmem:$0x13F0]  }
0x2eb: {  	v0 =	vadd.f32 v1, v0;
	v1 =	vmul.f32 v7, v2;
	v2 =	vld.idx.msk [tilespmem:v12+s9+$0x0], $0xffff  }
0x2ec: {  	v7 =	vld [tilespmem:$0x1430]  }
0x2ed: {  	v0 =	vadd.f32 v1, v0;
	v1 =	vmul.f32 v5, v4;
	v4 =	vld.idx.msk [tilespmem:v13+s9+$0x0], $0xffff  }
0x2ee: {  	v5 =	vld [tilespmem:$0x1470]  }
0x2ef: {  	v0 =	vadd.f32 v1, v0;
	v1 =	vmul.f32 v6, v3;
	v3 =	vld.idx.msk [tilespmem:v14+s9+$0x0], $0xffff  }
0x2f0: {  	v6 =	vld [tilespmem:$0x14B0]  }
0x2f1: {  	v0 =	vadd.f32 v1, v0;
	v1 =	vmul.f32 v7, v2;
	v2 =	vld.idx.msk [tilespmem:v15+s9+$0x0], $0xffff  }
0x2f2: {  	v7 =	vld [tilespmem:$0x14F0]  }
0x2f3: {  	v0 =	vadd.f32 v1, v0;
	v1 =	vmul.f32 v5, v4;
	v4 =	vld.idx.msk [tilespmem:v16+s9+$0x0], $0xffff  }
0x2f4: {  	v5 =	vld [tilespmem:$0x1530]  }
0x2f5: {  	v0 =	vadd.f32 v1, v0;
	v1 =	vmul.f32 v6, v3;
	v3 =	vld.idx.msk [tilespmem:v17+s9+$0x0], $0xffff  }
0x2f6: {  	v6 =	vld [tilespmem:$0x1570]  }
0x2f7: {  	v0 =	vadd.f32 v1, v0;
	v1 =	vmul.f32 v7, v2;
	v2 =	vld.idx.msk [tilespmem:v18+s9+$0x0], $0xffff  }
0x2f8: {  	v7 =	vld [tilespmem:$0x15B0]  }
0x2f9: {  	v0 =	vadd.f32 v1, v0;
	v1 =	vmul.f32 v5, v4;
	v4 =	vld.idx.msk [tilespmem:v19+s9+$0x0], $0xffff  }
0x2fa: {  	v5 =	vld [tilespmem:$0x15F0]  }
0x2fb: {  	v0 =	vadd.f32 v1, v0;
	v1 =	vmul.f32 v6, v3;
	_ =	sdelay $0x1  }
0x2fc: {  	v0 =	vadd.f32 v1, v0;
	v1 =	vmul.f32 v7, v2  }
.Ltmp0:
0x2fd: {  	(pc) =	sbr.rel @p0 .LBB2_2-.Ltmp0, $4  }
0x2fe: {  	v2 =	vmov s19;
	v0 =	vadd.f32 v1, v0;
	v1 =	vmul.f32 v5, v4  }
0x2ff: {  	v2 =	vmul.u32 $0x18, v2  }
0x300: {  	v1 =	vadd.f32 v1, v0  }
0x301: {  	s23 =	smov.u32 s21;
	v0 =	vbroadcast v2, $0x0  }
0x302: {  	[tilespmem:s17+$0x30] =	vst v1;
	s18 =	sadd.s32 $0x30, s18  }
0x303: {  	[tilespmem:s12], [sflag:$0x2] =	stream.indirect.gather [hbm4b:s2+s10], $0x40, s18, s10, $0xb8;
	[tilespmem:$0x2600] =	vst v63  }
0x304: {  	_ =	swait.ge [sflag:s13], $0x500  }
0x305: {  	v3 =	vor.u32 $0x1, v0;
	[sflag:s13] =	ssyncset.done $0x0  }
0x306: {  	[sflag:s13] =	ssyncadd.s32 $0xFFFFFB00  }
0x307: {  	v6 =	vor.u32 $0x2, v0;
	v2 =	vld.idx.msk [tilespmem:v0+s9+$0x0], $0xffff  }
0x308: {  	v5 =	vld [tilespmem:$0xC00]  }
0x309: {  	v7 =	vor.u32 $0x3, v0;
	v9 =	vld [tilespmem:$0xC40]  }
0x30a: {  	v8 =	vld.idx.msk [tilespmem:v3+s9+$0x0], $0xffff  }
0x30b: {  	v4 =	vor.u32 $0x4, v0;
	v11 =	vld [tilespmem:$0xC80]  }
0x30c: {  	v10 =	vld.idx.msk [tilespmem:v6+s9+$0x0], $0xffff  }
0x30d: {  	v1 =	vor.u32 $0x5, v0;
	v13 =	vld [tilespmem:$0xCC0];
	v5 =	vmul.f32 v5, v2  }
0x30e: {  	v12 =	vld.idx.msk [tilespmem:v7+s9+$0x0], $0xffff  }
0x30f: {  	v16 =	vld [tilespmem:$0xD00];
	v2 =	vor.u32 $0x6, v0;
	v8 =	vmul.f32 v9, v8;
	v14 =	vadd.f32 $0.0e+00, v5  }
0x310: {  	v15 =	vld.idx.msk [tilespmem:v4+s9+$0x0], $0xffff  }
0x311: {  	v43 =	vld [tilespmem:$0xD40];
	v10 =	vmul.f32 v11, v10;
	v5 =	vor.u32 $0x7, v0;
	v9 =	vadd.f32 v8, v14  }
0x312: {  	v42 =	vld.idx.msk [tilespmem:v1+s9+$0x0], $0xffff  }
0x313: {  	v17 =	vld [tilespmem:$0xD80];
	v12 =	vmul.f32 v13, v12;
	v8 =	vor.u32 $0x8, v0;
	v10 =	vadd.f32 v10, v9  }
0x314: {  	v44 =	vld.idx.msk [tilespmem:v2+s9+$0x0], $0xffff  }
0x315: {  	v18 =	vld [tilespmem:$0xDC0];
	v15 =	vmul.f32 v16, v15;
	v9 =	vor.u32 $0x9, v0;
	v12 =	vadd.f32 v12, v10  }
0x316: {  	v45 =	vld.idx.msk [tilespmem:v5+s9+$0x0], $0xffff  }
0x317: {  	v19 =	vld [tilespmem:$0xE00];
	v14 =	vmul.f32 v43, v42;
	v10 =	vor.u32 $0xA, v0;
	v12 =	vadd.f32 v15, v12  }
0x318: {  	v46 =	vld.idx.msk [tilespmem:v8+s9+$0x0], $0xffff  }
0x319: {  	v20 =	vld [tilespmem:$0xE40];
	v11 =	vor.u32 $0xB, v0;
	v13 =	vmul.f32 v17, v44;
	v14 =	vadd.f32 v14, v12  }
0x31a: {  	v47 =	vld.idx.msk [tilespmem:v9+s9+$0x0], $0xffff  }
0x31b: {  	v21 =	vld [tilespmem:$0xE80];
	v12 =	vor.u32 $0xC, v0;
	v16 =	vmul.f32 v18, v45;
	v14 =	vadd.f32 v13, v14  }
0x31c: {  	v48 =	vld.idx.msk [tilespmem:v10+s9+$0x0], $0xffff  }
0x31d: {  	v22 =	vld [tilespmem:$0xEC0];
	v13 =	vor.u32 $0xD, v0;
	v15 =	vmul.f32 v19, v46;
	v16 =	vadd.f32 v16, v14  }
0x31e: {  	v49 =	vld.idx.msk [tilespmem:v11+s9+$0x0], $0xffff  }
0x31f: {  	v23 =	vld [tilespmem:$0xF00];
	v14 =	vor.u32 $0xE, v0;
	v17 =	vmul.f32 v20, v47;
	v16 =	vadd.f32 v15, v16  }
0x320: {  	v50 =	vld.idx.msk [tilespmem:v12+s9+$0x0], $0xffff  }
0x321: {  	v24 =	vld [tilespmem:$0xF40];
	v15 =	vor.u32 $0xF, v0;
	v18 =	vmul.f32 v21, v48;
	v17 =	vadd.f32 v17, v16  }
0x322: {  	v51 =	vld.idx.msk [tilespmem:v13+s9+$0x0], $0xffff  }
0x323: {  	v25 =	vld [tilespmem:$0xF80];
	v19 =	vmul.f32 v22, v49;
	v16 =	vadd.s32 $0x10, v0;
	v18 =	vadd.f32 v18, v17  }
0x324: {  	v52 =	vld.idx.msk [tilespmem:v14+s9+$0x0], $0xffff  }
0x325: {  	v26 =	vld [tilespmem:$0xFC0];
	v17 =	vadd.s32 $0x11, v0;
	v20 =	vmul.f32 v23, v50;
	v19 =	vadd.f32 v19, v18  }
0x326: {  	v53 =	vld.idx.msk [tilespmem:v15+s9+$0x0], $0xffff  }
0x327: {  	v27 =	vld [tilespmem:$0x1000];
	v18 =	vadd.s32 $0x12, v0;
	v21 =	vmul.f32 v24, v51;
	v20 =	vadd.f32 v20, v19  }
0x328: {  	v54 =	vld.idx.msk [tilespmem:v16+s9+$0x0], $0xffff  }
0x329: {  	v57 =	vld [tilespmem:$0x1040];
	v19 =	vadd.s32 $0x13, v0;
	v55 =	vmul.f32 v25, v52;
	v20 =	vadd.f32 v21, v20  }
0x32a: {  	v56 =	vld.idx.msk [tilespmem:v17+s9+$0x0], $0xffff  }
0x32b: {  	v60 =	vld [tilespmem:$0x1080];
	v58 =	vmul.f32 v26, v53;
	v20 =	vadd.f32 v55, v20  }
0x32c: {  	v59 =	vld.idx.msk [tilespmem:v18+s9+$0x0], $0xffff  }
0x32d: {  	v63 =	vld [tilespmem:$0x10C0];
	v61 =	vmul.f32 v27, v54;
	v20 =	vadd.f32 v58, v20  }
0x32e: {  	v62 =	vld.idx.msk [tilespmem:v19+s9+$0x0], $0xffff  }
0x32f: {  	v25 =	vmul.f32 v57, v56;
	v20 =	vadd.f32 v61, v20;
	_ =	sdelay $0x1  }
0x330: {  	v26 =	vmul.f32 v60, v59;
	v20 =	vadd.f32 v25, v20;
	_ =	sdelay $0x1  }
0x331: {  	v28 =	vmul.f32 v63, v62;
	v20 =	vadd.f32 v26, v20;
	_ =	sdelay $0x1  }
0x332: {  	v20 =	vadd.f32 v28, v20  }
0x333: {  	s29 =	sadd.s32 $0x80, s17  }
0x334: {  	[tilespmem:s29+$0xFFFFFFC0] =	vst v20  }
0x335: {  	v20 =	vld.idx.msk [tilespmem:v0+s9+$0x0], $0xffff  }
0x336: {  	v29 =	vld [tilespmem:$0xC10]  }
0x337: {  	v30 =	vld.idx.msk [tilespmem:v3+s9+$0x0], $0xffff  }
0x338: {  	v31 =	vld [tilespmem:$0xC50]  }
0x339: {  	v32 =	vld.idx.msk [tilespmem:v6+s9+$0x0], $0xffff  }
0x33a: {  	v33 =	vld [tilespmem:$0xC90]  }
0x33b: {  	v34 =	vld.idx.msk [tilespmem:v7+s9+$0x0], $0xffff;
	v20 =	vmul.f32 v29, v20  }
0x33c: {  	v35 =	vld [tilespmem:$0xCD0]  }
0x33d: {  	v36 =	vld.idx.msk [tilespmem:v4+s9+$0x0], $0xffff;
	v22 =	vmul.f32 v31, v30;
	v20 =	vadd.f32 $0.0e+00, v20  }
0x33e: {  	v37 =	vld [tilespmem:$0xD10]  }
0x33f: {  	v39 =	vld.idx.msk [tilespmem:v1+s9+$0x0], $0xffff;
	v38 =	vmul.f32 v33, v32;
	v20 =	vadd.f32 v22, v20  }
0x340: {  	v40 =	vld [tilespmem:$0xD50]  }
0x341: {  	v41 =	vld.idx.msk [tilespmem:v2+s9+$0x0], $0xffff;
	v21 =	vmul.f32 v35, v34;
	v20 =	vadd.f32 v38, v20  }
0x342: {  	v42 =	vld [tilespmem:$0xD90]  }
0x343: {  	v44 =	vld.idx.msk [tilespmem:v5+s9+$0x0], $0xffff;
	v43 =	vmul.f32 v37, v36;
	v20 =	vadd.f32 v21, v20  }
0x344: {  	v45 =	vld [tilespmem:$0xDD0]  }
0x345: {  	v47 =	vld.idx.msk [tilespmem:v8+s9+$0x0], $0xffff;
	v46 =	vmul.f32 v40, v39;
	v20 =	vadd.f32 v43, v20  }
0x346: {  	v48 =	vld [tilespmem:$0xE10]  }
0x347: {  	v50 =	vld.idx.msk [tilespmem:v9+s9+$0x0], $0xffff;
	v49 =	vmul.f32 v42, v41;
	v20 =	vadd.f32 v46, v20  }
0x348: {  	v51 =	vld [tilespmem:$0xE50]  }
0x349: {  	v53 =	vld.idx.msk [tilespmem:v10+s9+$0x0], $0xffff;
	v52 =	vmul.f32 v45, v44;
	v20 =	vadd.f32 v49, v20  }
0x34a: {  	v54 =	vld [tilespmem:$0xE90]  }
0x34b: {  	v56 =	vld.idx.msk [tilespmem:v11+s9+$0x0], $0xffff;
	v55 =	vmul.f32 v48, v47;
	v20 =	vadd.f32 v52, v20  }
0x34c: {  	v57 =	vld [tilespmem:$0xED0]  }
0x34d: {  	v59 =	vld.idx.msk [tilespmem:v12+s9+$0x0], $0xffff;
	v58 =	vmul.f32 v51, v50;
	v20 =	vadd.f32 v55, v20  }
0x34e: {  	v60 =	vld [tilespmem:$0xF10]  }
0x34f: {  	v62 =	vld.idx.msk [tilespmem:v13+s9+$0x0], $0xffff;
	v61 =	vmul.f32 v54, v53;
	v20 =	vadd.f32 v58, v20  }
0x350: {  	v63 =	vld [tilespmem:$0xF50]  }
0x351: {  	v30 =	vmul.f32 v57, v56;
	v31 =	vld.idx.msk [tilespmem:v14+s9+$0x0], $0xffff;
	v20 =	vadd.f32 v61, v20  }
0x352: {  	v32 =	vld [tilespmem:$0xF90]  }
0x353: {  	v33 =	vmul.f32 v60, v59;
	v34 =	vld.idx.msk [tilespmem:v15+s9+$0x0], $0xffff;
	v20 =	vadd.f32 v30, v20  }
0x354: {  	v35 =	vld [tilespmem:$0xFD0]  }
0x355: {  	v36 =	vmul.f32 v63, v62;
	v37 =	vld.idx.msk [tilespmem:v16+s9+$0x0], $0xffff;
	v20 =	vadd.f32 v33, v20  }
0x356: {  	v38 =	vld [tilespmem:$0x1010]  }
0x357: {  	v40 =	vld.idx.msk [tilespmem:v17+s9+$0x0], $0xffff;
	v39 =	vmul.f32 v32, v31;
	v20 =	vadd.f32 v36, v20  }
0x358: {  	v41 =	vld [tilespmem:$0x1050]  }
0x359: {  	v44 =	vld [tilespmem:$0x1090];
	v42 =	vmul.f32 v35, v34;
	v20 =	vadd.f32 v39, v20  }
0x35a: {  	v43 =	vld.idx.msk [tilespmem:v18+s9+$0x0], $0xffff  }
0x35b: {  	v47 =	vld [tilespmem:$0x10D0];
	v45 =	vmul.f32 v38, v37;
	v20 =	vadd.f32 v42, v20  }
0x35c: {  	v46 =	vld.idx.msk [tilespmem:v19+s9+$0x0], $0xffff  }
0x35d: {  	v48 =	vmul.f32 v41, v40;
	v20 =	vadd.f32 v45, v20;
	_ =	sdelay $0x1  }
0x35e: {  	v49 =	vmul.f32 v44, v43;
	v20 =	vadd.f32 v48, v20;
	_ =	sdelay $0x1  }
0x35f: {  	v50 =	vmul.f32 v47, v46;
	v20 =	vadd.f32 v49, v20;
	_ =	sdelay $0x1  }
0x360: {  	v20 =	vadd.f32 v50, v20;
	_ =	sdelay $0x1  }
0x361: {  	[tilespmem:s29+$0xFFFFFFD0] =	vst v20  }
0x362: {  	v20 =	vld.idx.msk [tilespmem:v0+s9+$0x0], $0xffff  }
0x363: {  	v51 =	vld [tilespmem:$0xC20]  }
0x364: {  	v52 =	vld.idx.msk [tilespmem:v3+s9+$0x0], $0xffff  }
0x365: {  	v53 =	vld [tilespmem:$0xC60]  }
0x366: {  	v54 =	vld.idx.msk [tilespmem:v6+s9+$0x0], $0xffff  }
0x367: {  	v55 =	vld [tilespmem:$0xCA0]  }
0x368: {  	v56 =	vld.idx.msk [tilespmem:v7+s9+$0x0], $0xffff;
	v20 =	vmul.f32 v51, v20  }
0x369: {  	v57 =	vld [tilespmem:$0xCE0]  }
0x36a: {  	v58 =	vld.idx.msk [tilespmem:v4+s9+$0x0], $0xffff;
	v22 =	vmul.f32 v53, v52;
	v20 =	vadd.f32 $0.0e+00, v20  }
0x36b: {  	v59 =	vld [tilespmem:$0xD20]  }
0x36c: {  	v61 =	vld.idx.msk [tilespmem:v1+s9+$0x0], $0xffff;
	v60 =	vmul.f32 v55, v54;
	v20 =	vadd.f32 v22, v20  }
0x36d: {  	v62 =	vld [tilespmem:$0xD60]  }
0x36e: {  	v63 =	vld.idx.msk [tilespmem:v2+s9+$0x0], $0xffff;
	v21 =	vmul.f32 v57, v56;
	v20 =	vadd.f32 v60, v20  }
0x36f: {  	v30 =	vld [tilespmem:$0xDA0]  }
0x370: {  	v32 =	vld.idx.msk [tilespmem:v5+s9+$0x0], $0xffff;
	v31 =	vmul.f32 v59, v58;
	v20 =	vadd.f32 v21, v20  }
0x371: {  	v33 =	vld [tilespmem:$0xDE0]  }
0x372: {  	v35 =	vld.idx.msk [tilespmem:v8+s9+$0x0], $0xffff;
	v34 =	vmul.f32 v62, v61;
	v20 =	vadd.f32 v31, v20  }
0x373: {  	v36 =	vld [tilespmem:$0xE20]  }
0x374: {  	v38 =	vld.idx.msk [tilespmem:v9+s9+$0x0], $0xffff;
	v37 =	vmul.f32 v30, v63;
	v20 =	vadd.f32 v34, v20  }
0x375: {  	v39 =	vld [tilespmem:$0xE60]  }
0x376: {  	v41 =	vld.idx.msk [tilespmem:v10+s9+$0x0], $0xffff;
	v40 =	vmul.f32 v33, v32;
	v20 =	vadd.f32 v37, v20  }
0x377: {  	v42 =	vld [tilespmem:$0xEA0]  }
0x378: {  	v44 =	vld.idx.msk [tilespmem:v11+s9+$0x0], $0xffff;
	v43 =	vmul.f32 v36, v35;
	v20 =	vadd.f32 v40, v20  }
0x379: {  	v45 =	vld [tilespmem:$0xEE0]  }
0x37a: {  	v47 =	vld.idx.msk [tilespmem:v12+s9+$0x0], $0xffff;
	v46 =	vmul.f32 v39, v38;
	v20 =	vadd.f32 v43, v20  }
0x37b: {  	v48 =	vld [tilespmem:$0xF20]  }
0x37c: {  	v50 =	vld.idx.msk [tilespmem:v13+s9+$0x0], $0xffff;
	v49 =	vmul.f32 v42, v41;
	v20 =	vadd.f32 v46, v20  }
0x37d: {  	v51 =	vld [tilespmem:$0xF60]  }
0x37e: {  	v52 =	vmul.f32 v45, v44;
	v53 =	vld.idx.msk [tilespmem:v14+s9+$0x0], $0xffff;
	v20 =	vadd.f32 v49, v20  }
0x37f: {  	v54 =	vld [tilespmem:$0xFA0]  }
0x380: {  	v55 =	vmul.f32 v48, v47;
	v56 =	vld.idx.msk [tilespmem:v15+s9+$0x0], $0xffff;
	v20 =	vadd.f32 v52, v20  }
0x381: {  	v57 =	vld [tilespmem:$0xFE0]  }
0x382: {  	v59 =	vld.idx.msk [tilespmem:v16+s9+$0x0], $0xffff;
	v58 =	vmul.f32 v51, v50;
	v20 =	vadd.f32 v55, v20  }
0x383: {  	v60 =	vld [tilespmem:$0x1020]  }
0x384: {  	v62 =	vld.idx.msk [tilespmem:v17+s9+$0x0], $0xffff;
	v61 =	vmul.f32 v54, v53;
	v20 =	vadd.f32 v58, v20  }
0x385: {  	v63 =	vld [tilespmem:$0x1060]  }
0x386: {  	v30 =	vld.idx.msk [tilespmem:v18+s9+$0x0], $0xffff;
	v29 =	vmul.f32 v57, v56;
	v20 =	vadd.f32 v61, v20  }
0x387: {  	v31 =	vld [tilespmem:$0x10A0]  }
0x388: {  	v33 =	vld.idx.msk [tilespmem:v19+s9+$0x0], $0xffff;
	v32 =	vmul.f32 v60, v59;
	v20 =	vadd.f32 v29, v20  }
0x389: {  	v34 =	vld [tilespmem:$0x10E0]  }
0x38a: {  	v35 =	vmul.f32 v63, v62;
	v20 =	vadd.f32 v32, v20;
	_ =	sdelay $0x1  }
0x38b: {  	v36 =	vmul.f32 v31, v30;
	v20 =	vadd.f32 v35, v20;
	_ =	sdelay $0x1  }
0x38c: {  	v37 =	vmul.f32 v34, v33;
	v20 =	vadd.f32 v36, v20;
	_ =	sdelay $0x1  }
0x38d: {  	v20 =	vadd.f32 v37, v20;
	_ =	sdelay $0x1  }
0x38e: {  	[tilespmem:s29+$0xFFFFFFE0] =	vst v20  }
0x38f: {  	v38 =	vld.idx.msk [tilespmem:v0+s9+$0x0], $0xffff  }
0x390: {  	v20 =	vld [tilespmem:$0xC30]  }
0x391: {  	v3 =	vld.idx.msk [tilespmem:v3+s9+$0x0], $0xffff  }
0x392: {  	v39 =	vld [tilespmem:$0xC70]  }
0x393: {  	v6 =	vld.idx.msk [tilespmem:v6+s9+$0x0], $0xffff  }
0x394: {  	v40 =	vld [tilespmem:$0xCB0]  }
0x395: {  	v7 =	vld.idx.msk [tilespmem:v7+s9+$0x0], $0xffff;
	v0 =	vmul.f32 v20, v38  }
0x396: {  	v41 =	vld [tilespmem:$0xCF0]  }
0x397: {  	v4 =	vld.idx.msk [tilespmem:v4+s9+$0x0], $0xffff;
	v3 =	vmul.f32 v39, v3;
	v0 =	vadd.f32 $0.0e+00, v0  }
0x398: {  	v42 =	vld [tilespmem:$0xD30]  }
0x399: {  	v1 =	vld.idx.msk [tilespmem:v1+s9+$0x0], $0xffff;
	v43 =	vmul.f32 v40, v6;
	v0 =	vadd.f32 v3, v0  }
0x39a: {  	v44 =	vld [tilespmem:$0xD70]  }
0x39b: {  	v2 =	vld.idx.msk [tilespmem:v2+s9+$0x0], $0xffff;
	v45 =	vmul.f32 v41, v7;
	v0 =	vadd.f32 v43, v0  }
0x39c: {  	v46 =	vld [tilespmem:$0xDB0]  }
0x39d: {  	v48 =	vld.idx.msk [tilespmem:v5+s9+$0x0], $0xffff;
	v47 =	vmul.f32 v42, v4;
	v0 =	vadd.f32 v45, v0  }
0x39e: {  	v49 =	vld [tilespmem:$0xDF0]  }
0x39f: {  	v50 =	vld.idx.msk [tilespmem:v8+s9+$0x0], $0xffff;
	v1 =	vmul.f32 v44, v1;
	v0 =	vadd.f32 v47, v0  }
0x3a0: {  	v51 =	vld [tilespmem:$0xE30]  }
0x3a1: {  	v53 =	vld.idx.msk [tilespmem:v9+s9+$0x0], $0xffff;
	v52 =	vmul.f32 v46, v2;
	v0 =	vadd.f32 v1, v0  }
0x3a2: {  	v54 =	vld [tilespmem:$0xE70]  }
0x3a3: {  	v56 =	vld.idx.msk [tilespmem:v10+s9+$0x0], $0xffff;
	v55 =	vmul.f32 v49, v48;
	v0 =	vadd.f32 v52, v0  }
0x3a4: {  	v57 =	vld [tilespmem:$0xEB0]  }
0x3a5: {  	v59 =	vld.idx.msk [tilespmem:v11+s9+$0x0], $0xffff;
	v58 =	vmul.f32 v51, v50;
	v0 =	vadd.f32 v55, v0  }
0x3a6: {  	v60 =	vld [tilespmem:$0xEF0]  }
0x3a7: {  	v62 =	vld.idx.msk [tilespmem:v12+s9+$0x0], $0xffff;
	v61 =	vmul.f32 v54, v53;
	v0 =	vadd.f32 v58, v0  }
0x3a8: {  	v63 =	vld [tilespmem:$0xF30]  }
0x3a9: {  	v9 =	vld.idx.msk [tilespmem:v13+s9+$0x0], $0xffff;
	v8 =	vmul.f32 v57, v56;
	v0 =	vadd.f32 v61, v0  }
0x3aa: {  	v10 =	vld [tilespmem:$0xF70]  }
0x3ab: {  	v12 =	vld.idx.msk [tilespmem:v14+s9+$0x0], $0xffff;
	v11 =	vmul.f32 v60, v59;
	v0 =	vadd.f32 v8, v0  }
0x3ac: {  	v13 =	vld [tilespmem:$0xFB0]  }
0x3ad: {  	v21 =	vld [tilespmem:$0xFF0];
	v14 =	vmul.f32 v63, v62;
	v0 =	vadd.f32 v11, v0  }
0x3ae: {  	v20 =	vld.idx.msk [tilespmem:v15+s9+$0x0], $0xffff  }
0x3af: {  	v23 =	vld.idx.msk [tilespmem:v16+s9+$0x0], $0xffff;
	v22 =	vmul.f32 v10, v9;
	v0 =	vadd.f32 v14, v0  }
0x3b0: {  	v24 =	vld [tilespmem:$0x1030]  }
0x3b1: {  	v26 =	vld.idx.msk [tilespmem:v17+s9+$0x0], $0xffff;
	v25 =	vmul.f32 v13, v12;
	v0 =	vadd.f32 v22, v0  }
0x3b2: {  	v27 =	vld [tilespmem:$0x1070]  }
0x3b3: {  	v29 =	vld.idx.msk [tilespmem:v18+s9+$0x0], $0xffff;
	v28 =	vmul.f32 v21, v20;
	v0 =	vadd.f32 v25, v0  }
0x3b4: {  	v30 =	vld [tilespmem:$0x10B0]  }
0x3b5: {  	v32 =	vld.idx.msk [tilespmem:v19+s9+$0x0], $0xffff;
	v31 =	vmul.f32 v24, v23;
	v0 =	vadd.f32 v28, v0  }
0x3b6: {  	v33 =	vld [tilespmem:$0x10F0]  }
0x3b7: {  	v34 =	vmul.f32 v27, v26;
	v0 =	vadd.f32 v31, v0;
	_ =	sdelay $0x1  }
0x3b8: {  	v35 =	vmul.f32 v30, v29;
	v0 =	vadd.f32 v34, v0  }
0x3b9: {  	s30 =	sadd.s32 $0x1, s19  }
0x3ba: {  	v37 =	vmov s30;
	v36 =	vmul.f32 v33, v32;
	v0 =	vadd.f32 v35, v0  }
0x3bb: {  	v2 =	vmul.u32 $0x18, v37  }
0x3bc: {  	v1 =	vadd.f32 v36, v0  }
0x3bd: {  	v0 =	vbroadcast v2, $0x0  }
0x3be: {  	s31 =	sshrl.u32 s20, $0x2;
	[tilespmem:s29+$0xFFFFFFF0] =	vst v1  }
0x3bf: {  	[tilespmem:s11], [sflag:$0x1] =	stream.indirect.gather [hbm4b:s2+s10], $0x40, s31, s10, $0xb8;
	[tilespmem:$0x2600] =	vst v63  }
0x3c0: {  	v3 =	vor.u32 $0x1, v0;
	_ =	swait.ge [sflag:s14], $0x500  }
0x3c1: {  	[sflag:s14] =	ssyncset.done $0x0  }
0x3c2: {  	v6 =	vor.u32 $0x2, v0;
	[sflag:s14] =	ssyncadd.s32 $0xFFFFFB00  }
0x3c3: {  	v2 =	vld.idx.msk [tilespmem:v0+s9+$0x0], $0xffff  }
0x3c4: {  	v7 =	vor.u32 $0x3, v0;
	v38 =	vld [tilespmem:$0x1100]  }
0x3c5: {  	v39 =	vld.idx.msk [tilespmem:v3+s9+$0x0], $0xffff  }
0x3c6: {  	v4 =	vor.u32 $0x4, v0;
	v40 =	vld [tilespmem:$0x1140]  }
0x3c7: {  	v41 =	vld.idx.msk [tilespmem:v6+s9+$0x0], $0xffff  }
0x3c8: {  	v1 =	vor.u32 $0x5, v0;
	v42 =	vld [tilespmem:$0x1180]  }
0x3c9: {  	v43 =	vld.idx.msk [tilespmem:v7+s9+$0x0], $0xffff;
	v5 =	vmul.f32 v38, v2  }
0x3ca: {  	v44 =	vld [tilespmem:$0x11C0]  }
0x3cb: {  	v46 =	vld.idx.msk [tilespmem:v4+s9+$0x0], $0xffff;
	v2 =	vor.u32 $0x6, v0;
	v8 =	vmul.f32 v40, v39;
	v45 =	vadd.f32 $0.0e+00, v5  }
0x3cc: {  	v47 =	vld [tilespmem:$0x1200]  }
0x3cd: {  	v48 =	vld.idx.msk [tilespmem:v1+s9+$0x0], $0xffff;
	v10 =	vmul.f32 v42, v41;
	v5 =	vor.u32 $0x7, v0;
	v9 =	vadd.f32 v8, v45  }
0x3ce: {  	v49 =	vld [tilespmem:$0x1240]  }
0x3cf: {  	v51 =	vld [tilespmem:$0x1280];
	v12 =	vmul.f32 v44, v43;
	v8 =	vadd.s32 $0x8, v0;
	v10 =	vadd.f32 v10, v9  }
0x3d0: {  	v50 =	vld.idx.msk [tilespmem:v2+s9+$0x0], $0xffff  }
0x3d1: {  	v53 =	vld [tilespmem:$0x12C0];
	v15 =	vmul.f32 v47, v46;
	v9 =	vadd.s32 $0x9, v0;
	v12 =	vadd.f32 v12, v10  }
0x3d2: {  	v52 =	vld.idx.msk [tilespmem:v5+s9+$0x0], $0xffff  }
0x3d3: {  	v55 =	vld [tilespmem:$0x1300];
	v14 =	vmul.f32 v49, v48;
	v10 =	vadd.s32 $0xA, v0;
	v12 =	vadd.f32 v15, v12  }
0x3d4: {  	v11 =	vadd.s32 $0xB, v0;
	v54 =	vld.idx.msk [tilespmem:v8+s9+$0x0], $0xffff  }
0x3d5: {  	v57 =	vld [tilespmem:$0x1340];
	v13 =	vmul.f32 v51, v50;
	v14 =	vadd.f32 v14, v12  }
0x3d6: {  	v56 =	vld.idx.msk [tilespmem:v9+s9+$0x0], $0xffff  }
0x3d7: {  	v59 =	vld [tilespmem:$0x1380];
	v12 =	vadd.s32 $0xC, v0;
	v16 =	vmul.f32 v53, v52;
	v14 =	vadd.f32 v13, v14  }
0x3d8: {  	v58 =	vld.idx.msk [tilespmem:v10+s9+$0x0], $0xffff  }
0x3d9: {  	v60 =	vld.idx.msk [tilespmem:v11+s9+$0x0], $0xffff;
	v13 =	vadd.s32 $0xD, v0;
	v15 =	vmul.f32 v55, v54;
	v16 =	vadd.f32 v16, v14  }
0x3da: {  	v61 =	vld [tilespmem:$0x13C0]  }
0x3db: {  	v63 =	vld [tilespmem:$0x1400];
	v14 =	vadd.s32 $0xE, v0;
	v17 =	vmul.f32 v57, v56;
	v16 =	vadd.f32 v15, v16  }
0x3dc: {  	v62 =	vld.idx.msk [tilespmem:v12+s9+$0x0], $0xffff  }
0x3dd: {  	v29 =	vld [tilespmem:$0x1440];
	v15 =	vadd.s32 $0xF, v0;
	v18 =	vmul.f32 v59, v58;
	v17 =	vadd.f32 v17, v16  }
0x3de: {  	v28 =	vld.idx.msk [tilespmem:v13+s9+$0x0], $0xffff  }
0x3df: {  	v31 =	vld [tilespmem:$0x1480];
	v19 =	vmul.f32 v61, v60;
	v16 =	vadd.s32 $0x10, v0;
	v18 =	vadd.f32 v18, v17  }
0x3e0: {  	v30 =	vld.idx.msk [tilespmem:v14+s9+$0x0], $0xffff  }
0x3e1: {  	v33 =	vld [tilespmem:$0x14C0];
	v17 =	vadd.s32 $0x11, v0;
	v20 =	vmul.f32 v63, v62;
	v19 =	vadd.f32 v19, v18  }
0x3e2: {  	v32 =	vld.idx.msk [tilespmem:v15+s9+$0x0], $0xffff  }
0x3e3: {  	v35 =	vld [tilespmem:$0x1500];
	v18 =	vadd.s32 $0x12, v0;
	v21 =	vmul.f32 v29, v28;
	v20 =	vadd.f32 v20, v19  }
0x3e4: {  	v34 =	vld.idx.msk [tilespmem:v16+s9+$0x0], $0xffff  }
0x3e5: {  	v38 =	vld [tilespmem:$0x1540];
	v19 =	vadd.s32 $0x13, v0;
	v36 =	vmul.f32 v31, v30;
	v20 =	vadd.f32 v21, v20  }
0x3e6: {  	v37 =	vld.idx.msk [tilespmem:v17+s9+$0x0], $0xffff  }
0x3e7: {  	v41 =	vld [tilespmem:$0x1580];
	v39 =	vmul.f32 v33, v32;
	v20 =	vadd.f32 v36, v20  }
0x3e8: {  	v40 =	vld.idx.msk [tilespmem:v18+s9+$0x0], $0xffff  }
0x3e9: {  	v44 =	vld [tilespmem:$0x15C0];
	v42 =	vmul.f32 v35, v34;
	v20 =	vadd.f32 v39, v20  }
0x3ea: {  	v43 =	vld.idx.msk [tilespmem:v19+s9+$0x0], $0xffff  }
0x3eb: {  	v45 =	vmul.f32 v38, v37;
	v20 =	vadd.f32 v42, v20;
	_ =	sdelay $0x1  }
0x3ec: {  	v46 =	vmul.f32 v41, v40;
	v20 =	vadd.f32 v45, v20;
	_ =	sdelay $0x1  }
0x3ed: {  	v47 =	vmul.f32 v44, v43;
	v20 =	vadd.f32 v46, v20;
	_ =	sdelay $0x1  }
0x3ee: {  	v20 =	vadd.f32 v47, v20;
	_ =	sdelay $0x1  }
0x3ef: {  	[tilespmem:s29+$0x0] =	vst v20  }
0x3f0: {  	v20 =	vld.idx.msk [tilespmem:v0+s9+$0x0], $0xffff  }
0x3f1: {  	v48 =	vld [tilespmem:$0x1110]  }
0x3f2: {  	v49 =	vld.idx.msk [tilespmem:v3+s9+$0x0], $0xffff  }
0x3f3: {  	v50 =	vld [tilespmem:$0x1150]  }
0x3f4: {  	v51 =	vld.idx.msk [tilespmem:v6+s9+$0x0], $0xffff  }
0x3f5: {  	v52 =	vld [tilespmem:$0x1190]  }
0x3f6: {  	v53 =	vld.idx.msk [tilespmem:v7+s9+$0x0], $0xffff;
	v20 =	vmul.f32 v48, v20  }
0x3f7: {  	v54 =	vld [tilespmem:$0x11D0]  }
0x3f8: {  	v55 =	vld.idx.msk [tilespmem:v4+s9+$0x0], $0xffff;
	v22 =	vmul.f32 v50, v49;
	v20 =	vadd.f32 $0.0e+00, v20  }
0x3f9: {  	v56 =	vld [tilespmem:$0x1210]  }
0x3fa: {  	v58 =	vld.idx.msk [tilespmem:v1+s9+$0x0], $0xffff;
	v57 =	vmul.f32 v52, v51;
	v20 =	vadd.f32 v22, v20  }
0x3fb: {  	v59 =	vld [tilespmem:$0x1250]  }
0x3fc: {  	v60 =	vld.idx.msk [tilespmem:v2+s9+$0x0], $0xffff;
	v21 =	vmul.f32 v54, v53;
	v20 =	vadd.f32 v57, v20  }
0x3fd: {  	v61 =	vld [tilespmem:$0x1290]  }
0x3fe: {  	v63 =	vld.idx.msk [tilespmem:v5+s9+$0x0], $0xffff;
	v62 =	vmul.f32 v56, v55;
	v20 =	vadd.f32 v21, v20  }
0x3ff: {  	v30 =	vld [tilespmem:$0x12D0]  }
0x400: {  	v32 =	vld.idx.msk [tilespmem:v8+s9+$0x0], $0xffff;
	v31 =	vmul.f32 v59, v58;
	v20 =	vadd.f32 v62, v20  }
0x401: {  	v33 =	vld [tilespmem:$0x1310]  }
0x402: {  	v35 =	vld.idx.msk [tilespmem:v9+s9+$0x0], $0xffff;
	v34 =	vmul.f32 v61, v60;
	v20 =	vadd.f32 v31, v20  }
0x403: {  	v36 =	vld [tilespmem:$0x1350]  }
0x404: {  	v38 =	vld.idx.msk [tilespmem:v10+s9+$0x0], $0xffff;
	v37 =	vmul.f32 v30, v63;
	v20 =	vadd.f32 v34, v20  }
0x405: {  	v39 =	vld [tilespmem:$0x1390]  }
0x406: {  	v41 =	vld.idx.msk [tilespmem:v11+s9+$0x0], $0xffff;
	v40 =	vmul.f32 v33, v32;
	v20 =	vadd.f32 v37, v20  }
0x407: {  	v42 =	vld [tilespmem:$0x13D0]  }
0x408: {  	v44 =	vld.idx.msk [tilespmem:v12+s9+$0x0], $0xffff;
	v43 =	vmul.f32 v36, v35;
	v20 =	vadd.f32 v40, v20  }
0x409: {  	v45 =	vld [tilespmem:$0x1410]  }
0x40a: {  	v47 =	vld.idx.msk [tilespmem:v13+s9+$0x0], $0xffff;
	v46 =	vmul.f32 v39, v38;
	v20 =	vadd.f32 v43, v20  }
0x40b: {  	v48 =	vld [tilespmem:$0x1450]  }
0x40c: {  	v49 =	vmul.f32 v42, v41;
	v50 =	vld.idx.msk [tilespmem:v14+s9+$0x0], $0xffff;
	v20 =	vadd.f32 v46, v20  }
0x40d: {  	v51 =	vld [tilespmem:$0x1490]  }
0x40e: {  	v52 =	vmul.f32 v45, v44;
	v53 =	vld.idx.msk [tilespmem:v15+s9+$0x0], $0xffff;
	v20 =	vadd.f32 v49, v20  }
0x40f: {  	v54 =	vld [tilespmem:$0x14D0]  }
0x410: {  	v56 =	vld.idx.msk [tilespmem:v16+s9+$0x0], $0xffff;
	v55 =	vmul.f32 v48, v47;
	v20 =	vadd.f32 v52, v20  }
0x411: {  	v57 =	vld [tilespmem:$0x1510]  }
0x412: {  	v59 =	vld.idx.msk [tilespmem:v17+s9+$0x0], $0xffff;
	v58 =	vmul.f32 v51, v50;
	v20 =	vadd.f32 v55, v20  }
0x413: {  	v60 =	vld [tilespmem:$0x1550]  }
0x414: {  	v63 =	vld [tilespmem:$0x1590];
	v61 =	vmul.f32 v54, v53;
	v20 =	vadd.f32 v58, v20  }
0x415: {  	v62 =	vld.idx.msk [tilespmem:v18+s9+$0x0], $0xffff  }
0x416: {  	v32 =	vld [tilespmem:$0x15D0];
	v30 =	vmul.f32 v57, v56;
	v20 =	vadd.f32 v61, v20  }
0x417: {  	v31 =	vld.idx.msk [tilespmem:v19+s9+$0x0], $0xffff  }
0x418: {  	v33 =	vmul.f32 v60, v59;
	v20 =	vadd.f32 v30, v20;
	_ =	sdelay $0x1  }
0x419: {  	v34 =	vmul.f32 v63, v62;
	v20 =	vadd.f32 v33, v20;
	_ =	sdelay $0x1  }
0x41a: {  	v35 =	vmul.f32 v32, v31;
	v20 =	vadd.f32 v34, v20;
	_ =	sdelay $0x1  }
0x41b: {  	v20 =	vadd.f32 v35, v20;
	_ =	sdelay $0x1  }
0x41c: {  	[tilespmem:s29+$0x10] =	vst v20  }
0x41d: {  	v20 =	vld.idx.msk [tilespmem:v0+s9+$0x0], $0xffff  }
0x41e: {  	v36 =	vld [tilespmem:$0x1120]  }
0x41f: {  	v37 =	vld.idx.msk [tilespmem:v3+s9+$0x0], $0xffff  }
0x420: {  	v38 =	vld [tilespmem:$0x1160]  }
0x421: {  	v39 =	vld.idx.msk [tilespmem:v6+s9+$0x0], $0xffff  }
0x422: {  	v40 =	vld [tilespmem:$0x11A0]  }
0x423: {  	v41 =	vld.idx.msk [tilespmem:v7+s9+$0x0], $0xffff;
	v20 =	vmul.f32 v36, v20  }
0x424: {  	v42 =	vld [tilespmem:$0x11E0]  }
0x425: {  	v43 =	vld.idx.msk [tilespmem:v4+s9+$0x0], $0xffff;
	v22 =	vmul.f32 v38, v37;
	v20 =	vadd.f32 $0.0e+00, v20  }
0x426: {  	v44 =	vld [tilespmem:$0x1220]  }
0x427: {  	v46 =	vld.idx.msk [tilespmem:v1+s9+$0x0], $0xffff;
	v45 =	vmul.f32 v40, v39;
	v20 =	vadd.f32 v22, v20  }
0x428: {  	v47 =	vld [tilespmem:$0x1260]  }
0x429: {  	v48 =	vld.idx.msk [tilespmem:v2+s9+$0x0], $0xffff;
	v21 =	vmul.f32 v42, v41;
	v20 =	vadd.f32 v45, v20  }
0x42a: {  	v49 =	vld [tilespmem:$0x12A0]  }
0x42b: {  	v51 =	vld.idx.msk [tilespmem:v5+s9+$0x0], $0xffff;
	v50 =	vmul.f32 v44, v43;
	v20 =	vadd.f32 v21, v20  }
0x42c: {  	v52 =	vld [tilespmem:$0x12E0]  }
0x42d: {  	v54 =	vld.idx.msk [tilespmem:v8+s9+$0x0], $0xffff;
	v53 =	vmul.f32 v47, v46;
	v20 =	vadd.f32 v50, v20  }
0x42e: {  	v55 =	vld [tilespmem:$0x1320]  }
0x42f: {  	v57 =	vld.idx.msk [tilespmem:v9+s9+$0x0], $0xffff;
	v56 =	vmul.f32 v49, v48;
	v20 =	vadd.f32 v53, v20  }
0x430: {  	v58 =	vld [tilespmem:$0x1360]  }
0x431: {  	v60 =	vld.idx.msk [tilespmem:v10+s9+$0x0], $0xffff;
	v59 =	vmul.f32 v52, v51;
	v20 =	vadd.f32 v56, v20  }
0x432: {  	v61 =	vld [tilespmem:$0x13A0]  }
0x433: {  	v63 =	vld.idx.msk [tilespmem:v11+s9+$0x0], $0xffff;
	v62 =	vmul.f32 v55, v54;
	v20 =	vadd.f32 v59, v20  }
0x434: {  	v30 =	vld [tilespmem:$0x13E0]  }
0x435: {  	v32 =	vld.idx.msk [tilespmem:v12+s9+$0x0], $0xffff;
	v31 =	vmul.f32 v58, v57;
	v20 =	vadd.f32 v62, v20  }
0x436: {  	v33 =	vld [tilespmem:$0x1420]  }
0x437: {  	v35 =	vld.idx.msk [tilespmem:v13+s9+$0x0], $0xffff;
	v34 =	vmul.f32 v61, v60;
	v20 =	vadd.f32 v31, v20  }
0x438: {  	v36 =	vld [tilespmem:$0x1460]  }
0x439: {  	v37 =	vmul.f32 v30, v63;
	v38 =	vld.idx.msk [tilespmem:v14+s9+$0x0], $0xffff;
	v20 =	vadd.f32 v34, v20  }
0x43a: {  	v39 =	vld [tilespmem:$0x14A0]  }
0x43b: {  	v40 =	vmul.f32 v33, v32;
	v41 =	vld.idx.msk [tilespmem:v15+s9+$0x0], $0xffff;
	v20 =	vadd.f32 v37, v20  }
0x43c: {  	v42 =	vld [tilespmem:$0x14E0]  }
0x43d: {  	v44 =	vld.idx.msk [tilespmem:v16+s9+$0x0], $0xffff;
	v43 =	vmul.f32 v36, v35;
	v20 =	vadd.f32 v40, v20  }
0x43e: {  	v45 =	vld [tilespmem:$0x1520]  }
0x43f: {  	v47 =	vld.idx.msk [tilespmem:v17+s9+$0x0], $0xffff;
	v46 =	vmul.f32 v39, v38;
	v20 =	vadd.f32 v43, v20  }
0x440: {  	v48 =	vld [tilespmem:$0x1560]  }
0x441: {  	v51 =	vld [tilespmem:$0x15A0];
	v49 =	vmul.f32 v42, v41;
	v20 =	vadd.f32 v46, v20  }
0x442: {  	v50 =	vld.idx.msk [tilespmem:v18+s9+$0x0], $0xffff  }
0x443: {  	v54 =	vld [tilespmem:$0x15E0];
	v52 =	vmul.f32 v45, v44;
	v20 =	vadd.f32 v49, v20  }
0x444: {  	v53 =	vld.idx.msk [tilespmem:v19+s9+$0x0], $0xffff  }
0x445: {  	v55 =	vmul.f32 v48, v47;
	v20 =	vadd.f32 v52, v20;
	_ =	sdelay $0x1  }
0x446: {  	v56 =	vmul.f32 v51, v50;
	v20 =	vadd.f32 v55, v20;
	_ =	sdelay $0x1  }
0x447: {  	v57 =	vmul.f32 v54, v53;
	v20 =	vadd.f32 v56, v20;
	_ =	sdelay $0x1  }
0x448: {  	v20 =	vadd.f32 v57, v20;
	_ =	sdelay $0x1  }
0x449: {  	[tilespmem:s29+$0x20] =	vst v20  }
0x44a: {  	v0 =	vld.idx.msk [tilespmem:v0+s9+$0x0], $0xffff  }
0x44b: {  	v20 =	vld [tilespmem:$0x1130]  }
0x44c: {  	v3 =	vld.idx.msk [tilespmem:v3+s9+$0x0], $0xffff  }
0x44d: {  	v58 =	vld [tilespmem:$0x1170]  }
0x44e: {  	v6 =	vld.idx.msk [tilespmem:v6+s9+$0x0], $0xffff  }
0x44f: {  	v59 =	vld [tilespmem:$0x11B0]  }
0x450: {  	v7 =	vld.idx.msk [tilespmem:v7+s9+$0x0], $0xffff;
	v0 =	vmul.f32 v20, v0  }
0x451: {  	v60 =	vld [tilespmem:$0x11F0]  }
0x452: {  	v4 =	vld.idx.msk [tilespmem:v4+s9+$0x0], $0xffff;
	v3 =	vmul.f32 v58, v3;
	v0 =	vadd.f32 $0.0e+00, v0  }
0x453: {  	v61 =	vld [tilespmem:$0x1230]  }
0x454: {  	v1 =	vld.idx.msk [tilespmem:v1+s9+$0x0], $0xffff;
	v62 =	vmul.f32 v59, v6;
	v0 =	vadd.f32 v3, v0  }
0x455: {  	v63 =	vld [tilespmem:$0x1270]  }
0x456: {  	v2 =	vld.idx.msk [tilespmem:v2+s9+$0x0], $0xffff;
	v20 =	vmul.f32 v60, v7;
	v0 =	vadd.f32 v62, v0  }
0x457: {  	v22 =	vld [tilespmem:$0x12B0]  }
0x458: {  	v24 =	vld.idx.msk [tilespmem:v5+s9+$0x0], $0xffff;
	v23 =	vmul.f32 v61, v4;
	v0 =	vadd.f32 v20, v0  }
0x459: {  	v25 =	vld [tilespmem:$0x12F0]  }
0x45a: {  	v26 =	vld.idx.msk [tilespmem:v8+s9+$0x0], $0xffff;
	v1 =	vmul.f32 v63, v1;
	v0 =	vadd.f32 v23, v0  }
0x45b: {  	v27 =	vld [tilespmem:$0x1330]  }
0x45c: {  	v29 =	vld.idx.msk [tilespmem:v9+s9+$0x0], $0xffff;
	v28 =	vmul.f32 v22, v2;
	v0 =	vadd.f32 v1, v0  }
0x45d: {  	v30 =	vld [tilespmem:$0x1370]  }
0x45e: {  	v32 =	vld.idx.msk [tilespmem:v10+s9+$0x0], $0xffff;
	v31 =	vmul.f32 v25, v24;
	v0 =	vadd.f32 v28, v0  }
0x45f: {  	v33 =	vld [tilespmem:$0x13B0]  }
0x460: {  	v35 =	vld.idx.msk [tilespmem:v11+s9+$0x0], $0xffff;
	v34 =	vmul.f32 v27, v26;
	v0 =	vadd.f32 v31, v0  }
0x461: {  	v36 =	vld [tilespmem:$0x13F0]  }
0x462: {  	v38 =	vld.idx.msk [tilespmem:v12+s9+$0x0], $0xffff;
	v37 =	vmul.f32 v30, v29;
	v0 =	vadd.f32 v34, v0  }
0x463: {  	v39 =	vld [tilespmem:$0x1430]  }
0x464: {  	v41 =	vld.idx.msk [tilespmem:v13+s9+$0x0], $0xffff;
	v40 =	vmul.f32 v33, v32;
	v0 =	vadd.f32 v37, v0  }
0x465: {  	v42 =	vld [tilespmem:$0x1470]  }
0x466: {  	v44 =	vld.idx.msk [tilespmem:v14+s9+$0x0], $0xffff;
	v43 =	vmul.f32 v36, v35;
	v0 =	vadd.f32 v40, v0  }
0x467: {  	v45 =	vld [tilespmem:$0x14B0]  }
0x468: {  	v47 =	vld.idx.msk [tilespmem:v15+s9+$0x0], $0xffff;
	v46 =	vmul.f32 v39, v38;
	v0 =	vadd.f32 v43, v0  }
0x469: {  	v48 =	vld [tilespmem:$0x14F0]  }
0x46a: {  	v50 =	vld.idx.msk [tilespmem:v16+s9+$0x0], $0xffff;
	v49 =	vmul.f32 v42, v41;
	v0 =	vadd.f32 v46, v0  }
0x46b: {  	v51 =	vld [tilespmem:$0x1530]  }
0x46c: {  	v53 =	vld.idx.msk [tilespmem:v17+s9+$0x0], $0xffff;
	v52 =	vmul.f32 v45, v44;
	v0 =	vadd.f32 v49, v0  }
0x46d: {  	v54 =	vld [tilespmem:$0x1570]  }
0x46e: {  	v56 =	vld.idx.msk [tilespmem:v18+s9+$0x0], $0xffff;
	v55 =	vmul.f32 v48, v47;
	v0 =	vadd.f32 v52, v0  }
0x46f: {  	v57 =	vld [tilespmem:$0x15B0]  }
0x470: {  	v58 =	vmul.f32 v51, v50;
	v59 =	vld.idx.msk [tilespmem:v19+s9+$0x0], $0xffff;
	v0 =	vadd.f32 v55, v0  }
0x471: {  	v60 =	vld [tilespmem:$0x15F0]  }
0x472: {  	v61 =	vmul.f32 v54, v53;
	v0 =	vadd.f32 v58, v0;
	_ =	sdelay $0x1  }
0x473: {  	v62 =	vmul.f32 v57, v56;
	v0 =	vadd.f32 v61, v0;
	_ =	sdelay $0x1  }
0x474: {  	v63 =	vmul.f32 v60, v59;
	v0 =	vadd.f32 v62, v0;
	_ =	sdelay $0x1  }
0x475: {  	v0 =	vadd.f32 v63, v0;
	_ =	sdelay $0x1  }
0x476: {  	[tilespmem:s29+$0x30] =	vst v0  }
0x477: {  	s16 =	sadd.s32 $0x1, s16;
	_ =	swait.ge [sflag:s13], $0x500  }
0x478: {  	p0 =	sne.s32 s16, s7;
	[sflag:s13] =	ssyncset.done $0x0  }
.Ltmp1:
0x479: {  	[sflag:s13] =	ssyncadd.s32 $0xFFFFFB00;
	(pc) =	sbr.rel @p0 .LBB2_1-.Ltmp1, $4  }
0x47a: {  	[hbm4b:s6+s3] =	stream.linear.scatter [tilespmem:s15], [sflag:$0x3], $0x1000, $0x38;
	[tilespmem:$0x2600] =	vst v63  }
0x47b: {  	_ =	swait.ge [sflag:s8], $0x1000  }
0x47c: {  	[sflag:s8] =	ssyncset.done $0x0  }
0x47d: {  	[sflag:s8] =	ssyncadd.s32 $0xFFFFF000  }
0x47e: {  	_ =	sfence.sel $0x180000  }
0x47f: {  	[bflag:$0x0] =	sbarrier.arrive $0xFFFF  }
0x480: {  	p0 =	sne.s32 s0, $0x0;
	_ =	strace $0x90000047  }
0x481: {  	s0 =	sadd.s32 @!p0 $0x100000, s1;
	[bflag:$0x2] =	sbarrier.arrive $0xFFFF  }
0x482: {  	[sflag:s0] =	ssyncadd.tile.s32 @!p0 $0x1;
	_ =	shalt  }
.Lfunc_end2:
_tile_overlayer_lowered:
.L_overlay_start_2:
0x483: {  	(tag) =	ssettag $0x2  }
0x484: {  	s0 =	rddreg [dreg:$0x0];
	s2 =	stileid.u32  }
0x485: {  	s1 =	rddreg [dreg:$0x1];
	p0 =	sne.s32 s2, $0x0  }
0x486: {  	s3 =	rddreg [dreg:$0x2];
	[bflag:$0x3] =	sbarrier.arrive $0xFFFF;
	s2 =	simm.s32 @!p0 $0x1C03  }
0x487: {  	[timem:s3], [sflag:s2] =	dma.local @!p0 [hbm:s0], s1  }
0x488: {  	s0 =	simm.s32 @!p0 $0x3  }
0x489: {  	_ =	swait.ge @!p0 [sflag:s0], s1  }
0x48a: {  	s1 =	ssub.s32 @!p0 $0x0, s1;
	[sflag:s0] =	ssyncset.done @!p0 $0x0  }
0x48b: {  	[sflag:s0] =	ssyncadd.s32 @!p0 s1  }
0x48c: {  	[bflag:$0x3] =	sbarrier.arrive $0xFFFF  }
0x48d: {  	_ =	shalt  }

</sc_bundles>
